<compile_context>
chip_gen: v7x
topology: tpu7x:2x2x1
jax: 0.10.2.dev20260603
libtpu: 0.0.44.dev20260713+nightly
codegen_flags: <defaults>
</compile_context>

<pallas_src>
import functools

import jax
import jax.numpy as jnp
from jax import lax
from jax.experimental import pallas as pl
from jax.experimental.pallas import tpu as pltpu
from jax.experimental.pallas import tpu_sc as plsc

_N = 10000
_E = 320000
_D = 128
_NP = 10240
_CH = 128
_WT = 88
_NCH = 81
_WG = 8
_EP = 32 * _WT * _CH
_NB = 2048
_NG = _NP // _NB

_mesh = plsc.VectorSubcoreMesh(core_axis_name="c", subcore_axis_name="s")
_params = pltpu.CompilerParams(needs_layout_passes=False)


def _z16():
    return jnp.zeros((16,), jnp.float32)


@functools.partial(
    pl.kernel,
    mesh=_mesh,
    compiler_params=_params,
    out_type=jax.ShapeDtypeStruct((2, _NP), jnp.float32),
    scratch_types=[
        pltpu.VMEM((_WT, _CH), jnp.int32),
        pltpu.VMEM((_WT, _CH), jnp.float32),
        pltpu.VMEM((640,), jnp.float32),
        pltpu.VMEM_SHARED((_NP,), jnp.float32),
    ],
)
def _deg_sc(dstm, ewm, out, dstv, ewv, zbuf, dacc):
    c = lax.axis_index("c")
    s = lax.axis_index("s")
    w = c * 16 + s
    for i in range(40):
        zbuf[pl.ds(16 * i, 16)] = _z16()
    pltpu.sync_copy(zbuf, dacc.at[pl.ds(s * 640, 640)])
    plsc.subcore_barrier()
    pltpu.sync_copy(dstm.at[w], dstv)
    pltpu.sync_copy(ewm.at[w], ewv)

    def chunk(j, carry):
        pltpu.sync_copy(ewv.at[j], dacc.at[dstv.at[j]], add=True)
        return carry

    lax.fori_loop(0, _NCH, chunk, 0)
    plsc.subcore_barrier()
    pltpu.sync_copy(dacc.at[pl.ds(s * 640, 640)], out.at[c, pl.ds(s * 640, 640)])


@functools.partial(
    pl.kernel,
    mesh=_mesh,
    compiler_params=_params,
    out_type=jax.ShapeDtypeStruct((2, _NP, _D), jnp.float32),
    scratch_types=[
        pltpu.VMEM((_WG, _CH), jnp.int32),
        pltpu.VMEM((_WG, _CH), jnp.int32),
        pltpu.VMEM((_WG, _CH), jnp.float32),
        pltpu.VMEM((_NP,), jnp.float32),
        pltpu.VMEM((_CH, _D), jnp.float32),
        pltpu.VMEM((_CH,), jnp.float32),
        pltpu.VMEM_SHARED((_NP, _D), jnp.float32),
        pltpu.SemaphoreType.DMA,
    ],
)
def _msg_sc(xw, srcm, dstm, ewm, dinv_h, out,
            srcv, dstv, ewv, dinv_v, rows, norm, acc, gsem):
    c = lax.axis_index("c")
    s = lax.axis_index("s")
    w = c * 16 + s

    def zrow(r, carry):
        for i in range(8):
            rows[r, pl.ds(16 * i, 16)] = _z16()
        return carry

    lax.fori_loop(0, _CH, zrow, 0)
    for k in range(5):
        pltpu.sync_copy(rows, acc.at[pl.ds(s * 640 + k * 128, 128)])
    plsc.subcore_barrier()

    pltpu.sync_copy(dinv_h, dinv_v)

    def group(g, carry):
        pltpu.sync_copy(srcm.at[w, pl.ds(g * _WG, _WG)], srcv)
        pltpu.sync_copy(dstm.at[w, pl.ds(g * _WG, _WG)], dstv)
        pltpu.sync_copy(ewm.at[w, pl.ds(g * _WG, _WG)], ewv)
        nb = jnp.minimum(_WG, _NCH - g * _WG)

        def chunk(j, carry1):
            for f in range(8):
                si = srcv[j, pl.ds(16 * f, 16)]
                di = dstv[j, pl.ds(16 * f, 16)]
                gs = plsc.load_gather(dinv_v, [si])
                gd = plsc.load_gather(dinv_v, [di])
                norm[pl.ds(16 * f, 16)] = gs * ewv[j, pl.ds(16 * f, 16)] * gd

            pltpu.async_copy(xw.at[srcv.at[j]], rows, gsem).wait()

            def scale(r, carry2):
                sp = plsc.load_gather(norm, [jnp.full((16,), r, jnp.int32)])
                for f in range(8):
                    rows[r, pl.ds(16 * f, 16)] = rows[r, pl.ds(16 * f, 16)] * sp
                return carry2

            lax.fori_loop(0, _CH, scale, 0)
            pltpu.sync_copy(rows, acc.at[dstv.at[j]], add=True)
            return carry1

        lax.fori_loop(0, nb, chunk, 0)
        return carry

    lax.fori_loop(0, (_NCH + _WG - 1) // _WG, group, 0)

    plsc.subcore_barrier()
    pltpu.sync_copy(acc.at[pl.ds(s * 640, 640)], out.at[c, pl.ds(s * 640, 640)])


def _mm1_body(x_ref, w_ref, o_ref):
    o_ref[...] = jnp.dot(x_ref[...], w_ref[...],
                         preferred_element_type=jnp.float32)


_mm1 = pl.pallas_call(
    _mm1_body,
    grid=(_NG,),
    in_specs=[
        pl.BlockSpec((_NB, _D), lambda i: (i, 0)),
        pl.BlockSpec((_D, _D), lambda i: (0, 0)),
    ],
    out_specs=pl.BlockSpec((_NB, _D), lambda i: (i, 0)),
    out_shape=jax.ShapeDtypeStruct((_NP, _D), jnp.float32),
)


def _dinv_body(dp_ref, o_ref):
    deg = dp_ref[0:1, :] + dp_ref[1:2, :]
    o_ref[...] = jnp.where(deg > 0, lax.rsqrt(jnp.maximum(deg, 1e-12)), 0.0)


_dinvk = pl.pallas_call(
    _dinv_body,
    out_shape=jax.ShapeDtypeStruct((1, _NP), jnp.float32),
)


def _mm2_body(p_ref, bias_ref, w_ref, o_ref):
    h = p_ref[0] + p_ref[1] + bias_ref[...]
    o_ref[...] = jnp.dot(h, w_ref[...], preferred_element_type=jnp.float32)


_mm2 = pl.pallas_call(
    _mm2_body,
    grid=(_NG,),
    in_specs=[
        pl.BlockSpec((2, _NB, _D), lambda i: (0, i, 0)),
        pl.BlockSpec((1, _D), lambda i: (0, 0)),
        pl.BlockSpec((_D, _D), lambda i: (0, 0)),
    ],
    out_specs=pl.BlockSpec((_NB, _D), lambda i: (i, 0)),
    out_shape=jax.ShapeDtypeStruct((_NP, _D), jnp.float32),
)


def _fin_body(q_ref, bias_ref, o_ref):
    o_ref[...] = q_ref[0] + q_ref[1] + bias_ref[...]


_fin = pl.pallas_call(
    _fin_body,
    grid=(_NG,),
    in_specs=[
        pl.BlockSpec((2, _NB, _D), lambda i: (0, i, 0)),
        pl.BlockSpec((1, _D), lambda i: (0, 0)),
    ],
    out_specs=pl.BlockSpec((_NB, _D), lambda i: (i, 0)),
    out_shape=jax.ShapeDtypeStruct((_NP, _D), jnp.float32),
)


def kernel(x, edge_index, edge_attr, y, W1, b1, W2, b2):
    del y
    src = edge_index[0]
    dst = edge_index[1]
    ew = edge_attr[:, 2]
    loop = jnp.arange(_N, dtype=src.dtype)
    padn = _EP - (_E + _N)
    padidx = jnp.arange(padn, dtype=src.dtype) % _N

    def worker_view(flat):
        return flat.reshape(_WT, 32, _CH).transpose(1, 0, 2)

    src2 = worker_view(jnp.concatenate([src, loop, padidx]))
    dst2 = worker_view(jnp.concatenate([dst, loop, padidx]))
    ew2 = worker_view(jnp.concatenate([ew, jnp.ones((_N,), x.dtype),
                                       jnp.zeros((padn,), x.dtype)]))

    x_p = jnp.pad(x, ((0, _NP - _N), (0, 0)))

    xw1 = _mm1(x_p, W1)
    degp = _deg_sc(dst2, ew2)
    dinv = _dinvk(degp).reshape(_NP)

    p = _msg_sc(xw1, src2, dst2, ew2, dinv)
    xw2 = _mm2(p, b1.reshape(1, _D), W2)
    q = _msg_sc(xw2, src2, dst2, ew2, dinv)
    out_p = _fin(q, b2.reshape(1, _D))
    return out_p[:_N]

# --- scband reference (transcript-rebuilt; emitter-appended) ---
"""Pipeline reference for scband-gcndecoder-28432683500206 (READ-ONLY COPY).

The authoritative reference and input builder live on the scoring server;
editing this copy changes nothing except your own understanding.
"""

import jax, jax.numpy as jnp
import numpy as np

N = 10000
E = 320000
D = 128


def _gcn_conv(x, src, dst, ew, W, b):
    n = x.shape[0]
    xw = x @ W
    loop = jnp.arange(n, dtype=src.dtype)
    src2 = jnp.concatenate([src, loop])
    dst2 = jnp.concatenate([dst, loop])
    ew2 = jnp.concatenate([ew, jnp.ones((n,), x.dtype)])
    deg = jax.ops.segment_sum(ew2, dst2, num_segments=n)
    dinv = jnp.where(deg > 0, jax.lax.rsqrt(jnp.maximum(deg, 1e-12)), 0.0)
    norm = dinv[src2] * ew2 * dinv[dst2]
    msg = xw[src2] * norm[:, None]
    out = jax.ops.segment_sum(msg, dst2, num_segments=n)
    return out + b


def setup_inputs(seed: int = 0) -> dict:
    key = jax.random.key(seed)
    ks = jax.random.split(key, 8)
    x = jax.random.normal(ks[0], (N, D), dtype=jnp.float32)
    edge_index = jax.random.randint(ks[1], (2, E), 0, N, dtype=jnp.int32)
    edge_attr = jax.random.uniform(ks[2], (E, 4), dtype=jnp.float32)
    y = jax.random.randint(ks[3], (N,), 0, 2, dtype=jnp.int32)
    s1 = 1.0 / np.sqrt(D)
    W1 = jax.random.normal(ks[4], (D, D), dtype=jnp.float32) * s1
    b1 = jnp.zeros((D,), dtype=jnp.float32)
    W2 = jax.random.normal(ks[5], (D, D), dtype=jnp.float32) * s1
    b2 = jnp.zeros((D,), dtype=jnp.float32)
    return {"x": x, "edge_index": edge_index, "edge_attr": edge_attr, "y": y,
            "W1": W1, "b1": b1, "W2": W2, "b2": b2}


def reference(x, edge_index, edge_attr, y, W1, b1, W2, b2):
    # GCNDecoder.forward: edge_weight = edge_attr[:, 2]; two GCNConv layers
    # (hidden layer 128->128, recon layer 128->128); used_DSBN=False so no
    # norm/relu is applied between layers; dropout is identity in eval mode.
    ew = edge_attr[:, 2]
    src = edge_index[0]
    dst = edge_index[1]
    h = _gcn_conv(x, src, dst, ew, W1, b1)
    x_recon = _gcn_conv(h, src, dst, ew, W2, b2)
    return x_recon

if __name__ == "__main__":
    import jax
    _d = setup_inputs()
    print(jax.jit(kernel)(*tuple(_d.values())))

</pallas_src>

<mosaic_0001>
#map = affine_map<(d0, d1) -> (0, 0)>
#map1 = affine_map<(d0, d1) -> (0, 0, 0)>
#map2 = affine_map<(d0, d1) -> (0)>
module attributes {stable_mosaic.version = 14 : i64} {
  func.func @_msg_sc(%arg0: i32, %arg1: i32, %arg2: memref<10240x128xf32, #tpu.memory_space<hbm>>, %arg3: memref<32x88x128xi32, #tpu.memory_space<hbm>>, %arg4: memref<32x88x128xi32, #tpu.memory_space<hbm>>, %arg5: memref<32x88x128xf32, #tpu.memory_space<hbm>>, %arg6: memref<10240xf32, #tpu.memory_space<hbm>>, %arg7: memref<2x10240x128xf32, #tpu.memory_space<hbm>>, %arg8: memref<8x128xi32, #tpu.memory_space<vmem>>, %arg9: memref<8x128xi32, #tpu.memory_space<vmem>>, %arg10: memref<8x128xf32, #tpu.memory_space<vmem>>, %arg11: memref<10240xf32, #tpu.memory_space<vmem>>, %arg12: memref<128x128xf32, #tpu.memory_space<vmem>>, %arg13: memref<128xf32, #tpu.memory_space<vmem>>, %arg14: memref<10240x128xf32, #tpu.memory_space<vmem_shared>>, %arg15: memref<!tpu.dma_semaphore, #tpu.memory_space<semaphore_mem>>) attributes {dimension_semantics = [#tpu.dimension_semantics<core_parallel>, #tpu.dimension_semantics<subcore_parallel>], iteration_bounds = array<i64: 2, 16>, scalar_prefetch = 0 : i64, scratch_operands = 8 : i64, tpu.core_type = #tpu.core_type<sc_vector_subcore>, window_params = [{transform_indices = #map}, {transform_indices = #map1}, {transform_indices = #map1}, {transform_indices = #map1}, {transform_indices = #map2}, {transform_indices = #map1}]} {
    %mul3A = arith.constant 16 : i32
    %mul3A_0 = arith.muli %arg0, %mul3A : i32
    %add3A = arith.addi %mul3A_0, %arg1 : i32
    %scan3A = arith.constant 0 : i32
    %scan3A_1 = arith.constant 0 : i32
    %scan3A_2 = arith.constant 128 : i32
    %scan3A_3 = arith.addi %scan3A_1, %scan3A_2 : i32
    %scan3A_4 = arith.constant 1 : i32
    scf.for %scan3A_37 = %scan3A_1 to %scan3A_3 step %scan3A_4  : i32 {
      %broadcast_in_dim3A = arith.constant 0.000000e+00 : f32
      %broadcast_in_dim3A_38 = vector.broadcast %broadcast_in_dim3A : f32 to vector<16xf32>
      %swap3A = arith.index_cast %scan3A_37 : i32 to index
      %swap3A_39 = arith.constant 0 : index
      %swap3A_40 = tpu.vector_load %arg12[%swap3A, %swap3A_39] {strides = array<i32>} : memref<128x128xf32, #tpu.memory_space<vmem>>, vector<16xf32>,
      tpu.vector_store %arg12[%swap3A, %swap3A_39], %broadcast_in_dim3A_38 {strides = array<i32>} : memref<128x128xf32, #tpu.memory_space<vmem>>, vector<16xf32>,
      %broadcast_in_dim3A_41 = arith.constant 0.000000e+00 : f32
      %broadcast_in_dim3A_42 = vector.broadcast %broadcast_in_dim3A_41 : f32 to vector<16xf32>
      %swap3A_43 = arith.index_cast %scan3A_37 : i32 to index
      %swap3A_44 = arith.constant 16 : index
      %swap3A_45 = tpu.vector_load %arg12[%swap3A_43, %swap3A_44] {strides = array<i32>} : memref<128x128xf32, #tpu.memory_space<vmem>>, vector<16xf32>,
      tpu.vector_store %arg12[%swap3A_43, %swap3A_44], %broadcast_in_dim3A_42 {strides = array<i32>} : memref<128x128xf32, #tpu.memory_space<vmem>>, vector<16xf32>,
      %broadcast_in_dim3A_46 = arith.constant 0.000000e+00 : f32
      %broadcast_in_dim3A_47 = vector.broadcast %broadcast_in_dim3A_46 : f32 to vector<16xf32>
      %swap3A_48 = arith.index_cast %scan3A_37 : i32 to index
      %swap3A_49 = arith.constant 32 : index
      %swap3A_50 = tpu.vector_load %arg12[%swap3A_48, %swap3A_49] {strides = array<i32>} : memref<128x128xf32, #tpu.memory_space<vmem>>, vector<16xf32>,
      tpu.vector_store %arg12[%swap3A_48, %swap3A_49], %broadcast_in_dim3A_47 {strides = array<i32>} : memref<128x128xf32, #tpu.memory_space<vmem>>, vector<16xf32>,
      %broadcast_in_dim3A_51 = arith.constant 0.000000e+00 : f32
      %broadcast_in_dim3A_52 = vector.broadcast %broadcast_in_dim3A_51 : f32 to vector<16xf32>
      %swap3A_53 = arith.index_cast %scan3A_37 : i32 to index
      %swap3A_54 = arith.constant 48 : index
      %swap3A_55 = tpu.vector_load %arg12[%swap3A_53, %swap3A_54] {strides = array<i32>} : memref<128x128xf32, #tpu.memory_space<vmem>>, vector<16xf32>,
      tpu.vector_store %arg12[%swap3A_53, %swap3A_54], %broadcast_in_dim3A_52 {strides = array<i32>} : memref<128x128xf32, #tpu.memory_space<vmem>>, vector<16xf32>,
      %broadcast_in_dim3A_56 = arith.constant 0.000000e+00 : f32
      %broadcast_in_dim3A_57 = vector.broadcast %broadcast_in_dim3A_56 : f32 to vector<16xf32>
      %swap3A_58 = arith.index_cast %scan3A_37 : i32 to index
      %swap3A_59 = arith.constant 64 : index
      %swap3A_60 = tpu.vector_load %arg12[%swap3A_58, %swap3A_59] {strides = array<i32>} : memref<128x128xf32, #tpu.memory_space<vmem>>, vector<16xf32>,
      tpu.vector_store %arg12[%swap3A_58, %swap3A_59], %broadcast_in_dim3A_57 {strides = array<i32>} : memref<128x128xf32, #tpu.memory_space<vmem>>, vector<16xf32>,
      %broadcast_in_dim3A_61 = arith.constant 0.000000e+00 : f32
      %broadcast_in_dim3A_62 = vector.broadcast %broadcast_in_dim3A_61 : f32 to vector<16xf32>
      %swap3A_63 = arith.index_cast %scan3A_37 : i32 to index
      %swap3A_64 = arith.constant 80 : index
      %swap3A_65 = tpu.vector_load %arg12[%swap3A_63, %swap3A_64] {strides = array<i32>} : memref<128x128xf32, #tpu.memory_space<vmem>>, vector<16xf32>,
      tpu.vector_store %arg12[%swap3A_63, %swap3A_64], %broadcast_in_dim3A_62 {strides = array<i32>} : memref<128x128xf32, #tpu.memory_space<vmem>>, vector<16xf32>,
      %broadcast_in_dim3A_66 = arith.constant 0.000000e+00 : f32
      %broadcast_in_dim3A_67 = vector.broadcast %broadcast_in_dim3A_66 : f32 to vector<16xf32>
      %swap3A_68 = arith.index_cast %scan3A_37 : i32 to index
      %swap3A_69 = arith.constant 96 : index
      %swap3A_70 = tpu.vector_load %arg12[%swap3A_68, %swap3A_69] {strides = array<i32>} : memref<128x128xf32, #tpu.memory_space<vmem>>, vector<16xf32>,
      tpu.vector_store %arg12[%swap3A_68, %swap3A_69], %broadcast_in_dim3A_67 {strides = array<i32>} : memref<128x128xf32, #tpu.memory_space<vmem>>, vector<16xf32>,
      %broadcast_in_dim3A_71 = arith.constant 0.000000e+00 : f32
      %broadcast_in_dim3A_72 = vector.broadcast %broadcast_in_dim3A_71 : f32 to vector<16xf32>
      %swap3A_73 = arith.index_cast %scan3A_37 : i32 to index
      %swap3A_74 = arith.constant 112 : index
      %swap3A_75 = tpu.vector_load %arg12[%swap3A_73, %swap3A_74] {strides = array<i32>} : memref<128x128xf32, #tpu.memory_space<vmem>>, vector<16xf32>,
      tpu.vector_store %arg12[%swap3A_73, %swap3A_74], %broadcast_in_dim3A_72 {strides = array<i32>} : memref<128x128xf32, #tpu.memory_space<vmem>>, vector<16xf32>,
    }
    %scan3A_5 = arith.constant 128 : i32
    %mul3A_6 = arith.constant 640 : i32
    %mul3A_7 = arith.muli %arg1, %mul3A_6 : i32
    %add3A_8 = arith.constant 0 : i32
    %add3A_9 = arith.addi %mul3A_7, %add3A_8 : i32
    "tpu.region"() ({
      %run_scoped3A = tpu.sem_alloc : memref<!tpu.dma_semaphore, #tpu.memory_space<semaphore_mem>>
      %dma_start3A = arith.constant 0 : i32
      %dma_start3A_37 = tpu.memref_slice %arg14[%add3A_9, %dma_start3A] : memref<10240x128xf32, #tpu.memory_space<vmem_shared>> -> memref<128x128xf32, #tpu.memory_space<vmem_shared>>
      %dma_start3A_38 = arith.constant 0 : i32
      %dma_start3A_39 = tpu.memref_slice %arg14[%add3A_9, %dma_start3A_38] : memref<10240x128xf32, #tpu.memory_space<vmem_shared>> -> memref<128x128xf32, #tpu.memory_space<vmem_shared>>
      tpu.enqueue_dma source(%arg12 : memref<128x128xf32, #tpu.memory_space<vmem>>) target(%dma_start3A_39 : memref<128x128xf32, #tpu.memory_space<vmem_shared>>) target_semaphore(%run_scoped3A : memref<!tpu.dma_semaphore, #tpu.memory_space<semaphore_mem>>)
      %dma_wait3A = arith.constant 0 : i32
      %dma_wait3A_40 = tpu.memref_slice %arg14[%add3A_9, %dma_wait3A] : memref<10240x128xf32, #tpu.memory_space<vmem_shared>> -> memref<128x128xf32, #tpu.memory_space<vmem_shared>>
      %dma_wait3A_41 = arith.constant 0 : i32
      %dma_wait3A_42 = tpu.memref_slice %arg14[%add3A_9, %dma_wait3A_41] : memref<10240x128xf32, #tpu.memory_space<vmem_shared>> -> memref<128x128xf32, #tpu.memory_space<vmem_shared>>
      tpu.wait_dma2 semaphore(%run_scoped3A : memref<!tpu.dma_semaphore, #tpu.memory_space<semaphore_mem>>) src(%arg12 : memref<128x128xf32, #tpu.memory_space<vmem>>) dst(%dma_wait3A_42 : memref<128x128xf32, #tpu.memory_space<vmem_shared>>)
      tpu.yield
    }) : () -> ()
    %mul3A_10 = arith.constant 640 : i32
    %mul3A_11 = arith.muli %arg1, %mul3A_10 : i32
    %add3A_12 = arith.constant 128 : i32
    %add3A_13 = arith.addi %mul3A_11, %add3A_12 : i32
    "tpu.region"() ({
      %run_scoped3A = tpu.sem_alloc : memref<!tpu.dma_semaphore, #tpu.memory_space<semaphore_mem>>
      %dma_start3A = arith.constant 0 : i32
      %dma_start3A_37 = tpu.memref_slice %arg14[%add3A_13, %dma_start3A] : memref<10240x128xf32, #tpu.memory_space<vmem_shared>> -> memref<128x128xf32, #tpu.memory_space<vmem_shared>>
      %dma_start3A_38 = arith.constant 0 : i32
      %dma_start3A_39 = tpu.memref_slice %arg14[%add3A_13, %dma_start3A_38] : memref<10240x128xf32, #tpu.memory_space<vmem_shared>> -> memref<128x128xf32, #tpu.memory_space<vmem_shared>>
      tpu.enqueue_dma source(%arg12 : memref<128x128xf32, #tpu.memory_space<vmem>>) target(%dma_start3A_39 : memref<128x128xf32, #tpu.memory_space<vmem_shared>>) target_semaphore(%run_scoped3A : memref<!tpu.dma_semaphore, #tpu.memory_space<semaphore_mem>>)
      %dma_wait3A = arith.constant 0 : i32
      %dma_wait3A_40 = tpu.memref_slice %arg14[%add3A_13, %dma_wait3A] : memref<10240x128xf32, #tpu.memory_space<vmem_shared>> -> memref<128x128xf32, #tpu.memory_space<vmem_shared>>
      %dma_wait3A_41 = arith.constant 0 : i32
      %dma_wait3A_42 = tpu.memref_slice %arg14[%add3A_13, %dma_wait3A_41] : memref<10240x128xf32, #tpu.memory_space<vmem_shared>> -> memref<128x128xf32, #tpu.memory_space<vmem_shared>>
      tpu.wait_dma2 semaphore(%run_scoped3A : memref<!tpu.dma_semaphore, #tpu.memory_space<semaphore_mem>>) src(%arg12 : memref<128x128xf32, #tpu.memory_space<vmem>>) dst(%dma_wait3A_42 : memref<128x128xf32, #tpu.memory_space<vmem_shared>>)
      tpu.yield
    }) : () -> ()
    %mul3A_14 = arith.constant 640 : i32
    %mul3A_15 = arith.muli %arg1, %mul3A_14 : i32
    %add3A_16 = arith.constant 256 : i32
    %add3A_17 = arith.addi %mul3A_15, %add3A_16 : i32
    "tpu.region"() ({
      %run_scoped3A = tpu.sem_alloc : memref<!tpu.dma_semaphore, #tpu.memory_space<semaphore_mem>>
      %dma_start3A = arith.constant 0 : i32
      %dma_start3A_37 = tpu.memref_slice %arg14[%add3A_17, %dma_start3A] : memref<10240x128xf32, #tpu.memory_space<vmem_shared>> -> memref<128x128xf32, #tpu.memory_space<vmem_shared>>
      %dma_start3A_38 = arith.constant 0 : i32
      %dma_start3A_39 = tpu.memref_slice %arg14[%add3A_17, %dma_start3A_38] : memref<10240x128xf32, #tpu.memory_space<vmem_shared>> -> memref<128x128xf32, #tpu.memory_space<vmem_shared>>
      tpu.enqueue_dma source(%arg12 : memref<128x128xf32, #tpu.memory_space<vmem>>) target(%dma_start3A_39 : memref<128x128xf32, #tpu.memory_space<vmem_shared>>) target_semaphore(%run_scoped3A : memref<!tpu.dma_semaphore, #tpu.memory_space<semaphore_mem>>)
      %dma_wait3A = arith.constant 0 : i32
      %dma_wait3A_40 = tpu.memref_slice %arg14[%add3A_17, %dma_wait3A] : memref<10240x128xf32, #tpu.memory_space<vmem_shared>> -> memref<128x128xf32, #tpu.memory_space<vmem_shared>>
      %dma_wait3A_41 = arith.constant 0 : i32
      %dma_wait3A_42 = tpu.memref_slice %arg14[%add3A_17, %dma_wait3A_41] : memref<10240x128xf32, #tpu.memory_space<vmem_shared>> -> memref<128x128xf32, #tpu.memory_space<vmem_shared>>
      tpu.wait_dma2 semaphore(%run_scoped3A : memref<!tpu.dma_semaphore, #tpu.memory_space<semaphore_mem>>) src(%arg12 : memref<128x128xf32, #tpu.memory_space<vmem>>) dst(%dma_wait3A_42 : memref<128x128xf32, #tpu.memory_space<vmem_shared>>)
      tpu.yield
    }) : () -> ()
    %mul3A_18 = arith.constant 640 : i32
    %mul3A_19 = arith.muli %arg1, %mul3A_18 : i32
    %add3A_20 = arith.constant 384 : i32
    %add3A_21 = arith.addi %mul3A_19, %add3A_20 : i32
    "tpu.region"() ({
      %run_scoped3A = tpu.sem_alloc : memref<!tpu.dma_semaphore, #tpu.memory_space<semaphore_mem>>
      %dma_start3A = arith.constant 0 : i32
      %dma_start3A_37 = tpu.memref_slice %arg14[%add3A_21, %dma_start3A] : memref<10240x128xf32, #tpu.memory_space<vmem_shared>> -> memref<128x128xf32, #tpu.memory_space<vmem_shared>>
      %dma_start3A_38 = arith.constant 0 : i32
      %dma_start3A_39 = tpu.memref_slice %arg14[%add3A_21, %dma_start3A_38] : memref<10240x128xf32, #tpu.memory_space<vmem_shared>> -> memref<128x128xf32, #tpu.memory_space<vmem_shared>>
      tpu.enqueue_dma source(%arg12 : memref<128x128xf32, #tpu.memory_space<vmem>>) target(%dma_start3A_39 : memref<128x128xf32, #tpu.memory_space<vmem_shared>>) target_semaphore(%run_scoped3A : memref<!tpu.dma_semaphore, #tpu.memory_space<semaphore_mem>>)
      %dma_wait3A = arith.constant 0 : i32
      %dma_wait3A_40 = tpu.memref_slice %arg14[%add3A_21, %dma_wait3A] : memref<10240x128xf32, #tpu.memory_space<vmem_shared>> -> memref<128x128xf32, #tpu.memory_space<vmem_shared>>
      %dma_wait3A_41 = arith.constant 0 : i32
      %dma_wait3A_42 = tpu.memref_slice %arg14[%add3A_21, %dma_wait3A_41] : memref<10240x128xf32, #tpu.memory_space<vmem_shared>> -> memref<128x128xf32, #tpu.memory_space<vmem_shared>>
      tpu.wait_dma2 semaphore(%run_scoped3A : memref<!tpu.dma_semaphore, #tpu.memory_space<semaphore_mem>>) src(%arg12 : memref<128x128xf32, #tpu.memory_space<vmem>>) dst(%dma_wait3A_42 : memref<128x128xf32, #tpu.memory_space<vmem_shared>>)
      tpu.yield
    }) : () -> ()
    %mul3A_22 = arith.constant 640 : i32
    %mul3A_23 = arith.muli %arg1, %mul3A_22 : i32
    %add3A_24 = arith.constant 512 : i32
    %add3A_25 = arith.addi %mul3A_23, %add3A_24 : i32
    "tpu.region"() ({
      %run_scoped3A = tpu.sem_alloc : memref<!tpu.dma_semaphore, #tpu.memory_space<semaphore_mem>>
      %dma_start3A = arith.constant 0 : i32
      %dma_start3A_37 = tpu.memref_slice %arg14[%add3A_25, %dma_start3A] : memref<10240x128xf32, #tpu.memory_space<vmem_shared>> -> memref<128x128xf32, #tpu.memory_space<vmem_shared>>
      %dma_start3A_38 = arith.constant 0 : i32
      %dma_start3A_39 = tpu.memref_slice %arg14[%add3A_25, %dma_start3A_38] : memref<10240x128xf32, #tpu.memory_space<vmem_shared>> -> memref<128x128xf32, #tpu.memory_space<vmem_shared>>
      tpu.enqueue_dma source(%arg12 : memref<128x128xf32, #tpu.memory_space<vmem>>) target(%dma_start3A_39 : memref<128x128xf32, #tpu.memory_space<vmem_shared>>) target_semaphore(%run_scoped3A : memref<!tpu.dma_semaphore, #tpu.memory_space<semaphore_mem>>)
      %dma_wait3A = arith.constant 0 : i32
      %dma_wait3A_40 = tpu.memref_slice %arg14[%add3A_25, %dma_wait3A] : memref<10240x128xf32, #tpu.memory_space<vmem_shared>> -> memref<128x128xf32, #tpu.memory_space<vmem_shared>>
      %dma_wait3A_41 = arith.constant 0 : i32
      %dma_wait3A_42 = tpu.memref_slice %arg14[%add3A_25, %dma_wait3A_41] : memref<10240x128xf32, #tpu.memory_space<vmem_shared>> -> memref<128x128xf32, #tpu.memory_space<vmem_shared>>
      tpu.wait_dma2 semaphore(%run_scoped3A : memref<!tpu.dma_semaphore, #tpu.memory_space<semaphore_mem>>) src(%arg12 : memref<128x128xf32, #tpu.memory_space<vmem>>) dst(%dma_wait3A_42 : memref<128x128xf32, #tpu.memory_space<vmem_shared>>)
      tpu.yield
    }) : () -> ()
    %barrier3A = arith.constant 0 : index
    tpu.barrier barrier_id(%barrier3A)
    "tpu.region"() ({
      %run_scoped3A = tpu.sem_alloc : memref<!tpu.dma_semaphore, #tpu.memory_space<semaphore_mem>>
      tpu.enqueue_dma source(%arg6 : memref<10240xf32, #tpu.memory_space<hbm>>) target(%arg11 : memref<10240xf32, #tpu.memory_space<vmem>>) target_semaphore(%run_scoped3A : memref<!tpu.dma_semaphore, #tpu.memory_space<semaphore_mem>>)
      tpu.wait_dma2 semaphore(%run_scoped3A : memref<!tpu.dma_semaphore, #tpu.memory_space<semaphore_mem>>) src(%arg6 : memref<10240xf32, #tpu.memory_space<hbm>>) dst(%arg11 : memref<10240xf32, #tpu.memory_space<vmem>>)
      tpu.yield
    }) : () -> ()
    %scan3A_26 = arith.constant 0 : i32
    %scan3A_27 = arith.constant 0 : i32
    %scan3A_28 = arith.constant 11 : i32
    %scan3A_29 = arith.addi %scan3A_27, %scan3A_28 : i32
    %scan3A_30 = arith.constant 1 : i32
    scf.for %scan3A_37 = %scan3A_27 to %scan3A_29 step %scan3A_30  : i32 {
      %mul3A_38 = arith.constant 8 : i32
      %mul3A_39 = arith.muli %scan3A_37, %mul3A_38 : i32
      "tpu.region"() ({
        %run_scoped3A = tpu.sem_alloc : memref<!tpu.dma_semaphore, #tpu.memory_space<semaphore_mem>>
        %dma_start3A = arith.constant 0 : i32
        %dma_start3A_57 = tpu.memref_slice %arg3[%add3A, %mul3A_39, %dma_start3A] : memref<32x88x128xi32, #tpu.memory_space<hbm>> -> memref<1x8x128xi32, #tpu.memory_space<hbm>>
        %dma_start3A_58 = tpu.memref_squeeze %dma_start3A_57 : memref<1x8x128xi32, #tpu.memory_space<hbm>> -> memref<8x128xi32, #tpu.memory_space<hbm>>
        %dma_start3A_59 = arith.constant 0 : i32
        %dma_start3A_60 = tpu.memref_slice %arg3[%add3A, %mul3A_39, %dma_start3A_59] : memref<32x88x128xi32, #tpu.memory_space<hbm>> -> memref<1x8x128xi32, #tpu.memory_space<hbm>>
        %dma_start3A_61 = tpu.memref_squeeze %dma_start3A_60 : memref<1x8x128xi32, #tpu.memory_space<hbm>> -> memref<8x128xi32, #tpu.memory_space<hbm>>
        tpu.enqueue_dma source(%dma_start3A_61 : memref<8x128xi32, #tpu.memory_space<hbm>>) target(%arg8 : memref<8x128xi32, #tpu.memory_space<vmem>>) target_semaphore(%run_scoped3A : memref<!tpu.dma_semaphore, #tpu.memory_space<semaphore_mem>>)
        %dma_wait3A = arith.constant 0 : i32
        %dma_wait3A_62 = tpu.memref_slice %arg3[%add3A, %mul3A_39, %dma_wait3A] : memref<32x88x128xi32, #tpu.memory_space<hbm>> -> memref<1x8x128xi32, #tpu.memory_space<hbm>>
        %dma_wait3A_63 = tpu.memref_squeeze %dma_wait3A_62 : memref<1x8x128xi32, #tpu.memory_space<hbm>> -> memref<8x128xi32, #tpu.memory_space<hbm>>
        %dma_wait3A_64 = arith.constant 0 : i32
        %dma_wait3A_65 = tpu.memref_slice %arg3[%add3A, %mul3A_39, %dma_wait3A_64] : memref<32x88x128xi32, #tpu.memory_space<hbm>> -> memref<1x8x128xi32, #tpu.memory_space<hbm>>
        %dma_wait3A_66 = tpu.memref_squeeze %dma_wait3A_65 : memref<1x8x128xi32, #tpu.memory_space<hbm>> -> memref<8x128xi32, #tpu.memory_space<hbm>>
        tpu.wait_dma2 semaphore(%run_scoped3A : memref<!tpu.dma_semaphore, #tpu.memory_space<semaphore_mem>>) src(%dma_wait3A_66 : memref<8x128xi32, #tpu.memory_space<hbm>>) dst(%arg8 : memref<8x128xi32, #tpu.memory_space<vmem>>)
        tpu.yield
      }) : () -> ()
      %mul3A_40 = arith.constant 8 : i32
      %mul3A_41 = arith.muli %scan3A_37, %mul3A_40 : i32
      "tpu.region"() ({
        %run_scoped3A = tpu.sem_alloc : memref<!tpu.dma_semaphore, #tpu.memory_space<semaphore_mem>>
        %dma_start3A = arith.constant 0 : i32
        %dma_start3A_57 = tpu.memref_slice %arg4[%add3A, %mul3A_41, %dma_start3A] : memref<32x88x128xi32, #tpu.memory_space<hbm>> -> memref<1x8x128xi32, #tpu.memory_space<hbm>>
        %dma_start3A_58 = tpu.memref_squeeze %dma_start3A_57 : memref<1x8x128xi32, #tpu.memory_space<hbm>> -> memref<8x128xi32, #tpu.memory_space<hbm>>
        %dma_start3A_59 = arith.constant 0 : i32
        %dma_start3A_60 = tpu.memref_slice %arg4[%add3A, %mul3A_41, %dma_start3A_59] : memref<32x88x128xi32, #tpu.memory_space<hbm>> -> memref<1x8x128xi32, #tpu.memory_space<hbm>>
        %dma_start3A_61 = tpu.memref_squeeze %dma_start3A_60 : memref<1x8x128xi32, #tpu.memory_space<hbm>> -> memref<8x128xi32, #tpu.memory_space<hbm>>
        tpu.enqueue_dma source(%dma_start3A_61 : memref<8x128xi32, #tpu.memory_space<hbm>>) target(%arg9 : memref<8x128xi32, #tpu.memory_space<vmem>>) target_semaphore(%run_scoped3A : memref<!tpu.dma_semaphore, #tpu.memory_space<semaphore_mem>>)
        %dma_wait3A = arith.constant 0 : i32
        %dma_wait3A_62 = tpu.memref_slice %arg4[%add3A, %mul3A_41, %dma_wait3A] : memref<32x88x128xi32, #tpu.memory_space<hbm>> -> memref<1x8x128xi32, #tpu.memory_space<hbm>>
        %dma_wait3A_63 = tpu.memref_squeeze %dma_wait3A_62 : memref<1x8x128xi32, #tpu.memory_space<hbm>> -> memref<8x128xi32, #tpu.memory_space<hbm>>
        %dma_wait3A_64 = arith.constant 0 : i32
        %dma_wait3A_65 = tpu.memref_slice %arg4[%add3A, %mul3A_41, %dma_wait3A_64] : memref<32x88x128xi32, #tpu.memory_space<hbm>> -> memref<1x8x128xi32, #tpu.memory_space<hbm>>
        %dma_wait3A_66 = tpu.memref_squeeze %dma_wait3A_65 : memref<1x8x128xi32, #tpu.memory_space<hbm>> -> memref<8x128xi32, #tpu.memory_space<hbm>>
        tpu.wait_dma2 semaphore(%run_scoped3A : memref<!tpu.dma_semaphore, #tpu.memory_space<semaphore_mem>>) src(%dma_wait3A_66 : memref<8x128xi32, #tpu.memory_space<hbm>>) dst(%arg9 : memref<8x128xi32, #tpu.memory_space<vmem>>)
        tpu.yield
      }) : () -> ()
      %mul3A_42 = arith.constant 8 : i32
      %mul3A_43 = arith.muli %scan3A_37, %mul3A_42 : i32
      "tpu.region"() ({
        %run_scoped3A = tpu.sem_alloc : memref<!tpu.dma_semaphore, #tpu.memory_space<semaphore_mem>>
        %dma_start3A = arith.constant 0 : i32
        %dma_start3A_57 = tpu.memref_slice %arg5[%add3A, %mul3A_43, %dma_start3A] : memref<32x88x128xf32, #tpu.memory_space<hbm>> -> memref<1x8x128xf32, #tpu.memory_space<hbm>>
        %dma_start3A_58 = tpu.memref_squeeze %dma_start3A_57 : memref<1x8x128xf32, #tpu.memory_space<hbm>> -> memref<8x128xf32, #tpu.memory_space<hbm>>
        %dma_start3A_59 = arith.constant 0 : i32
        %dma_start3A_60 = tpu.memref_slice %arg5[%add3A, %mul3A_43, %dma_start3A_59] : memref<32x88x128xf32, #tpu.memory_space<hbm>> -> memref<1x8x128xf32, #tpu.memory_space<hbm>>
        %dma_start3A_61 = tpu.memref_squeeze %dma_start3A_60 : memref<1x8x128xf32, #tpu.memory_space<hbm>> -> memref<8x128xf32, #tpu.memory_space<hbm>>
        tpu.enqueue_dma source(%dma_start3A_61 : memref<8x128xf32, #tpu.memory_space<hbm>>) target(%arg10 : memref<8x128xf32, #tpu.memory_space<vmem>>) target_semaphore(%run_scoped3A : memref<!tpu.dma_semaphore, #tpu.memory_space<semaphore_mem>>)
        %dma_wait3A = arith.constant 0 : i32
        %dma_wait3A_62 = tpu.memref_slice %arg5[%add3A, %mul3A_43, %dma_wait3A] : memref<32x88x128xf32, #tpu.memory_space<hbm>> -> memref<1x8x128xf32, #tpu.memory_space<hbm>>
        %dma_wait3A_63 = tpu.memref_squeeze %dma_wait3A_62 : memref<1x8x128xf32, #tpu.memory_space<hbm>> -> memref<8x128xf32, #tpu.memory_space<hbm>>
        %dma_wait3A_64 = arith.constant 0 : i32
        %dma_wait3A_65 = tpu.memref_slice %arg5[%add3A, %mul3A_43, %dma_wait3A_64] : memref<32x88x128xf32, #tpu.memory_space<hbm>> -> memref<1x8x128xf32, #tpu.memory_space<hbm>>
        %dma_wait3A_66 = tpu.memref_squeeze %dma_wait3A_65 : memref<1x8x128xf32, #tpu.memory_space<hbm>> -> memref<8x128xf32, #tpu.memory_space<hbm>>
        tpu.wait_dma2 semaphore(%run_scoped3A : memref<!tpu.dma_semaphore, #tpu.memory_space<semaphore_mem>>) src(%dma_wait3A_66 : memref<8x128xf32, #tpu.memory_space<hbm>>) dst(%arg10 : memref<8x128xf32, #tpu.memory_space<vmem>>)
        tpu.yield
      }) : () -> ()
      %mul3A_44 = arith.constant 8 : i32
      %mul3A_45 = arith.muli %scan3A_37, %mul3A_44 : i32
      %sub3A = arith.constant 81 : i32
      %sub3A_46 = arith.subi %sub3A, %mul3A_45 : i32
      %min3A = arith.constant 8 : i32
      %min3A_47 = arith.minsi %min3A, %sub3A_46 : i32
      %while3A = arith.constant 0 : i32
      %while3A_48 = arith.constant 0 : i32
      %while3A_49 = arith.subi %min3A_47, %while3A_48 : i32
      %while3A_50 = arith.addi %while3A_48, %while3A_49 : i32
      %while3A_51 = arith.constant 1 : i32
      %while3A_52 = arith.divsi %while3A_49, %while3A_51 : i32
      %while3A_53 = arith.muli %while3A_52, %while3A_51 : i32
      %while3A_54 = arith.addi %while3A_48, %while3A_53 : i32
      %while3A_55 = arith.constant 1 : i32
      scf.for %while3A_57 = %while3A_48 to %while3A_54 step %while3A_55  : i32 {
        %get3A = arith.index_cast %while3A_57 : i32 to index
        %get3A_58 = arith.constant 0 : index
        %get3A_59 = tpu.vector_load %arg8[%get3A, %get3A_58] {strides = array<i32>} : memref<8x128xi32, #tpu.memory_space<vmem>>, vector<16xi32>,
        %get3A_60 = arith.index_cast %while3A_57 : i32 to index
        %get3A_61 = arith.constant 0 : index
        %get3A_62 = tpu.vector_load %arg9[%get3A_60, %get3A_61] {strides = array<i32>} : memref<8x128xi32, #tpu.memory_space<vmem>>, vector<16xi32>,
        %gather3A = tpu.vector_load_idx %arg11[%get3A_59] : memref<10240xf32, #tpu.memory_space<vmem>>[vector<16xi32>], vector<16xf32>,
        %gather3A_63 = tpu.vector_load_idx %arg11[%get3A_62] : memref<10240xf32, #tpu.memory_space<vmem>>[vector<16xi32>], vector<16xf32>,
        %get3A_64 = arith.index_cast %while3A_57 : i32 to index
        %get3A_65 = arith.constant 0 : index
        %get3A_66 = tpu.vector_load %arg10[%get3A_64, %get3A_65] {strides = array<i32>} : memref<8x128xf32, #tpu.memory_space<vmem>>, vector<16xf32>,
        %mul3A_67 = arith.mulf %gather3A, %get3A_66 : vector<16xf32>
        %mul3A_68 = arith.mulf %mul3A_67, %gather3A_63 : vector<16xf32>
        %swap3A = arith.constant 0 : index
        %swap3A_69 = tpu.vector_load %arg13[%swap3A] {strides = array<i32>} : memref<128xf32, #tpu.memory_space<vmem>>, vector<16xf32>,
        tpu.vector_store %arg13[%swap3A], %mul3A_68 {strides = array<i32>} : memref<128xf32, #tpu.memory_space<vmem>>, vector<16xf32>,
        %get3A_70 = arith.index_cast %while3A_57 : i32 to index
        %get3A_71 = arith.constant 16 : index
        %get3A_72 = tpu.vector_load %arg8[%get3A_70, %get3A_71] {strides = array<i32>} : memref<8x128xi32, #tpu.memory_space<vmem>>, vector<16xi32>,
        %get3A_73 = arith.index_cast %while3A_57 : i32 to index
        %get3A_74 = arith.constant 16 : index
        %get3A_75 = tpu.vector_load %arg9[%get3A_73, %get3A_74] {strides = array<i32>} : memref<8x128xi32, #tpu.memory_space<vmem>>, vector<16xi32>,
        %gather3A_76 = tpu.vector_load_idx %arg11[%get3A_72] : memref<10240xf32, #tpu.memory_space<vmem>>[vector<16xi32>], vector<16xf32>,
        %gather3A_77 = tpu.vector_load_idx %arg11[%get3A_75] : memref<10240xf32, #tpu.memory_space<vmem>>[vector<16xi32>], vector<16xf32>,
        %get3A_78 = arith.index_cast %while3A_57 : i32 to index
        %get3A_79 = arith.constant 16 : index
        %get3A_80 = tpu.vector_load %arg10[%get3A_78, %get3A_79] {strides = array<i32>} : memref<8x128xf32, #tpu.memory_space<vmem>>, vector<16xf32>,
        %mul3A_81 = arith.mulf %gather3A_76, %get3A_80 : vector<16xf32>
        %mul3A_82 = arith.mulf %mul3A_81, %gather3A_77 : vector<16xf32>
        %swap3A_83 = arith.constant 16 : index
        %swap3A_84 = tpu.vector_load %arg13[%swap3A_83] {strides = array<i32>} : memref<128xf32, #tpu.memory_space<vmem>>, vector<16xf32>,
        tpu.vector_store %arg13[%swap3A_83], %mul3A_82 {strides = array<i32>} : memref<128xf32, #tpu.memory_space<vmem>>, vector<16xf32>,
        %get3A_85 = arith.index_cast %while3A_57 : i32 to index
        %get3A_86 = arith.constant 32 : index
        %get3A_87 = tpu.vector_load %arg8[%get3A_85, %get3A_86] {strides = array<i32>} : memref<8x128xi32, #tpu.memory_space<vmem>>, vector<16xi32>,
        %get3A_88 = arith.index_cast %while3A_57 : i32 to index
        %get3A_89 = arith.constant 32 : index
        %get3A_90 = tpu.vector_load %arg9[%get3A_88, %get3A_89] {strides = array<i32>} : memref<8x128xi32, #tpu.memory_space<vmem>>, vector<16xi32>,
        %gather3A_91 = tpu.vector_load_idx %arg11[%get3A_87] : memref<10240xf32, #tpu.memory_space<vmem>>[vector<16xi32>], vector<16xf32>,
        %gather3A_92 = tpu.vector_load_idx %arg11[%get3A_90] : memref<10240xf32, #tpu.memory_space<vmem>>[vector<16xi32>], vector<16xf32>,
        %get3A_93 = arith.index_cast %while3A_57 : i32 to index
        %get3A_94 = arith.constant 32 : index
        %get3A_95 = tpu.vector_load %arg10[%get3A_93, %get3A_94] {strides = array<i32>} : memref<8x128xf32, #tpu.memory_space<vmem>>, vector<16xf32>,
        %mul3A_96 = arith.mulf %gather3A_91, %get3A_95 : vector<16xf32>
        %mul3A_97 = arith.mulf %mul3A_96, %gather3A_92 : vector<16xf32>
        %swap3A_98 = arith.constant 32 : index
        %swap3A_99 = tpu.vector_load %arg13[%swap3A_98] {strides = array<i32>} : memref<128xf32, #tpu.memory_space<vmem>>, vector<16xf32>,
        tpu.vector_store %arg13[%swap3A_98], %mul3A_97 {strides = array<i32>} : memref<128xf32, #tpu.memory_space<vmem>>, vector<16xf32>,
        %get3A_100 = arith.index_cast %while3A_57 : i32 to index
        %get3A_101 = arith.constant 48 : index
        %get3A_102 = tpu.vector_load %arg8[%get3A_100, %get3A_101] {strides = array<i32>} : memref<8x128xi32, #tpu.memory_space<vmem>>, vector<16xi32>,
        %get3A_103 = arith.index_cast %while3A_57 : i32 to index
        %get3A_104 = arith.constant 48 : index
        %get3A_105 = tpu.vector_load %arg9[%get3A_103, %get3A_104] {strides = array<i32>} : memref<8x128xi32, #tpu.memory_space<vmem>>, vector<16xi32>,
        %gather3A_106 = tpu.vector_load_idx %arg11[%get3A_102] : memref<10240xf32, #tpu.memory_space<vmem>>[vector<16xi32>], vector<16xf32>,
        %gather3A_107 = tpu.vector_load_idx %arg11[%get3A_105] : memref<10240xf32, #tpu.memory_space<vmem>>[vector<16xi32>], vector<16xf32>,
        %get3A_108 = arith.index_cast %while3A_57 : i32 to index
        %get3A_109 = arith.constant 48 : index
        %get3A_110 = tpu.vector_load %arg10[%get3A_108, %get3A_109] {strides = array<i32>} : memref<8x128xf32, #tpu.memory_space<vmem>>, vector<16xf32>,
        %mul3A_111 = arith.mulf %gather3A_106, %get3A_110 : vector<16xf32>
        %mul3A_112 = arith.mulf %mul3A_111, %gather3A_107 : vector<16xf32>
        %swap3A_113 = arith.constant 48 : index
        %swap3A_114 = tpu.vector_load %arg13[%swap3A_113] {strides = array<i32>} : memref<128xf32, #tpu.memory_space<vmem>>, vector<16xf32>,
        tpu.vector_store %arg13[%swap3A_113], %mul3A_112 {strides = array<i32>} : memref<128xf32, #tpu.memory_space<vmem>>, vector<16xf32>,
        %get3A_115 = arith.index_cast %while3A_57 : i32 to index
        %get3A_116 = arith.constant 64 : index
        %get3A_117 = tpu.vector_load %arg8[%get3A_115, %get3A_116] {strides = array<i32>} : memref<8x128xi32, #tpu.memory_space<vmem>>, vector<16xi32>,
        %get3A_118 = arith.index_cast %while3A_57 : i32 to index
        %get3A_119 = arith.constant 64 : index
        %get3A_120 = tpu.vector_load %arg9[%get3A_118, %get3A_119] {strides = array<i32>} : memref<8x128xi32, #tpu.memory_space<vmem>>, vector<16xi32>,
        %gather3A_121 = tpu.vector_load_idx %arg11[%get3A_117] : memref<10240xf32, #tpu.memory_space<vmem>>[vector<16xi32>], vector<16xf32>,
        %gather3A_122 = tpu.vector_load_idx %arg11[%get3A_120] : memref<10240xf32, #tpu.memory_space<vmem>>[vector<16xi32>], vector<16xf32>,
        %get3A_123 = arith.index_cast %while3A_57 : i32 to index
        %get3A_124 = arith.constant 64 : index
        %get3A_125 = tpu.vector_load %arg10[%get3A_123, %get3A_124] {strides = array<i32>} : memref<8x128xf32, #tpu.memory_space<vmem>>, vector<16xf32>,
        %mul3A_126 = arith.mulf %gather3A_121, %get3A_125 : vector<16xf32>
        %mul3A_127 = arith.mulf %mul3A_126, %gather3A_122 : vector<16xf32>
        %swap3A_128 = arith.constant 64 : index
        %swap3A_129 = tpu.vector_load %arg13[%swap3A_128] {strides = array<i32>} : memref<128xf32, #tpu.memory_space<vmem>>, vector<16xf32>,
        tpu.vector_store %arg13[%swap3A_128], %mul3A_127 {strides = array<i32>} : memref<128xf32, #tpu.memory_space<vmem>>, vector<16xf32>,
        %get3A_130 = arith.index_cast %while3A_57 : i32 to index
        %get3A_131 = arith.constant 80 : index
        %get3A_132 = tpu.vector_load %arg8[%get3A_130, %get3A_131] {strides = array<i32>} : memref<8x128xi32, #tpu.memory_space<vmem>>, vector<16xi32>,
        %get3A_133 = arith.index_cast %while3A_57 : i32 to index
        %get3A_134 = arith.constant 80 : index
        %get3A_135 = tpu.vector_load %arg9[%get3A_133, %get3A_134] {strides = array<i32>} : memref<8x128xi32, #tpu.memory_space<vmem>>, vector<16xi32>,
        %gather3A_136 = tpu.vector_load_idx %arg11[%get3A_132] : memref<10240xf32, #tpu.memory_space<vmem>>[vector<16xi32>], vector<16xf32>,
        %gather3A_137 = tpu.vector_load_idx %arg11[%get3A_135] : memref<10240xf32, #tpu.memory_space<vmem>>[vector<16xi32>], vector<16xf32>,
        %get3A_138 = arith.index_cast %while3A_57 : i32 to index
        %get3A_139 = arith.constant 80 : index
        %get3A_140 = tpu.vector_load %arg10[%get3A_138, %get3A_139] {strides = array<i32>} : memref<8x128xf32, #tpu.memory_space<vmem>>, vector<16xf32>,
        %mul3A_141 = arith.mulf %gather3A_136, %get3A_140 : vector<16xf32>
        %mul3A_142 = arith.mulf %mul3A_141, %gather3A_137 : vector<16xf32>
        %swap3A_143 = arith.constant 80 : index
        %swap3A_144 = tpu.vector_load %arg13[%swap3A_143] {strides = array<i32>} : memref<128xf32, #tpu.memory_space<vmem>>, vector<16xf32>,
        tpu.vector_store %arg13[%swap3A_143], %mul3A_142 {strides = array<i32>} : memref<128xf32, #tpu.memory_space<vmem>>, vector<16xf32>,
        %get3A_145 = arith.index_cast %while3A_57 : i32 to index
        %get3A_146 = arith.constant 96 : index
        %get3A_147 = tpu.vector_load %arg8[%get3A_145, %get3A_146] {strides = array<i32>} : memref<8x128xi32, #tpu.memory_space<vmem>>, vector<16xi32>,
        %get3A_148 = arith.index_cast %while3A_57 : i32 to index
        %get3A_149 = arith.constant 96 : index
        %get3A_150 = tpu.vector_load %arg9[%get3A_148, %get3A_149] {strides = array<i32>} : memref<8x128xi32, #tpu.memory_space<vmem>>, vector<16xi32>,
        %gather3A_151 = tpu.vector_load_idx %arg11[%get3A_147] : memref<10240xf32, #tpu.memory_space<vmem>>[vector<16xi32>], vector<16xf32>,
        %gather3A_152 = tpu.vector_load_idx %arg11[%get3A_150] : memref<10240xf32, #tpu.memory_space<vmem>>[vector<16xi32>], vector<16xf32>,
        %get3A_153 = arith.index_cast %while3A_57 : i32 to index
        %get3A_154 = arith.constant 96 : index
        %get3A_155 = tpu.vector_load %arg10[%get3A_153, %get3A_154] {strides = array<i32>} : memref<8x128xf32, #tpu.memory_space<vmem>>, vector<16xf32>,
        %mul3A_156 = arith.mulf %gather3A_151, %get3A_155 : vector<16xf32>
        %mul3A_157 = arith.mulf %mul3A_156, %gather3A_152 : vector<16xf32>
        %swap3A_158 = arith.constant 96 : index
        %swap3A_159 = tpu.vector_load %arg13[%swap3A_158] {strides = array<i32>} : memref<128xf32, #tpu.memory_space<vmem>>, vector<16xf32>,
        tpu.vector_store %arg13[%swap3A_158], %mul3A_157 {strides = array<i32>} : memref<128xf32, #tpu.memory_space<vmem>>, vector<16xf32>,
        %get3A_160 = arith.index_cast %while3A_57 : i32 to index
        %get3A_161 = arith.constant 112 : index
        %get3A_162 = tpu.vector_load %arg8[%get3A_160, %get3A_161] {strides = array<i32>} : memref<8x128xi32, #tpu.memory_space<vmem>>, vector<16xi32>,
        %get3A_163 = arith.index_cast %while3A_57 : i32 to index
        %get3A_164 = arith.constant 112 : index
        %get3A_165 = tpu.vector_load %arg9[%get3A_163, %get3A_164] {strides = array<i32>} : memref<8x128xi32, #tpu.memory_space<vmem>>, vector<16xi32>,
        %gather3A_166 = tpu.vector_load_idx %arg11[%get3A_162] : memref<10240xf32, #tpu.memory_space<vmem>>[vector<16xi32>], vector<16xf32>,
        %gather3A_167 = tpu.vector_load_idx %arg11[%get3A_165] : memref<10240xf32, #tpu.memory_space<vmem>>[vector<16xi32>], vector<16xf32>,
        %get3A_168 = arith.index_cast %while3A_57 : i32 to index
        %get3A_169 = arith.constant 112 : index
        %get3A_170 = tpu.vector_load %arg10[%get3A_168, %get3A_169] {strides = array<i32>} : memref<8x128xf32, #tpu.memory_space<vmem>>, vector<16xf32>,
        %mul3A_171 = arith.mulf %gather3A_166, %get3A_170 : vector<16xf32>
        %mul3A_172 = arith.mulf %mul3A_171, %gather3A_167 : vector<16xf32>
        %swap3A_173 = arith.constant 112 : index
        %swap3A_174 = tpu.vector_load %arg13[%swap3A_173] {strides = array<i32>} : memref<128xf32, #tpu.memory_space<vmem>>, vector<16xf32>,
        tpu.vector_store %arg13[%swap3A_173], %mul3A_172 {strides = array<i32>} : memref<128xf32, #tpu.memory_space<vmem>>, vector<16xf32>,
        %dma_start3A = arith.constant 0 : i32
        %dma_start3A_175 = tpu.memref_slice %arg8[%while3A_57, %dma_start3A] : memref<8x128xi32, #tpu.memory_space<vmem>> -> memref<1x128xi32, #tpu.memory_space<vmem>>
        %dma_start3A_176 = tpu.memref_squeeze %dma_start3A_175 : memref<1x128xi32, #tpu.memory_space<vmem>> -> memref<128xi32, #tpu.memory_space<vmem>>
        %dma_start3A_177 = arith.constant 0 : i32
        %dma_start3A_178 = arith.constant 0 : i32
        %dma_start3A_179 = tpu.memref_slice %arg2[%dma_start3A_177, %dma_start3A_178] : memref<10240x128xf32, #tpu.memory_space<hbm>> -> memref<10240x128xf32, #tpu.memory_space<hbm>>
        tpu.enqueue_indirect_dma source(%dma_start3A_179 : memref<10240x128xf32, #tpu.memory_space<hbm>>) target(%arg12 : memref<128x128xf32, #tpu.memory_space<vmem>>) offsets(%dma_start3A_176 : memref<128xi32, #tpu.memory_space<vmem>>) semaphore(%arg15 : memref<!tpu.dma_semaphore, #tpu.memory_space<semaphore_mem>>)
        %dma_wait3A = arith.constant 0 : i32
        %dma_wait3A_180 = tpu.memref_slice %arg8[%while3A_57, %dma_wait3A] : memref<8x128xi32, #tpu.memory_space<vmem>> -> memref<1x128xi32, #tpu.memory_space<vmem>>
        %dma_wait3A_181 = tpu.memref_squeeze %dma_wait3A_180 : memref<1x128xi32, #tpu.memory_space<vmem>> -> memref<128xi32, #tpu.memory_space<vmem>>
        %dma_wait3A_182 = arith.constant 0 : i32
        %dma_wait3A_183 = arith.constant 0 : i32
        %dma_wait3A_184 = tpu.memref_slice %arg2[%dma_wait3A_182, %dma_wait3A_183] : memref<10240x128xf32, #tpu.memory_space<hbm>> -> memref<10240x128xf32, #tpu.memory_space<hbm>>
        tpu.wait_indirect_dma semaphore(%arg15 : memref<!tpu.dma_semaphore, #tpu.memory_space<semaphore_mem>>) src(%dma_wait3A_184 : memref<10240x128xf32, #tpu.memory_space<hbm>>) dst(%arg12 : memref<128x128xf32, #tpu.memory_space<vmem>>)
        %scan3A_185 = arith.constant 0 : i32
        %scan3A_186 = arith.constant 0 : i32
        %scan3A_187 = arith.constant 128 : i32
        %scan3A_188 = arith.addi %scan3A_186, %scan3A_187 : i32
        %scan3A_189 = arith.constant 1 : i32
        scf.for %scan3A_191 = %scan3A_186 to %scan3A_188 step %scan3A_189  : i32 {
          %broadcast_in_dim3A = vector.broadcast %scan3A_191 : i32 to vector<16xi32>
          %gather3A_192 = tpu.vector_load_idx %arg13[%broadcast_in_dim3A] : memref<128xf32, #tpu.memory_space<vmem>>[vector<16xi32>], vector<16xf32>,
          %get3A_193 = arith.index_cast %scan3A_191 : i32 to index
          %get3A_194 = arith.constant 0 : index
          %get3A_195 = tpu.vector_load %arg12[%get3A_193, %get3A_194] {strides = array<i32>} : memref<128x128xf32, #tpu.memory_space<vmem>>, vector<16xf32>,
          %mul3A_196 = arith.mulf %get3A_195, %gather3A_192 : vector<16xf32>
          %swap3A_197 = arith.index_cast %scan3A_191 : i32 to index
          %swap3A_198 = arith.constant 0 : index
          %swap3A_199 = tpu.vector_load %arg12[%swap3A_197, %swap3A_198] {strides = array<i32>} : memref<128x128xf32, #tpu.memory_space<vmem>>, vector<16xf32>,
          tpu.vector_store %arg12[%swap3A_197, %swap3A_198], %mul3A_196 {strides = array<i32>} : memref<128x128xf32, #tpu.memory_space<vmem>>, vector<16xf32>,
          %get3A_200 = arith.index_cast %scan3A_191 : i32 to index
          %get3A_201 = arith.constant 16 : index
          %get3A_202 = tpu.vector_load %arg12[%get3A_200, %get3A_201] {strides = array<i32>} : memref<128x128xf32, #tpu.memory_space<vmem>>, vector<16xf32>,
          %mul3A_203 = arith.mulf %get3A_202, %gather3A_192 : vector<16xf32>
          %swap3A_204 = arith.index_cast %scan3A_191 : i32 to index
          %swap3A_205 = arith.constant 16 : index
          %swap3A_206 = tpu.vector_load %arg12[%swap3A_204, %swap3A_205] {strides = array<i32>} : memref<128x128xf32, #tpu.memory_space<vmem>>, vector<16xf32>,
          tpu.vector_store %arg12[%swap3A_204, %swap3A_205], %mul3A_203 {strides = array<i32>} : memref<128x128xf32, #tpu.memory_space<vmem>>, vector<16xf32>,
          %get3A_207 = arith.index_cast %scan3A_191 : i32 to index
          %get3A_208 = arith.constant 32 : index
          %get3A_209 = tpu.vector_load %arg12[%get3A_207, %get3A_208] {strides = array<i32>} : memref<128x128xf32, #tpu.memory_space<vmem>>, vector<16xf32>,
          %mul3A_210 = arith.mulf %get3A_209, %gather3A_192 : vector<16xf32>
          %swap3A_211 = arith.index_cast %scan3A_191 : i32 to index
          %swap3A_212 = arith.constant 32 : index
          %swap3A_213 = tpu.vector_load %arg12[%swap3A_211, %swap3A_212] {strides = array<i32>} : memref<128x128xf32, #tpu.memory_space<vmem>>, vector<16xf32>,
          tpu.vector_store %arg12[%swap3A_211, %swap3A_212], %mul3A_210 {strides = array<i32>} : memref<128x128xf32, #tpu.memory_space<vmem>>, vector<16xf32>,
          %get3A_214 = arith.index_cast %scan3A_191 : i32 to index
          %get3A_215 = arith.constant 48 : index
          %get3A_216 = tpu.vector_load %arg12[%get3A_214, %get3A_215] {strides = array<i32>} : memref<128x128xf32, #tpu.memory_space<vmem>>, vector<16xf32>,
          %mul3A_217 = arith.mulf %get3A_216, %gather3A_192 : vector<16xf32>
          %swap3A_218 = arith.index_cast %scan3A_191 : i32 to index
          %swap3A_219 = arith.constant 48 : index
          %swap3A_220 = tpu.vector_load %arg12[%swap3A_218, %swap3A_219] {strides = array<i32>} : memref<128x128xf32, #tpu.memory_space<vmem>>, vector<16xf32>,
          tpu.vector_store %arg12[%swap3A_218, %swap3A_219], %mul3A_217 {strides = array<i32>} : memref<128x128xf32, #tpu.memory_space<vmem>>, vector<16xf32>,
          %get3A_221 = arith.index_cast %scan3A_191 : i32 to index
          %get3A_222 = arith.constant 64 : index
          %get3A_223 = tpu.vector_load %arg12[%get3A_221, %get3A_222] {strides = array<i32>} : memref<128x128xf32, #tpu.memory_space<vmem>>, vector<16xf32>,
          %mul3A_224 = arith.mulf %get3A_223, %gather3A_192 : vector<16xf32>
          %swap3A_225 = arith.index_cast %scan3A_191 : i32 to index
          %swap3A_226 = arith.constant 64 : index
          %swap3A_227 = tpu.vector_load %arg12[%swap3A_225, %swap3A_226] {strides = array<i32>} : memref<128x128xf32, #tpu.memory_space<vmem>>, vector<16xf32>,
          tpu.vector_store %arg12[%swap3A_225, %swap3A_226], %mul3A_224 {strides = array<i32>} : memref<128x128xf32, #tpu.memory_space<vmem>>, vector<16xf32>,
          %get3A_228 = arith.index_cast %scan3A_191 : i32 to index
          %get3A_229 = arith.constant 80 : index
          %get3A_230 = tpu.vector_load %arg12[%get3A_228, %get3A_229] {strides = array<i32>} : memref<128x128xf32, #tpu.memory_space<vmem>>, vector<16xf32>,
          %mul3A_231 = arith.mulf %get3A_230, %gather3A_192 : vector<16xf32>
          %swap3A_232 = arith.index_cast %scan3A_191 : i32 to index
          %swap3A_233 = arith.constant 80 : index
          %swap3A_234 = tpu.vector_load %arg12[%swap3A_232, %swap3A_233] {strides = array<i32>} : memref<128x128xf32, #tpu.memory_space<vmem>>, vector<16xf32>,
          tpu.vector_store %arg12[%swap3A_232, %swap3A_233], %mul3A_231 {strides = array<i32>} : memref<128x128xf32, #tpu.memory_space<vmem>>, vector<16xf32>,
          %get3A_235 = arith.index_cast %scan3A_191 : i32 to index
          %get3A_236 = arith.constant 96 : index
          %get3A_237 = tpu.vector_load %arg12[%get3A_235, %get3A_236] {strides = array<i32>} : memref<128x128xf32, #tpu.memory_space<vmem>>, vector<16xf32>,
          %mul3A_238 = arith.mulf %get3A_237, %gather3A_192 : vector<16xf32>
          %swap3A_239 = arith.index_cast %scan3A_191 : i32 to index
          %swap3A_240 = arith.constant 96 : index
          %swap3A_241 = tpu.vector_load %arg12[%swap3A_239, %swap3A_240] {strides = array<i32>} : memref<128x128xf32, #tpu.memory_space<vmem>>, vector<16xf32>,
          tpu.vector_store %arg12[%swap3A_239, %swap3A_240], %mul3A_238 {strides = array<i32>} : memref<128x128xf32, #tpu.memory_space<vmem>>, vector<16xf32>,
          %get3A_242 = arith.index_cast %scan3A_191 : i32 to index
          %get3A_243 = arith.constant 112 : index
          %get3A_244 = tpu.vector_load %arg12[%get3A_242, %get3A_243] {strides = array<i32>} : memref<128x128xf32, #tpu.memory_space<vmem>>, vector<16xf32>,
          %mul3A_245 = arith.mulf %get3A_244, %gather3A_192 : vector<16xf32>
          %swap3A_246 = arith.index_cast %scan3A_191 : i32 to index
          %swap3A_247 = arith.constant 112 : index
          %swap3A_248 = tpu.vector_load %arg12[%swap3A_246, %swap3A_247] {strides = array<i32>} : memref<128x128xf32, #tpu.memory_space<vmem>>, vector<16xf32>,
          tpu.vector_store %arg12[%swap3A_246, %swap3A_247], %mul3A_245 {strides = array<i32>} : memref<128x128xf32, #tpu.memory_space<vmem>>, vector<16xf32>,
        }
        %scan3A_190 = arith.constant 128 : i32
        "tpu.region"() ({
          %run_scoped3A = tpu.sem_alloc : memref<!tpu.dma_semaphore, #tpu.memory_space<semaphore_mem>>
          %dma_start3A_191 = arith.constant 0 : i32
          %dma_start3A_192 = tpu.memref_slice %arg9[%while3A_57, %dma_start3A_191] : memref<8x128xi32, #tpu.memory_space<vmem>> -> memref<1x128xi32, #tpu.memory_space<vmem>>
          %dma_start3A_193 = tpu.memref_squeeze %dma_start3A_192 : memref<1x128xi32, #tpu.memory_space<vmem>> -> memref<128xi32, #tpu.memory_space<vmem>>
          %dma_start3A_194 = arith.constant 0 : i32
          %dma_start3A_195 = arith.constant 0 : i32
          %dma_start3A_196 = tpu.memref_slice %arg14[%dma_start3A_194, %dma_start3A_195] : memref<10240x128xf32, #tpu.memory_space<vmem_shared>> -> memref<10240x128xf32, #tpu.memory_space<vmem_shared>>
          tpu.enqueue_indirect_dma source(%arg12 : memref<128x128xf32, #tpu.memory_space<vmem>>) target(%dma_start3A_196 : memref<10240x128xf32, #tpu.memory_space<vmem_shared>>) offsets(%dma_start3A_193 : memref<128xi32, #tpu.memory_space<vmem>>) semaphore(%run_scoped3A : memref<!tpu.dma_semaphore, #tpu.memory_space<semaphore_mem>>) {add = true}
          %dma_wait3A_197 = arith.constant 0 : i32
          %dma_wait3A_198 = tpu.memref_slice %arg9[%while3A_57, %dma_wait3A_197] : memref<8x128xi32, #tpu.memory_space<vmem>> -> memref<1x128xi32, #tpu.memory_space<vmem>>
          %dma_wait3A_199 = tpu.memref_squeeze %dma_wait3A_198 : memref<1x128xi32, #tpu.memory_space<vmem>> -> memref<128xi32, #tpu.memory_space<vmem>>
          %dma_wait3A_200 = arith.constant 0 : i32
          %dma_wait3A_201 = arith.constant 0 : i32
          %dma_wait3A_202 = tpu.memref_slice %arg14[%dma_wait3A_200, %dma_wait3A_201] : memref<10240x128xf32, #tpu.memory_space<vmem_shared>> -> memref<10240x128xf32, #tpu.memory_space<vmem_shared>>
          tpu.wait_indirect_dma semaphore(%run_scoped3A : memref<!tpu.dma_semaphore, #tpu.memory_space<semaphore_mem>>) src(%arg12 : memref<128x128xf32, #tpu.memory_space<vmem>>) dst(%dma_wait3A_202 : memref<10240x128xf32, #tpu.memory_space<vmem_shared>>)
          tpu.yield
        }) : () -> ()
      }
      %while3A_56 = arith.constant 1 : i32
      scf.for %while3A_57 = %while3A_54 to %while3A_50 step %while3A_56  : i32 {
        %get3A = arith.index_cast %while3A_57 : i32 to index
        %get3A_58 = arith.constant 0 : index
        %get3A_59 = tpu.vector_load %arg8[%get3A, %get3A_58] {strides = array<i32>} : memref<8x128xi32, #tpu.memory_space<vmem>>, vector<16xi32>,
        %get3A_60 = arith.index_cast %while3A_57 : i32 to index
        %get3A_61 = arith.constant 0 : index
        %get3A_62 = tpu.vector_load %arg9[%get3A_60, %get3A_61] {strides = array<i32>} : memref<8x128xi32, #tpu.memory_space<vmem>>, vector<16xi32>,
        %gather3A = tpu.vector_load_idx %arg11[%get3A_59] : memref<10240xf32, #tpu.memory_space<vmem>>[vector<16xi32>], vector<16xf32>,
        %gather3A_63 = tpu.vector_load_idx %arg11[%get3A_62] : memref<10240xf32, #tpu.memory_space<vmem>>[vector<16xi32>], vector<16xf32>,
        %get3A_64 = arith.index_cast %while3A_57 : i32 to index
        %get3A_65 = arith.constant 0 : index
        %get3A_66 = tpu.vector_load %arg10[%get3A_64, %get3A_65] {strides = array<i32>} : memref<8x128xf32, #tpu.memory_space<vmem>>, vector<16xf32>,
        %mul3A_67 = arith.mulf %gather3A, %get3A_66 : vector<16xf32>
        %mul3A_68 = arith.mulf %mul3A_67, %gather3A_63 : vector<16xf32>
        %swap3A = arith.constant 0 : index
        %swap3A_69 = tpu.vector_load %arg13[%swap3A] {strides = array<i32>} : memref<128xf32, #tpu.memory_space<vmem>>, vector<16xf32>,
        tpu.vector_store %arg13[%swap3A], %mul3A_68 {strides = array<i32>} : memref<128xf32, #tpu.memory_space<vmem>>, vector<16xf32>,
        %get3A_70 = arith.index_cast %while3A_57 : i32 to index
        %get3A_71 = arith.constant 16 : index
        %get3A_72 = tpu.vector_load %arg8[%get3A_70, %get3A_71] {strides = array<i32>} : memref<8x128xi32, #tpu.memory_space<vmem>>, vector<16xi32>,
        %get3A_73 = arith.index_cast %while3A_57 : i32 to index
        %get3A_74 = arith.constant 16 : index
        %get3A_75 = tpu.vector_load %arg9[%get3A_73, %get3A_74] {strides = array<i32>} : memref<8x128xi32, #tpu.memory_space<vmem>>, vector<16xi32>,
        %gather3A_76 = tpu.vector_load_idx %arg11[%get3A_72] : memref<10240xf32, #tpu.memory_space<vmem>>[vector<16xi32>], vector<16xf32>,
        %gather3A_77 = tpu.vector_load_idx %arg11[%get3A_75] : memref<10240xf32, #tpu.memory_space<vmem>>[vector<16xi32>], vector<16xf32>,
        %get3A_78 = arith.index_cast %while3A_57 : i32 to index
        %get3A_79 = arith.constant 16 : index
        %get3A_80 = tpu.vector_load %arg10[%get3A_78, %get3A_79] {strides = array<i32>} : memref<8x128xf32, #tpu.memory_space<vmem>>, vector<16xf32>,
        %mul3A_81 = arith.mulf %gather3A_76, %get3A_80 : vector<16xf32>
        %mul3A_82 = arith.mulf %mul3A_81, %gather3A_77 : vector<16xf32>
        %swap3A_83 = arith.constant 16 : index
        %swap3A_84 = tpu.vector_load %arg13[%swap3A_83] {strides = array<i32>} : memref<128xf32, #tpu.memory_space<vmem>>, vector<16xf32>,
        tpu.vector_store %arg13[%swap3A_83], %mul3A_82 {strides = array<i32>} : memref<128xf32, #tpu.memory_space<vmem>>, vector<16xf32>,
        %get3A_85 = arith.index_cast %while3A_57 : i32 to index
        %get3A_86 = arith.constant 32 : index
        %get3A_87 = tpu.vector_load %arg8[%get3A_85, %get3A_86] {strides = array<i32>} : memref<8x128xi32, #tpu.memory_space<vmem>>, vector<16xi32>,
        %get3A_88 = arith.index_cast %while3A_57 : i32 to index
        %get3A_89 = arith.constant 32 : index
        %get3A_90 = tpu.vector_load %arg9[%get3A_88, %get3A_89] {strides = array<i32>} : memref<8x128xi32, #tpu.memory_space<vmem>>, vector<16xi32>,
        %gather3A_91 = tpu.vector_load_idx %arg11[%get3A_87] : memref<10240xf32, #tpu.memory_space<vmem>>[vector<16xi32>], vector<16xf32>,
        %gather3A_92 = tpu.vector_load_idx %arg11[%get3A_90] : memref<10240xf32, #tpu.memory_space<vmem>>[vector<16xi32>], vector<16xf32>,
        %get3A_93 = arith.index_cast %while3A_57 : i32 to index
        %get3A_94 = arith.constant 32 : index
        %get3A_95 = tpu.vector_load %arg10[%get3A_93, %get3A_94] {strides = array<i32>} : memref<8x128xf32, #tpu.memory_space<vmem>>, vector<16xf32>,
        %mul3A_96 = arith.mulf %gather3A_91, %get3A_95 : vector<16xf32>
        %mul3A_97 = arith.mulf %mul3A_96, %gather3A_92 : vector<16xf32>
        %swap3A_98 = arith.constant 32 : index
        %swap3A_99 = tpu.vector_load %arg13[%swap3A_98] {strides = array<i32>} : memref<128xf32, #tpu.memory_space<vmem>>, vector<16xf32>,
        tpu.vector_store %arg13[%swap3A_98], %mul3A_97 {strides = array<i32>} : memref<128xf32, #tpu.memory_space<vmem>>, vector<16xf32>,
        %get3A_100 = arith.index_cast %while3A_57 : i32 to index
        %get3A_101 = arith.constant 48 : index
        %get3A_102 = tpu.vector_load %arg8[%get3A_100, %get3A_101] {strides = array<i32>} : memref<8x128xi32, #tpu.memory_space<vmem>>, vector<16xi32>,
        %get3A_103 = arith.index_cast %while3A_57 : i32 to index
        %get3A_104 = arith.constant 48 : index
        %get3A_105 = tpu.vector_load %arg9[%get3A_103, %get3A_104] {strides = array<i32>} : memref<8x128xi32, #tpu.memory_space<vmem>>, vector<16xi32>,
        %gather3A_106 = tpu.vector_load_idx %arg11[%get3A_102] : memref<10240xf32, #tpu.memory_space<vmem>>[vector<16xi32>], vector<16xf32>,
        %gather3A_107 = tpu.vector_load_idx %arg11[%get3A_105] : memref<10240xf32, #tpu.memory_space<vmem>>[vector<16xi32>], vector<16xf32>,
        %get3A_108 = arith.index_cast %while3A_57 : i32 to index
        %get3A_109 = arith.constant 48 : index
        %get3A_110 = tpu.vector_load %arg10[%get3A_108, %get3A_109] {strides = array<i32>} : memref<8x128xf32, #tpu.memory_space<vmem>>, vector<16xf32>,
        %mul3A_111 = arith.mulf %gather3A_106, %get3A_110 : vector<16xf32>
        %mul3A_112 = arith.mulf %mul3A_111, %gather3A_107 : vector<16xf32>
        %swap3A_113 = arith.constant 48 : index
        %swap3A_114 = tpu.vector_load %arg13[%swap3A_113] {strides = array<i32>} : memref<128xf32, #tpu.memory_space<vmem>>, vector<16xf32>,
        tpu.vector_store %arg13[%swap3A_113], %mul3A_112 {strides = array<i32>} : memref<128xf32, #tpu.memory_space<vmem>>, vector<16xf32>,
        %get3A_115 = arith.index_cast %while3A_57 : i32 to index
        %get3A_116 = arith.constant 64 : index
        %get3A_117 = tpu.vector_load %arg8[%get3A_115, %get3A_116] {strides = array<i32>} : memref<8x128xi32, #tpu.memory_space<vmem>>, vector<16xi32>,
        %get3A_118 = arith.index_cast %while3A_57 : i32 to index
        %get3A_119 = arith.constant 64 : index
        %get3A_120 = tpu.vector_load %arg9[%get3A_118, %get3A_119] {strides = array<i32>} : memref<8x128xi32, #tpu.memory_space<vmem>>, vector<16xi32>,
        %gather3A_121 = tpu.vector_load_idx %arg11[%get3A_117] : memref<10240xf32, #tpu.memory_space<vmem>>[vector<16xi32>], vector<16xf32>,
        %gather3A_122 = tpu.vector_load_idx %arg11[%get3A_120] : memref<10240xf32, #tpu.memory_space<vmem>>[vector<16xi32>], vector<16xf32>,
        %get3A_123 = arith.index_cast %while3A_57 : i32 to index
        %get3A_124 = arith.constant 64 : index
        %get3A_125 = tpu.vector_load %arg10[%get3A_123, %get3A_124] {strides = array<i32>} : memref<8x128xf32, #tpu.memory_space<vmem>>, vector<16xf32>,
        %mul3A_126 = arith.mulf %gather3A_121, %get3A_125 : vector<16xf32>
        %mul3A_127 = arith.mulf %mul3A_126, %gather3A_122 : vector<16xf32>
        %swap3A_128 = arith.constant 64 : index
        %swap3A_129 = tpu.vector_load %arg13[%swap3A_128] {strides = array<i32>} : memref<128xf32, #tpu.memory_space<vmem>>, vector<16xf32>,
        tpu.vector_store %arg13[%swap3A_128], %mul3A_127 {strides = array<i32>} : memref<128xf32, #tpu.memory_space<vmem>>, vector<16xf32>,
        %get3A_130 = arith.index_cast %while3A_57 : i32 to index
        %get3A_131 = arith.constant 80 : index
        %get3A_132 = tpu.vector_load %arg8[%get3A_130, %get3A_131] {strides = array<i32>} : memref<8x128xi32, #tpu.memory_space<vmem>>, vector<16xi32>,
        %get3A_133 = arith.index_cast %while3A_57 : i32 to index
        %get3A_134 = arith.constant 80 : index
        %get3A_135 = tpu.vector_load %arg9[%get3A_133, %get3A_134] {strides = array<i32>} : memref<8x128xi32, #tpu.memory_space<vmem>>, vector<16xi32>,
        %gather3A_136 = tpu.vector_load_idx %arg11[%get3A_132] : memref<10240xf32, #tpu.memory_space<vmem>>[vector<16xi32>], vector<16xf32>,
        %gather3A_137 = tpu.vector_load_idx %arg11[%get3A_135] : memref<10240xf32, #tpu.memory_space<vmem>>[vector<16xi32>], vector<16xf32>,
        %get3A_138 = arith.index_cast %while3A_57 : i32 to index
        %get3A_139 = arith.constant 80 : index
        %get3A_140 = tpu.vector_load %arg10[%get3A_138, %get3A_139] {strides = array<i32>} : memref<8x128xf32, #tpu.memory_space<vmem>>, vector<16xf32>,
        %mul3A_141 = arith.mulf %gather3A_136, %get3A_140 : vector<16xf32>
        %mul3A_142 = arith.mulf %mul3A_141, %gather3A_137 : vector<16xf32>
        %swap3A_143 = arith.constant 80 : index
        %swap3A_144 = tpu.vector_load %arg13[%swap3A_143] {strides = array<i32>} : memref<128xf32, #tpu.memory_space<vmem>>, vector<16xf32>,
        tpu.vector_store %arg13[%swap3A_143], %mul3A_142 {strides = array<i32>} : memref<128xf32, #tpu.memory_space<vmem>>, vector<16xf32>,
        %get3A_145 = arith.index_cast %while3A_57 : i32 to index
        %get3A_146 = arith.constant 96 : index
        %get3A_147 = tpu.vector_load %arg8[%get3A_145, %get3A_146] {strides = array<i32>} : memref<8x128xi32, #tpu.memory_space<vmem>>, vector<16xi32>,
        %get3A_148 = arith.index_cast %while3A_57 : i32 to index
        %get3A_149 = arith.constant 96 : index
        %get3A_150 = tpu.vector_load %arg9[%get3A_148, %get3A_149] {strides = array<i32>} : memref<8x128xi32, #tpu.memory_space<vmem>>, vector<16xi32>,
        %gather3A_151 = tpu.vector_load_idx %arg11[%get3A_147] : memref<10240xf32, #tpu.memory_space<vmem>>[vector<16xi32>], vector<16xf32>,
        %gather3A_152 = tpu.vector_load_idx %arg11[%get3A_150] : memref<10240xf32, #tpu.memory_space<vmem>>[vector<16xi32>], vector<16xf32>,
        %get3A_153 = arith.index_cast %while3A_57 : i32 to index
        %get3A_154 = arith.constant 96 : index
        %get3A_155 = tpu.vector_load %arg10[%get3A_153, %get3A_154] {strides = array<i32>} : memref<8x128xf32, #tpu.memory_space<vmem>>, vector<16xf32>,
        %mul3A_156 = arith.mulf %gather3A_151, %get3A_155 : vector<16xf32>
        %mul3A_157 = arith.mulf %mul3A_156, %gather3A_152 : vector<16xf32>
        %swap3A_158 = arith.constant 96 : index
        %swap3A_159 = tpu.vector_load %arg13[%swap3A_158] {strides = array<i32>} : memref<128xf32, #tpu.memory_space<vmem>>, vector<16xf32>,
        tpu.vector_store %arg13[%swap3A_158], %mul3A_157 {strides = array<i32>} : memref<128xf32, #tpu.memory_space<vmem>>, vector<16xf32>,
        %get3A_160 = arith.index_cast %while3A_57 : i32 to index
        %get3A_161 = arith.constant 112 : index
        %get3A_162 = tpu.vector_load %arg8[%get3A_160, %get3A_161] {strides = array<i32>} : memref<8x128xi32, #tpu.memory_space<vmem>>, vector<16xi32>,
        %get3A_163 = arith.index_cast %while3A_57 : i32 to index
        %get3A_164 = arith.constant 112 : index
        %get3A_165 = tpu.vector_load %arg9[%get3A_163, %get3A_164] {strides = array<i32>} : memref<8x128xi32, #tpu.memory_space<vmem>>, vector<16xi32>,
        %gather3A_166 = tpu.vector_load_idx %arg11[%get3A_162] : memref<10240xf32, #tpu.memory_space<vmem>>[vector<16xi32>], vector<16xf32>,
        %gather3A_167 = tpu.vector_load_idx %arg11[%get3A_165] : memref<10240xf32, #tpu.memory_space<vmem>>[vector<16xi32>], vector<16xf32>,
        %get3A_168 = arith.index_cast %while3A_57 : i32 to index
        %get3A_169 = arith.constant 112 : index
        %get3A_170 = tpu.vector_load %arg10[%get3A_168, %get3A_169] {strides = array<i32>} : memref<8x128xf32, #tpu.memory_space<vmem>>, vector<16xf32>,
        %mul3A_171 = arith.mulf %gather3A_166, %get3A_170 : vector<16xf32>
        %mul3A_172 = arith.mulf %mul3A_171, %gather3A_167 : vector<16xf32>
        %swap3A_173 = arith.constant 112 : index
        %swap3A_174 = tpu.vector_load %arg13[%swap3A_173] {strides = array<i32>} : memref<128xf32, #tpu.memory_space<vmem>>, vector<16xf32>,
        tpu.vector_store %arg13[%swap3A_173], %mul3A_172 {strides = array<i32>} : memref<128xf32, #tpu.memory_space<vmem>>, vector<16xf32>,
        %dma_start3A = arith.constant 0 : i32
        %dma_start3A_175 = tpu.memref_slice %arg8[%while3A_57, %dma_start3A] : memref<8x128xi32, #tpu.memory_space<vmem>> -> memref<1x128xi32, #tpu.memory_space<vmem>>
        %dma_start3A_176 = tpu.memref_squeeze %dma_start3A_175 : memref<1x128xi32, #tpu.memory_space<vmem>> -> memref<128xi32, #tpu.memory_space<vmem>>
        %dma_start3A_177 = arith.constant 0 : i32
        %dma_start3A_178 = arith.constant 0 : i32
        %dma_start3A_179 = tpu.memref_slice %arg2[%dma_start3A_177, %dma_start3A_178] : memref<10240x128xf32, #tpu.memory_space<hbm>> -> memref<10240x128xf32, #tpu.memory_space<hbm>>
        tpu.enqueue_indirect_dma source(%dma_start3A_179 : memref<10240x128xf32, #tpu.memory_space<hbm>>) target(%arg12 : memref<128x128xf32, #tpu.memory_space<vmem>>) offsets(%dma_start3A_176 : memref<128xi32, #tpu.memory_space<vmem>>) semaphore(%arg15 : memref<!tpu.dma_semaphore, #tpu.memory_space<semaphore_mem>>)
        %dma_wait3A = arith.constant 0 : i32
        %dma_wait3A_180 = tpu.memref_slice %arg8[%while3A_57, %dma_wait3A] : memref<8x128xi32, #tpu.memory_space<vmem>> -> memref<1x128xi32, #tpu.memory_space<vmem>>
        %dma_wait3A_181 = tpu.memref_squeeze %dma_wait3A_180 : memref<1x128xi32, #tpu.memory_space<vmem>> -> memref<128xi32, #tpu.memory_space<vmem>>
        %dma_wait3A_182 = arith.constant 0 : i32
        %dma_wait3A_183 = arith.constant 0 : i32
        %dma_wait3A_184 = tpu.memref_slice %arg2[%dma_wait3A_182, %dma_wait3A_183] : memref<10240x128xf32, #tpu.memory_space<hbm>> -> memref<10240x128xf32, #tpu.memory_space<hbm>>
        tpu.wait_indirect_dma semaphore(%arg15 : memref<!tpu.dma_semaphore, #tpu.memory_space<semaphore_mem>>) src(%dma_wait3A_184 : memref<10240x128xf32, #tpu.memory_space<hbm>>) dst(%arg12 : memref<128x128xf32, #tpu.memory_space<vmem>>)
        %scan3A_185 = arith.constant 0 : i32
        %scan3A_186 = arith.constant 0 : i32
        %scan3A_187 = arith.constant 128 : i32
        %scan3A_188 = arith.addi %scan3A_186, %scan3A_187 : i32
        %scan3A_189 = arith.constant 1 : i32
        scf.for %scan3A_191 = %scan3A_186 to %scan3A_188 step %scan3A_189  : i32 {
          %broadcast_in_dim3A = vector.broadcast %scan3A_191 : i32 to vector<16xi32>
          %gather3A_192 = tpu.vector_load_idx %arg13[%broadcast_in_dim3A] : memref<128xf32, #tpu.memory_space<vmem>>[vector<16xi32>], vector<16xf32>,
          %get3A_193 = arith.index_cast %scan3A_191 : i32 to index
          %get3A_194 = arith.constant 0 : index
          %get3A_195 = tpu.vector_load %arg12[%get3A_193, %get3A_194] {strides = array<i32>} : memref<128x128xf32, #tpu.memory_space<vmem>>, vector<16xf32>,
          %mul3A_196 = arith.mulf %get3A_195, %gather3A_192 : vector<16xf32>
          %swap3A_197 = arith.index_cast %scan3A_191 : i32 to index
          %swap3A_198 = arith.constant 0 : index
          %swap3A_199 = tpu.vector_load %arg12[%swap3A_197, %swap3A_198] {strides = array<i32>} : memref<128x128xf32, #tpu.memory_space<vmem>>, vector<16xf32>,
          tpu.vector_store %arg12[%swap3A_197, %swap3A_198], %mul3A_196 {strides = array<i32>} : memref<128x128xf32, #tpu.memory_space<vmem>>, vector<16xf32>,
          %get3A_200 = arith.index_cast %scan3A_191 : i32 to index
          %get3A_201 = arith.constant 16 : index
          %get3A_202 = tpu.vector_load %arg12[%get3A_200, %get3A_201] {strides = array<i32>} : memref<128x128xf32, #tpu.memory_space<vmem>>, vector<16xf32>,
          %mul3A_203 = arith.mulf %get3A_202, %gather3A_192 : vector<16xf32>
          %swap3A_204 = arith.index_cast %scan3A_191 : i32 to index
          %swap3A_205 = arith.constant 16 : index
          %swap3A_206 = tpu.vector_load %arg12[%swap3A_204, %swap3A_205] {strides = array<i32>} : memref<128x128xf32, #tpu.memory_space<vmem>>, vector<16xf32>,
          tpu.vector_store %arg12[%swap3A_204, %swap3A_205], %mul3A_203 {strides = array<i32>} : memref<128x128xf32, #tpu.memory_space<vmem>>, vector<16xf32>,
          %get3A_207 = arith.index_cast %scan3A_191 : i32 to index
          %get3A_208 = arith.constant 32 : index
          %get3A_209 = tpu.vector_load %arg12[%get3A_207, %get3A_208] {strides = array<i32>} : memref<128x128xf32, #tpu.memory_space<vmem>>, vector<16xf32>,
          %mul3A_210 = arith.mulf %get3A_209, %gather3A_192 : vector<16xf32>
          %swap3A_211 = arith.index_cast %scan3A_191 : i32 to index
          %swap3A_212 = arith.constant 32 : index
          %swap3A_213 = tpu.vector_load %arg12[%swap3A_211, %swap3A_212] {strides = array<i32>} : memref<128x128xf32, #tpu.memory_space<vmem>>, vector<16xf32>,
          tpu.vector_store %arg12[%swap3A_211, %swap3A_212], %mul3A_210 {strides = array<i32>} : memref<128x128xf32, #tpu.memory_space<vmem>>, vector<16xf32>,
          %get3A_214 = arith.index_cast %scan3A_191 : i32 to index
          %get3A_215 = arith.constant 48 : index
          %get3A_216 = tpu.vector_load %arg12[%get3A_214, %get3A_215] {strides = array<i32>} : memref<128x128xf32, #tpu.memory_space<vmem>>, vector<16xf32>,
          %mul3A_217 = arith.mulf %get3A_216, %gather3A_192 : vector<16xf32>
          %swap3A_218 = arith.index_cast %scan3A_191 : i32 to index
          %swap3A_219 = arith.constant 48 : index
          %swap3A_220 = tpu.vector_load %arg12[%swap3A_218, %swap3A_219] {strides = array<i32>} : memref<128x128xf32, #tpu.memory_space<vmem>>, vector<16xf32>,
          tpu.vector_store %arg12[%swap3A_218, %swap3A_219], %mul3A_217 {strides = array<i32>} : memref<128x128xf32, #tpu.memory_space<vmem>>, vector<16xf32>,
          %get3A_221 = arith.index_cast %scan3A_191 : i32 to index
          %get3A_222 = arith.constant 64 : index
          %get3A_223 = tpu.vector_load %arg12[%get3A_221, %get3A_222] {strides = array<i32>} : memref<128x128xf32, #tpu.memory_space<vmem>>, vector<16xf32>,
          %mul3A_224 = arith.mulf %get3A_223, %gather3A_192 : vector<16xf32>
          %swap3A_225 = arith.index_cast %scan3A_191 : i32 to index
          %swap3A_226 = arith.constant 64 : index
          %swap3A_227 = tpu.vector_load %arg12[%swap3A_225, %swap3A_226] {strides = array<i32>} : memref<128x128xf32, #tpu.memory_space<vmem>>, vector<16xf32>,
          tpu.vector_store %arg12[%swap3A_225, %swap3A_226], %mul3A_224 {strides = array<i32>} : memref<128x128xf32, #tpu.memory_space<vmem>>, vector<16xf32>,
          %get3A_228 = arith.index_cast %scan3A_191 : i32 to index
          %get3A_229 = arith.constant 80 : index
          %get3A_230 = tpu.vector_load %arg12[%get3A_228, %get3A_229] {strides = array<i32>} : memref<128x128xf32, #tpu.memory_space<vmem>>, vector<16xf32>,
          %mul3A_231 = arith.mulf %get3A_230, %gather3A_192 : vector<16xf32>
          %swap3A_232 = arith.index_cast %scan3A_191 : i32 to index
          %swap3A_233 = arith.constant 80 : index
          %swap3A_234 = tpu.vector_load %arg12[%swap3A_232, %swap3A_233] {strides = array<i32>} : memref<128x128xf32, #tpu.memory_space<vmem>>, vector<16xf32>,
          tpu.vector_store %arg12[%swap3A_232, %swap3A_233], %mul3A_231 {strides = array<i32>} : memref<128x128xf32, #tpu.memory_space<vmem>>, vector<16xf32>,
          %get3A_235 = arith.index_cast %scan3A_191 : i32 to index
          %get3A_236 = arith.constant 96 : index
          %get3A_237 = tpu.vector_load %arg12[%get3A_235, %get3A_236] {strides = array<i32>} : memref<128x128xf32, #tpu.memory_space<vmem>>, vector<16xf32>,
          %mul3A_238 = arith.mulf %get3A_237, %gather3A_192 : vector<16xf32>
          %swap3A_239 = arith.index_cast %scan3A_191 : i32 to index
          %swap3A_240 = arith.constant 96 : index
          %swap3A_241 = tpu.vector_load %arg12[%swap3A_239, %swap3A_240] {strides = array<i32>} : memref<128x128xf32, #tpu.memory_space<vmem>>, vector<16xf32>,
          tpu.vector_store %arg12[%swap3A_239, %swap3A_240], %mul3A_238 {strides = array<i32>} : memref<128x128xf32, #tpu.memory_space<vmem>>, vector<16xf32>,
          %get3A_242 = arith.index_cast %scan3A_191 : i32 to index
          %get3A_243 = arith.constant 112 : index
          %get3A_244 = tpu.vector_load %arg12[%get3A_242, %get3A_243] {strides = array<i32>} : memref<128x128xf32, #tpu.memory_space<vmem>>, vector<16xf32>,
          %mul3A_245 = arith.mulf %get3A_244, %gather3A_192 : vector<16xf32>
          %swap3A_246 = arith.index_cast %scan3A_191 : i32 to index
          %swap3A_247 = arith.constant 112 : index
          %swap3A_248 = tpu.vector_load %arg12[%swap3A_246, %swap3A_247] {strides = array<i32>} : memref<128x128xf32, #tpu.memory_space<vmem>>, vector<16xf32>,
          tpu.vector_store %arg12[%swap3A_246, %swap3A_247], %mul3A_245 {strides = array<i32>} : memref<128x128xf32, #tpu.memory_space<vmem>>, vector<16xf32>,
        }
        %scan3A_190 = arith.constant 128 : i32
        "tpu.region"() ({
          %run_scoped3A = tpu.sem_alloc : memref<!tpu.dma_semaphore, #tpu.memory_space<semaphore_mem>>
          %dma_start3A_191 = arith.constant 0 : i32
          %dma_start3A_192 = tpu.memref_slice %arg9[%while3A_57, %dma_start3A_191] : memref<8x128xi32, #tpu.memory_space<vmem>> -> memref<1x128xi32, #tpu.memory_space<vmem>>
          %dma_start3A_193 = tpu.memref_squeeze %dma_start3A_192 : memref<1x128xi32, #tpu.memory_space<vmem>> -> memref<128xi32, #tpu.memory_space<vmem>>
          %dma_start3A_194 = arith.constant 0 : i32
          %dma_start3A_195 = arith.constant 0 : i32
          %dma_start3A_196 = tpu.memref_slice %arg14[%dma_start3A_194, %dma_start3A_195] : memref<10240x128xf32, #tpu.memory_space<vmem_shared>> -> memref<10240x128xf32, #tpu.memory_space<vmem_shared>>
          tpu.enqueue_indirect_dma source(%arg12 : memref<128x128xf32, #tpu.memory_space<vmem>>) target(%dma_start3A_196 : memref<10240x128xf32, #tpu.memory_space<vmem_shared>>) offsets(%dma_start3A_193 : memref<128xi32, #tpu.memory_space<vmem>>) semaphore(%run_scoped3A : memref<!tpu.dma_semaphore, #tpu.memory_space<semaphore_mem>>) {add = true}
          %dma_wait3A_197 = arith.constant 0 : i32
          %dma_wait3A_198 = tpu.memref_slice %arg9[%while3A_57, %dma_wait3A_197] : memref<8x128xi32, #tpu.memory_space<vmem>> -> memref<1x128xi32, #tpu.memory_space<vmem>>
          %dma_wait3A_199 = tpu.memref_squeeze %dma_wait3A_198 : memref<1x128xi32, #tpu.memory_space<vmem>> -> memref<128xi32, #tpu.memory_space<vmem>>
          %dma_wait3A_200 = arith.constant 0 : i32
          %dma_wait3A_201 = arith.constant 0 : i32
          %dma_wait3A_202 = tpu.memref_slice %arg14[%dma_wait3A_200, %dma_wait3A_201] : memref<10240x128xf32, #tpu.memory_space<vmem_shared>> -> memref<10240x128xf32, #tpu.memory_space<vmem_shared>>
          tpu.wait_indirect_dma semaphore(%run_scoped3A : memref<!tpu.dma_semaphore, #tpu.memory_space<semaphore_mem>>) src(%arg12 : memref<128x128xf32, #tpu.memory_space<vmem>>) dst(%dma_wait3A_202 : memref<10240x128xf32, #tpu.memory_space<vmem_shared>>)
          tpu.yield
        }) : () -> ()
      }
    }
    %scan3A_31 = arith.constant 11 : i32
    %barrier3A_32 = arith.constant 0 : index
    tpu.barrier barrier_id(%barrier3A_32)
    %mul3A_33 = arith.constant 640 : i32
    %mul3A_34 = arith.muli %arg1, %mul3A_33 : i32
    %mul3A_35 = arith.constant 640 : i32
    %mul3A_36 = arith.muli %arg1, %mul3A_35 : i32
    "tpu.region"() ({
      %run_scoped3A = tpu.sem_alloc : memref<!tpu.dma_semaphore, #tpu.memory_space<semaphore_mem>>
      %dma_start3A = arith.constant 0 : i32
      %dma_start3A_37 = tpu.memref_slice %arg7[%arg0, %mul3A_36, %dma_start3A] : memref<2x10240x128xf32, #tpu.memory_space<hbm>> -> memref<1x640x128xf32, #tpu.memory_space<hbm>>
      %dma_start3A_38 = tpu.memref_squeeze %dma_start3A_37 : memref<1x640x128xf32, #tpu.memory_space<hbm>> -> memref<640x128xf32, #tpu.memory_space<hbm>>
      %dma_start3A_39 = arith.constant 0 : i32
      %dma_start3A_40 = tpu.memref_slice %arg14[%mul3A_34, %dma_start3A_39] : memref<10240x128xf32, #tpu.memory_space<vmem_shared>> -> memref<640x128xf32, #tpu.memory_space<vmem_shared>>
      tpu.enqueue_dma source(%dma_start3A_40 : memref<640x128xf32, #tpu.memory_space<vmem_shared>>) target(%dma_start3A_38 : memref<640x128xf32, #tpu.memory_space<hbm>>) target_semaphore(%run_scoped3A : memref<!tpu.dma_semaphore, #tpu.memory_space<semaphore_mem>>)
      %dma_wait3A = arith.constant 0 : i32
      %dma_wait3A_41 = tpu.memref_slice %arg7[%arg0, %mul3A_36, %dma_wait3A] : memref<2x10240x128xf32, #tpu.memory_space<hbm>> -> memref<1x640x128xf32, #tpu.memory_space<hbm>>
      %dma_wait3A_42 = tpu.memref_squeeze %dma_wait3A_41 : memref<1x640x128xf32, #tpu.memory_space<hbm>> -> memref<640x128xf32, #tpu.memory_space<hbm>>
      %dma_wait3A_43 = arith.constant 0 : i32
      %dma_wait3A_44 = tpu.memref_slice %arg14[%mul3A_34, %dma_wait3A_43] : memref<10240x128xf32, #tpu.memory_space<vmem_shared>> -> memref<640x128xf32, #tpu.memory_space<vmem_shared>>
      tpu.wait_dma2 semaphore(%run_scoped3A : memref<!tpu.dma_semaphore, #tpu.memory_space<semaphore_mem>>) src(%dma_wait3A_44 : memref<640x128xf32, #tpu.memory_space<vmem_shared>>) dst(%dma_wait3A_42 : memref<640x128xf32, #tpu.memory_space<hbm>>)
      tpu.yield
    }) : () -> ()
    return
  }
}

#map = affine_map<(d0, d1) -> (0, 0, 0)>
#map1 = affine_map<(d0, d1) -> (0, 0)>
module attributes {stable_mosaic.version = 14 : i64} {
  func.func @_deg_sc(%arg0: i32, %arg1: i32, %arg2: memref<32x88x128xi32, #tpu.memory_space<hbm>>, %arg3: memref<32x88x128xf32, #tpu.memory_space<hbm>>, %arg4: memref<2x10240xf32, #tpu.memory_space<hbm>>, %arg5: memref<88x128xi32, #tpu.memory_space<vmem>>, %arg6: memref<88x128xf32, #tpu.memory_space<vmem>>, %arg7: memref<640xf32, #tpu.memory_space<vmem>>, %arg8: memref<10240xf32, #tpu.memory_space<vmem_shared>>) attributes {dimension_semantics = [#tpu.dimension_semantics<core_parallel>, #tpu.dimension_semantics<subcore_parallel>], iteration_bounds = array<i64: 2, 16>, scalar_prefetch = 0 : i64, scratch_operands = 4 : i64, tpu.core_type = #tpu.core_type<sc_vector_subcore>, window_params = [{transform_indices = #map}, {transform_indices = #map}, {transform_indices = #map1}]} {
    %mul3A = arith.constant 16 : i32
    %mul3A_0 = arith.muli %arg0, %mul3A : i32
    %add3A = arith.addi %mul3A_0, %arg1 : i32
    %broadcast_in_dim3A = arith.constant 0.000000e+00 : f32
    %broadcast_in_dim3A_1 = vector.broadcast %broadcast_in_dim3A : f32 to vector<16xf32>
    %swap3A = arith.constant 0 : index
    %swap3A_2 = tpu.vector_load %arg7[%swap3A] {strides = array<i32>} : memref<640xf32, #tpu.memory_space<vmem>>, vector<16xf32>,
    tpu.vector_store %arg7[%swap3A], %broadcast_in_dim3A_1 {strides = array<i32>} : memref<640xf32, #tpu.memory_space<vmem>>, vector<16xf32>,
    %broadcast_in_dim3A_3 = arith.constant 0.000000e+00 : f32
    %broadcast_in_dim3A_4 = vector.broadcast %broadcast_in_dim3A_3 : f32 to vector<16xf32>
    %swap3A_5 = arith.constant 16 : index
    %swap3A_6 = tpu.vector_load %arg7[%swap3A_5] {strides = array<i32>} : memref<640xf32, #tpu.memory_space<vmem>>, vector<16xf32>,
    tpu.vector_store %arg7[%swap3A_5], %broadcast_in_dim3A_4 {strides = array<i32>} : memref<640xf32, #tpu.memory_space<vmem>>, vector<16xf32>,
    %broadcast_in_dim3A_7 = arith.constant 0.000000e+00 : f32
    %broadcast_in_dim3A_8 = vector.broadcast %broadcast_in_dim3A_7 : f32 to vector<16xf32>
    %swap3A_9 = arith.constant 32 : index
    %swap3A_10 = tpu.vector_load %arg7[%swap3A_9] {strides = array<i32>} : memref<640xf32, #tpu.memory_space<vmem>>, vector<16xf32>,
    tpu.vector_store %arg7[%swap3A_9], %broadcast_in_dim3A_8 {strides = array<i32>} : memref<640xf32, #tpu.memory_space<vmem>>, vector<16xf32>,
    %broadcast_in_dim3A_11 = arith.constant 0.000000e+00 : f32
    %broadcast_in_dim3A_12 = vector.broadcast %broadcast_in_dim3A_11 : f32 to vector<16xf32>
    %swap3A_13 = arith.constant 48 : index
    %swap3A_14 = tpu.vector_load %arg7[%swap3A_13] {strides = array<i32>} : memref<640xf32, #tpu.memory_space<vmem>>, vector<16xf32>,
    tpu.vector_store %arg7[%swap3A_13], %broadcast_in_dim3A_12 {strides = array<i32>} : memref<640xf32, #tpu.memory_space<vmem>>, vector<16xf32>,
    %broadcast_in_dim3A_15 = arith.constant 0.000000e+00 : f32
    %broadcast_in_dim3A_16 = vector.broadcast %broadcast_in_dim3A_15 : f32 to vector<16xf32>
    %swap3A_17 = arith.constant 64 : index
    %swap3A_18 = tpu.vector_load %arg7[%swap3A_17] {strides = array<i32>} : memref<640xf32, #tpu.memory_space<vmem>>, vector<16xf32>,
    tpu.vector_store %arg7[%swap3A_17], %broadcast_in_dim3A_16 {strides = array<i32>} : memref<640xf32, #tpu.memory_space<vmem>>, vector<16xf32>,
    %broadcast_in_dim3A_19 = arith.constant 0.000000e+00 : f32
    %broadcast_in_dim3A_20 = vector.broadcast %broadcast_in_dim3A_19 : f32 to vector<16xf32>
    %swap3A_21 = arith.constant 80 : index
    %swap3A_22 = tpu.vector_load %arg7[%swap3A_21] {strides = array<i32>} : memref<640xf32, #tpu.memory_space<vmem>>, vector<16xf32>,
    tpu.vector_store %arg7[%swap3A_21], %broadcast_in_dim3A_20 {strides = array<i32>} : memref<640xf32, #tpu.memory_space<vmem>>, vector<16xf32>,
    %broadcast_in_dim3A_23 = arith.constant 0.000000e+00 : f32
    %broadcast_in_dim3A_24 = vector.broadcast %broadcast_in_dim3A_23 : f32 to vector<16xf32>
    %swap3A_25 = arith.constant 96 : index
    %swap3A_26 = tpu.vector_load %arg7[%swap3A_25] {strides = array<i32>} : memref<640xf32, #tpu.memory_space<vmem>>, vector<16xf32>,
    tpu.vector_store %arg7[%swap3A_25], %broadcast_in_dim3A_24 {strides = array<i32>} : memref<640xf32, #tpu.memory_space<vmem>>, vector<16xf32>,
    %broadcast_in_dim3A_27 = arith.constant 0.000000e+00 : f32
    %broadcast_in_dim3A_28 = vector.broadcast %broadcast_in_dim3A_27 : f32 to vector<16xf32>
    %swap3A_29 = arith.constant 112 : index
    %swap3A_30 = tpu.vector_load %arg7[%swap3A_29] {strides = array<i32>} : memref<640xf32, #tpu.memory_space<vmem>>, vector<16xf32>,
    tpu.vector_store %arg7[%swap3A_29], %broadcast_in_dim3A_28 {strides = array<i32>} : memref<640xf32, #tpu.memory_space<vmem>>, vector<16xf32>,
    %broadcast_in_dim3A_31 = arith.constant 0.000000e+00 : f32
    %broadcast_in_dim3A_32 = vector.broadcast %broadcast_in_dim3A_31 : f32 to vector<16xf32>
    %swap3A_33 = arith.constant 128 : index
    %swap3A_34 = tpu.vector_load %arg7[%swap3A_33] {strides = array<i32>} : memref<640xf32, #tpu.memory_space<vmem>>, vector<16xf32>,
    tpu.vector_store %arg7[%swap3A_33], %broadcast_in_dim3A_32 {strides = array<i32>} : memref<640xf32, #tpu.memory_space<vmem>>, vector<16xf32>,
    %broadcast_in_dim3A_35 = arith.constant 0.000000e+00 : f32
    %broadcast_in_dim3A_36 = vector.broadcast %broadcast_in_dim3A_35 : f32 to vector<16xf32>
    %swap3A_37 = arith.constant 144 : index
    %swap3A_38 = tpu.vector_load %arg7[%swap3A_37] {strides = array<i32>} : memref<640xf32, #tpu.memory_space<vmem>>, vector<16xf32>,
    tpu.vector_store %arg7[%swap3A_37], %broadcast_in_dim3A_36 {strides = array<i32>} : memref<640xf32, #tpu.memory_space<vmem>>, vector<16xf32>,
    %broadcast_in_dim3A_39 = arith.constant 0.000000e+00 : f32
    %broadcast_in_dim3A_40 = vector.broadcast %broadcast_in_dim3A_39 : f32 to vector<16xf32>
    %swap3A_41 = arith.constant 160 : index
    %swap3A_42 = tpu.vector_load %arg7[%swap3A_41] {strides = array<i32>} : memref<640xf32, #tpu.memory_space<vmem>>, vector<16xf32>,
    tpu.vector_store %arg7[%swap3A_41], %broadcast_in_dim3A_40 {strides = array<i32>} : memref<640xf32, #tpu.memory_space<vmem>>, vector<16xf32>,
    %broadcast_in_dim3A_43 = arith.constant 0.000000e+00 : f32
    %broadcast_in_dim3A_44 = vector.broadcast %broadcast_in_dim3A_43 : f32 to vector<16xf32>
    %swap3A_45 = arith.constant 176 : index
    %swap3A_46 = tpu.vector_load %arg7[%swap3A_45] {strides = array<i32>} : memref<640xf32, #tpu.memory_space<vmem>>, vector<16xf32>,
    tpu.vector_store %arg7[%swap3A_45], %broadcast_in_dim3A_44 {strides = array<i32>} : memref<640xf32, #tpu.memory_space<vmem>>, vector<16xf32>,
    %broadcast_in_dim3A_47 = arith.constant 0.000000e+00 : f32
    %broadcast_in_dim3A_48 = vector.broadcast %broadcast_in_dim3A_47 : f32 to vector<16xf32>
    %swap3A_49 = arith.constant 192 : index
    %swap3A_50 = tpu.vector_load %arg7[%swap3A_49] {strides = array<i32>} : memref<640xf32, #tpu.memory_space<vmem>>, vector<16xf32>,
    tpu.vector_store %arg7[%swap3A_49], %broadcast_in_dim3A_48 {strides = array<i32>} : memref<640xf32, #tpu.memory_space<vmem>>, vector<16xf32>,
    %broadcast_in_dim3A_51 = arith.constant 0.000000e+00 : f32
    %broadcast_in_dim3A_52 = vector.broadcast %broadcast_in_dim3A_51 : f32 to vector<16xf32>
    %swap3A_53 = arith.constant 208 : index
    %swap3A_54 = tpu.vector_load %arg7[%swap3A_53] {strides = array<i32>} : memref<640xf32, #tpu.memory_space<vmem>>, vector<16xf32>,
    tpu.vector_store %arg7[%swap3A_53], %broadcast_in_dim3A_52 {strides = array<i32>} : memref<640xf32, #tpu.memory_space<vmem>>, vector<16xf32>,
    %broadcast_in_dim3A_55 = arith.constant 0.000000e+00 : f32
    %broadcast_in_dim3A_56 = vector.broadcast %broadcast_in_dim3A_55 : f32 to vector<16xf32>
    %swap3A_57 = arith.constant 224 : index
    %swap3A_58 = tpu.vector_load %arg7[%swap3A_57] {strides = array<i32>} : memref<640xf32, #tpu.memory_space<vmem>>, vector<16xf32>,
    tpu.vector_store %arg7[%swap3A_57], %broadcast_in_dim3A_56 {strides = array<i32>} : memref<640xf32, #tpu.memory_space<vmem>>, vector<16xf32>,
    %broadcast_in_dim3A_59 = arith.constant 0.000000e+00 : f32
    %broadcast_in_dim3A_60 = vector.broadcast %broadcast_in_dim3A_59 : f32 to vector<16xf32>
    %swap3A_61 = arith.constant 240 : index
    %swap3A_62 = tpu.vector_load %arg7[%swap3A_61] {strides = array<i32>} : memref<640xf32, #tpu.memory_space<vmem>>, vector<16xf32>,
    tpu.vector_store %arg7[%swap3A_61], %broadcast_in_dim3A_60 {strides = array<i32>} : memref<640xf32, #tpu.memory_space<vmem>>, vector<16xf32>,
    %broadcast_in_dim3A_63 = arith.constant 0.000000e+00 : f32
    %broadcast_in_dim3A_64 = vector.broadcast %broadcast_in_dim3A_63 : f32 to vector<16xf32>
    %swap3A_65 = arith.constant 256 : index
    %swap3A_66 = tpu.vector_load %arg7[%swap3A_65] {strides = array<i32>} : memref<640xf32, #tpu.memory_space<vmem>>, vector<16xf32>,
    tpu.vector_store %arg7[%swap3A_65], %broadcast_in_dim3A_64 {strides = array<i32>} : memref<640xf32, #tpu.memory_space<vmem>>, vector<16xf32>,
    %broadcast_in_dim3A_67 = arith.constant 0.000000e+00 : f32
    %broadcast_in_dim3A_68 = vector.broadcast %broadcast_in_dim3A_67 : f32 to vector<16xf32>
    %swap3A_69 = arith.constant 272 : index
    %swap3A_70 = tpu.vector_load %arg7[%swap3A_69] {strides = array<i32>} : memref<640xf32, #tpu.memory_space<vmem>>, vector<16xf32>,
    tpu.vector_store %arg7[%swap3A_69], %broadcast_in_dim3A_68 {strides = array<i32>} : memref<640xf32, #tpu.memory_space<vmem>>, vector<16xf32>,
    %broadcast_in_dim3A_71 = arith.constant 0.000000e+00 : f32
    %broadcast_in_dim3A_72 = vector.broadcast %broadcast_in_dim3A_71 : f32 to vector<16xf32>
    %swap3A_73 = arith.constant 288 : index
    %swap3A_74 = tpu.vector_load %arg7[%swap3A_73] {strides = array<i32>} : memref<640xf32, #tpu.memory_space<vmem>>, vector<16xf32>,
    tpu.vector_store %arg7[%swap3A_73], %broadcast_in_dim3A_72 {strides = array<i32>} : memref<640xf32, #tpu.memory_space<vmem>>, vector<16xf32>,
    %broadcast_in_dim3A_75 = arith.constant 0.000000e+00 : f32
    %broadcast_in_dim3A_76 = vector.broadcast %broadcast_in_dim3A_75 : f32 to vector<16xf32>
    %swap3A_77 = arith.constant 304 : index
    %swap3A_78 = tpu.vector_load %arg7[%swap3A_77] {strides = array<i32>} : memref<640xf32, #tpu.memory_space<vmem>>, vector<16xf32>,
    tpu.vector_store %arg7[%swap3A_77], %broadcast_in_dim3A_76 {strides = array<i32>} : memref<640xf32, #tpu.memory_space<vmem>>, vector<16xf32>,
    %broadcast_in_dim3A_79 = arith.constant 0.000000e+00 : f32
    %broadcast_in_dim3A_80 = vector.broadcast %broadcast_in_dim3A_79 : f32 to vector<16xf32>
    %swap3A_81 = arith.constant 320 : index
    %swap3A_82 = tpu.vector_load %arg7[%swap3A_81] {strides = array<i32>} : memref<640xf32, #tpu.memory_space<vmem>>, vector<16xf32>,
    tpu.vector_store %arg7[%swap3A_81], %broadcast_in_dim3A_80 {strides = array<i32>} : memref<640xf32, #tpu.memory_space<vmem>>, vector<16xf32>,
    %broadcast_in_dim3A_83 = arith.constant 0.000000e+00 : f32
    %broadcast_in_dim3A_84 = vector.broadcast %broadcast_in_dim3A_83 : f32 to vector<16xf32>
    %swap3A_85 = arith.constant 336 : index
    %swap3A_86 = tpu.vector_load %arg7[%swap3A_85] {strides = array<i32>} : memref<640xf32, #tpu.memory_space<vmem>>, vector<16xf32>,
    tpu.vector_store %arg7[%swap3A_85], %broadcast_in_dim3A_84 {strides = array<i32>} : memref<640xf32, #tpu.memory_space<vmem>>, vector<16xf32>,
    %broadcast_in_dim3A_87 = arith.constant 0.000000e+00 : f32
    %broadcast_in_dim3A_88 = vector.broadcast %broadcast_in_dim3A_87 : f32 to vector<16xf32>
    %swap3A_89 = arith.constant 352 : index
    %swap3A_90 = tpu.vector_load %arg7[%swap3A_89] {strides = array<i32>} : memref<640xf32, #tpu.memory_space<vmem>>, vector<16xf32>,
    tpu.vector_store %arg7[%swap3A_89], %broadcast_in_dim3A_88 {strides = array<i32>} : memref<640xf32, #tpu.memory_space<vmem>>, vector<16xf32>,
    %broadcast_in_dim3A_91 = arith.constant 0.000000e+00 : f32
    %broadcast_in_dim3A_92 = vector.broadcast %broadcast_in_dim3A_91 : f32 to vector<16xf32>
    %swap3A_93 = arith.constant 368 : index
    %swap3A_94 = tpu.vector_load %arg7[%swap3A_93] {strides = array<i32>} : memref<640xf32, #tpu.memory_space<vmem>>, vector<16xf32>,
    tpu.vector_store %arg7[%swap3A_93], %broadcast_in_dim3A_92 {strides = array<i32>} : memref<640xf32, #tpu.memory_space<vmem>>, vector<16xf32>,
    %broadcast_in_dim3A_95 = arith.constant 0.000000e+00 : f32
    %broadcast_in_dim3A_96 = vector.broadcast %broadcast_in_dim3A_95 : f32 to vector<16xf32>
    %swap3A_97 = arith.constant 384 : index
    %swap3A_98 = tpu.vector_load %arg7[%swap3A_97] {strides = array<i32>} : memref<640xf32, #tpu.memory_space<vmem>>, vector<16xf32>,
    tpu.vector_store %arg7[%swap3A_97], %broadcast_in_dim3A_96 {strides = array<i32>} : memref<640xf32, #tpu.memory_space<vmem>>, vector<16xf32>,
    %broadcast_in_dim3A_99 = arith.constant 0.000000e+00 : f32
    %broadcast_in_dim3A_100 = vector.broadcast %broadcast_in_dim3A_99 : f32 to vector<16xf32>
    %swap3A_101 = arith.constant 400 : index
    %swap3A_102 = tpu.vector_load %arg7[%swap3A_101] {strides = array<i32>} : memref<640xf32, #tpu.memory_space<vmem>>, vector<16xf32>,
    tpu.vector_store %arg7[%swap3A_101], %broadcast_in_dim3A_100 {strides = array<i32>} : memref<640xf32, #tpu.memory_space<vmem>>, vector<16xf32>,
    %broadcast_in_dim3A_103 = arith.constant 0.000000e+00 : f32
    %broadcast_in_dim3A_104 = vector.broadcast %broadcast_in_dim3A_103 : f32 to vector<16xf32>
    %swap3A_105 = arith.constant 416 : index
    %swap3A_106 = tpu.vector_load %arg7[%swap3A_105] {strides = array<i32>} : memref<640xf32, #tpu.memory_space<vmem>>, vector<16xf32>,
    tpu.vector_store %arg7[%swap3A_105], %broadcast_in_dim3A_104 {strides = array<i32>} : memref<640xf32, #tpu.memory_space<vmem>>, vector<16xf32>,
    %broadcast_in_dim3A_107 = arith.constant 0.000000e+00 : f32
    %broadcast_in_dim3A_108 = vector.broadcast %broadcast_in_dim3A_107 : f32 to vector<16xf32>
    %swap3A_109 = arith.constant 432 : index
    %swap3A_110 = tpu.vector_load %arg7[%swap3A_109] {strides = array<i32>} : memref<640xf32, #tpu.memory_space<vmem>>, vector<16xf32>,
    tpu.vector_store %arg7[%swap3A_109], %broadcast_in_dim3A_108 {strides = array<i32>} : memref<640xf32, #tpu.memory_space<vmem>>, vector<16xf32>,
    %broadcast_in_dim3A_111 = arith.constant 0.000000e+00 : f32
    %broadcast_in_dim3A_112 = vector.broadcast %broadcast_in_dim3A_111 : f32 to vector<16xf32>
    %swap3A_113 = arith.constant 448 : index
    %swap3A_114 = tpu.vector_load %arg7[%swap3A_113] {strides = array<i32>} : memref<640xf32, #tpu.memory_space<vmem>>, vector<16xf32>,
    tpu.vector_store %arg7[%swap3A_113], %broadcast_in_dim3A_112 {strides = array<i32>} : memref<640xf32, #tpu.memory_space<vmem>>, vector<16xf32>,
    %broadcast_in_dim3A_115 = arith.constant 0.000000e+00 : f32
    %broadcast_in_dim3A_116 = vector.broadcast %broadcast_in_dim3A_115 : f32 to vector<16xf32>
    %swap3A_117 = arith.constant 464 : index
    %swap3A_118 = tpu.vector_load %arg7[%swap3A_117] {strides = array<i32>} : memref<640xf32, #tpu.memory_space<vmem>>, vector<16xf32>,
    tpu.vector_store %arg7[%swap3A_117], %broadcast_in_dim3A_116 {strides = array<i32>} : memref<640xf32, #tpu.memory_space<vmem>>, vector<16xf32>,
    %broadcast_in_dim3A_119 = arith.constant 0.000000e+00 : f32
    %broadcast_in_dim3A_120 = vector.broadcast %broadcast_in_dim3A_119 : f32 to vector<16xf32>
    %swap3A_121 = arith.constant 480 : index
    %swap3A_122 = tpu.vector_load %arg7[%swap3A_121] {strides = array<i32>} : memref<640xf32, #tpu.memory_space<vmem>>, vector<16xf32>,
    tpu.vector_store %arg7[%swap3A_121], %broadcast_in_dim3A_120 {strides = array<i32>} : memref<640xf32, #tpu.memory_space<vmem>>, vector<16xf32>,
    %broadcast_in_dim3A_123 = arith.constant 0.000000e+00 : f32
    %broadcast_in_dim3A_124 = vector.broadcast %broadcast_in_dim3A_123 : f32 to vector<16xf32>
    %swap3A_125 = arith.constant 496 : index
    %swap3A_126 = tpu.vector_load %arg7[%swap3A_125] {strides = array<i32>} : memref<640xf32, #tpu.memory_space<vmem>>, vector<16xf32>,
    tpu.vector_store %arg7[%swap3A_125], %broadcast_in_dim3A_124 {strides = array<i32>} : memref<640xf32, #tpu.memory_space<vmem>>, vector<16xf32>,
    %broadcast_in_dim3A_127 = arith.constant 0.000000e+00 : f32
    %broadcast_in_dim3A_128 = vector.broadcast %broadcast_in_dim3A_127 : f32 to vector<16xf32>
    %swap3A_129 = arith.constant 512 : index
    %swap3A_130 = tpu.vector_load %arg7[%swap3A_129] {strides = array<i32>} : memref<640xf32, #tpu.memory_space<vmem>>, vector<16xf32>,
    tpu.vector_store %arg7[%swap3A_129], %broadcast_in_dim3A_128 {strides = array<i32>} : memref<640xf32, #tpu.memory_space<vmem>>, vector<16xf32>,
    %broadcast_in_dim3A_131 = arith.constant 0.000000e+00 : f32
    %broadcast_in_dim3A_132 = vector.broadcast %broadcast_in_dim3A_131 : f32 to vector<16xf32>
    %swap3A_133 = arith.constant 528 : index
    %swap3A_134 = tpu.vector_load %arg7[%swap3A_133] {strides = array<i32>} : memref<640xf32, #tpu.memory_space<vmem>>, vector<16xf32>,
    tpu.vector_store %arg7[%swap3A_133], %broadcast_in_dim3A_132 {strides = array<i32>} : memref<640xf32, #tpu.memory_space<vmem>>, vector<16xf32>,
    %broadcast_in_dim3A_135 = arith.constant 0.000000e+00 : f32
    %broadcast_in_dim3A_136 = vector.broadcast %broadcast_in_dim3A_135 : f32 to vector<16xf32>
    %swap3A_137 = arith.constant 544 : index
    %swap3A_138 = tpu.vector_load %arg7[%swap3A_137] {strides = array<i32>} : memref<640xf32, #tpu.memory_space<vmem>>, vector<16xf32>,
    tpu.vector_store %arg7[%swap3A_137], %broadcast_in_dim3A_136 {strides = array<i32>} : memref<640xf32, #tpu.memory_space<vmem>>, vector<16xf32>,
    %broadcast_in_dim3A_139 = arith.constant 0.000000e+00 : f32
    %broadcast_in_dim3A_140 = vector.broadcast %broadcast_in_dim3A_139 : f32 to vector<16xf32>
    %swap3A_141 = arith.constant 560 : index
    %swap3A_142 = tpu.vector_load %arg7[%swap3A_141] {strides = array<i32>} : memref<640xf32, #tpu.memory_space<vmem>>, vector<16xf32>,
    tpu.vector_store %arg7[%swap3A_141], %broadcast_in_dim3A_140 {strides = array<i32>} : memref<640xf32, #tpu.memory_space<vmem>>, vector<16xf32>,
    %broadcast_in_dim3A_143 = arith.constant 0.000000e+00 : f32
    %broadcast_in_dim3A_144 = vector.broadcast %broadcast_in_dim3A_143 : f32 to vector<16xf32>
    %swap3A_145 = arith.constant 576 : index
    %swap3A_146 = tpu.vector_load %arg7[%swap3A_145] {strides = array<i32>} : memref<640xf32, #tpu.memory_space<vmem>>, vector<16xf32>,
    tpu.vector_store %arg7[%swap3A_145], %broadcast_in_dim3A_144 {strides = array<i32>} : memref<640xf32, #tpu.memory_space<vmem>>, vector<16xf32>,
    %broadcast_in_dim3A_147 = arith.constant 0.000000e+00 : f32
    %broadcast_in_dim3A_148 = vector.broadcast %broadcast_in_dim3A_147 : f32 to vector<16xf32>
    %swap3A_149 = arith.constant 592 : index
    %swap3A_150 = tpu.vector_load %arg7[%swap3A_149] {strides = array<i32>} : memref<640xf32, #tpu.memory_space<vmem>>, vector<16xf32>,
    tpu.vector_store %arg7[%swap3A_149], %broadcast_in_dim3A_148 {strides = array<i32>} : memref<640xf32, #tpu.memory_space<vmem>>, vector<16xf32>,
    %broadcast_in_dim3A_151 = arith.constant 0.000000e+00 : f32
    %broadcast_in_dim3A_152 = vector.broadcast %broadcast_in_dim3A_151 : f32 to vector<16xf32>
    %swap3A_153 = arith.constant 608 : index
    %swap3A_154 = tpu.vector_load %arg7[%swap3A_153] {strides = array<i32>} : memref<640xf32, #tpu.memory_space<vmem>>, vector<16xf32>,
    tpu.vector_store %arg7[%swap3A_153], %broadcast_in_dim3A_152 {strides = array<i32>} : memref<640xf32, #tpu.memory_space<vmem>>, vector<16xf32>,
    %broadcast_in_dim3A_155 = arith.constant 0.000000e+00 : f32
    %broadcast_in_dim3A_156 = vector.broadcast %broadcast_in_dim3A_155 : f32 to vector<16xf32>
    %swap3A_157 = arith.constant 624 : index
    %swap3A_158 = tpu.vector_load %arg7[%swap3A_157] {strides = array<i32>} : memref<640xf32, #tpu.memory_space<vmem>>, vector<16xf32>,
    tpu.vector_store %arg7[%swap3A_157], %broadcast_in_dim3A_156 {strides = array<i32>} : memref<640xf32, #tpu.memory_space<vmem>>, vector<16xf32>,
    %mul3A_159 = arith.constant 640 : i32
    %mul3A_160 = arith.muli %arg1, %mul3A_159 : i32
    "tpu.region"() ({
      %run_scoped3A = tpu.sem_alloc : memref<!tpu.dma_semaphore, #tpu.memory_space<semaphore_mem>>
      %dma_start3A = tpu.memref_slice %arg8[%mul3A_160] : memref<10240xf32, #tpu.memory_space<vmem_shared>> -> memref<640xf32, #tpu.memory_space<vmem_shared>>
      %dma_start3A_171 = tpu.memref_slice %arg8[%mul3A_160] : memref<10240xf32, #tpu.memory_space<vmem_shared>> -> memref<640xf32, #tpu.memory_space<vmem_shared>>
      tpu.enqueue_dma source(%arg7 : memref<640xf32, #tpu.memory_space<vmem>>) target(%dma_start3A_171 : memref<640xf32, #tpu.memory_space<vmem_shared>>) target_semaphore(%run_scoped3A : memref<!tpu.dma_semaphore, #tpu.memory_space<semaphore_mem>>)
      %dma_wait3A = tpu.memref_slice %arg8[%mul3A_160] : memref<10240xf32, #tpu.memory_space<vmem_shared>> -> memref<640xf32, #tpu.memory_space<vmem_shared>>
      %dma_wait3A_172 = tpu.memref_slice %arg8[%mul3A_160] : memref<10240xf32, #tpu.memory_space<vmem_shared>> -> memref<640xf32, #tpu.memory_space<vmem_shared>>
      tpu.wait_dma2 semaphore(%run_scoped3A : memref<!tpu.dma_semaphore, #tpu.memory_space<semaphore_mem>>) src(%arg7 : memref<640xf32, #tpu.memory_space<vmem>>) dst(%dma_wait3A_172 : memref<640xf32, #tpu.memory_space<vmem_shared>>)
      tpu.yield
    }) : () -> ()
    %barrier3A = arith.constant 0 : index
    tpu.barrier barrier_id(%barrier3A)
    "tpu.region"() ({
      %run_scoped3A = tpu.sem_alloc : memref<!tpu.dma_semaphore, #tpu.memory_space<semaphore_mem>>
      %dma_start3A = arith.constant 0 : i32
      %dma_start3A_171 = arith.constant 0 : i32
      %dma_start3A_172 = tpu.memref_slice %arg2[%add3A, %dma_start3A, %dma_start3A_171] : memref<32x88x128xi32, #tpu.memory_space<hbm>> -> memref<1x88x128xi32, #tpu.memory_space<hbm>>
      %dma_start3A_173 = tpu.memref_squeeze %dma_start3A_172 : memref<1x88x128xi32, #tpu.memory_space<hbm>> -> memref<88x128xi32, #tpu.memory_space<hbm>>
      %dma_start3A_174 = arith.constant 0 : i32
      %dma_start3A_175 = arith.constant 0 : i32
      %dma_start3A_176 = tpu.memref_slice %arg2[%add3A, %dma_start3A_174, %dma_start3A_175] : memref<32x88x128xi32, #tpu.memory_space<hbm>> -> memref<1x88x128xi32, #tpu.memory_space<hbm>>
      %dma_start3A_177 = tpu.memref_squeeze %dma_start3A_176 : memref<1x88x128xi32, #tpu.memory_space<hbm>> -> memref<88x128xi32, #tpu.memory_space<hbm>>
      tpu.enqueue_dma source(%dma_start3A_177 : memref<88x128xi32, #tpu.memory_space<hbm>>) target(%arg5 : memref<88x128xi32, #tpu.memory_space<vmem>>) target_semaphore(%run_scoped3A : memref<!tpu.dma_semaphore, #tpu.memory_space<semaphore_mem>>)
      %dma_wait3A = arith.constant 0 : i32
      %dma_wait3A_178 = arith.constant 0 : i32
      %dma_wait3A_179 = tpu.memref_slice %arg2[%add3A, %dma_wait3A, %dma_wait3A_178] : memref<32x88x128xi32, #tpu.memory_space<hbm>> -> memref<1x88x128xi32, #tpu.memory_space<hbm>>
      %dma_wait3A_180 = tpu.memref_squeeze %dma_wait3A_179 : memref<1x88x128xi32, #tpu.memory_space<hbm>> -> memref<88x128xi32, #tpu.memory_space<hbm>>
      %dma_wait3A_181 = arith.constant 0 : i32
      %dma_wait3A_182 = arith.constant 0 : i32
      %dma_wait3A_183 = tpu.memref_slice %arg2[%add3A, %dma_wait3A_181, %dma_wait3A_182] : memref<32x88x128xi32, #tpu.memory_space<hbm>> -> memref<1x88x128xi32, #tpu.memory_space<hbm>>
      %dma_wait3A_184 = tpu.memref_squeeze %dma_wait3A_183 : memref<1x88x128xi32, #tpu.memory_space<hbm>> -> memref<88x128xi32, #tpu.memory_space<hbm>>
      tpu.wait_dma2 semaphore(%run_scoped3A : memref<!tpu.dma_semaphore, #tpu.memory_space<semaphore_mem>>) src(%dma_wait3A_184 : memref<88x128xi32, #tpu.memory_space<hbm>>) dst(%arg5 : memref<88x128xi32, #tpu.memory_space<vmem>>)
      tpu.yield
    }) : () -> ()
    "tpu.region"() ({
      %run_scoped3A = tpu.sem_alloc : memref<!tpu.dma_semaphore, #tpu.memory_space<semaphore_mem>>
      %dma_start3A = arith.constant 0 : i32
      %dma_start3A_171 = arith.constant 0 : i32
      %dma_start3A_172 = tpu.memref_slice %arg3[%add3A, %dma_start3A, %dma_start3A_171] : memref<32x88x128xf32, #tpu.memory_space<hbm>> -> memref<1x88x128xf32, #tpu.memory_space<hbm>>
      %dma_start3A_173 = tpu.memref_squeeze %dma_start3A_172 : memref<1x88x128xf32, #tpu.memory_space<hbm>> -> memref<88x128xf32, #tpu.memory_space<hbm>>
      %dma_start3A_174 = arith.constant 0 : i32
      %dma_start3A_175 = arith.constant 0 : i32
      %dma_start3A_176 = tpu.memref_slice %arg3[%add3A, %dma_start3A_174, %dma_start3A_175] : memref<32x88x128xf32, #tpu.memory_space<hbm>> -> memref<1x88x128xf32, #tpu.memory_space<hbm>>
      %dma_start3A_177 = tpu.memref_squeeze %dma_start3A_176 : memref<1x88x128xf32, #tpu.memory_space<hbm>> -> memref<88x128xf32, #tpu.memory_space<hbm>>
      tpu.enqueue_dma source(%dma_start3A_177 : memref<88x128xf32, #tpu.memory_space<hbm>>) target(%arg6 : memref<88x128xf32, #tpu.memory_space<vmem>>) target_semaphore(%run_scoped3A : memref<!tpu.dma_semaphore, #tpu.memory_space<semaphore_mem>>)
      %dma_wait3A = arith.constant 0 : i32
      %dma_wait3A_178 = arith.constant 0 : i32
      %dma_wait3A_179 = tpu.memref_slice %arg3[%add3A, %dma_wait3A, %dma_wait3A_178] : memref<32x88x128xf32, #tpu.memory_space<hbm>> -> memref<1x88x128xf32, #tpu.memory_space<hbm>>
      %dma_wait3A_180 = tpu.memref_squeeze %dma_wait3A_179 : memref<1x88x128xf32, #tpu.memory_space<hbm>> -> memref<88x128xf32, #tpu.memory_space<hbm>>
      %dma_wait3A_181 = arith.constant 0 : i32
      %dma_wait3A_182 = arith.constant 0 : i32
      %dma_wait3A_183 = tpu.memref_slice %arg3[%add3A, %dma_wait3A_181, %dma_wait3A_182] : memref<32x88x128xf32, #tpu.memory_space<hbm>> -> memref<1x88x128xf32, #tpu.memory_space<hbm>>
      %dma_wait3A_184 = tpu.memref_squeeze %dma_wait3A_183 : memref<1x88x128xf32, #tpu.memory_space<hbm>> -> memref<88x128xf32, #tpu.memory_space<hbm>>
      tpu.wait_dma2 semaphore(%run_scoped3A : memref<!tpu.dma_semaphore, #tpu.memory_space<semaphore_mem>>) src(%dma_wait3A_184 : memref<88x128xf32, #tpu.memory_space<hbm>>) dst(%arg6 : memref<88x128xf32, #tpu.memory_space<vmem>>)
      tpu.yield
    }) : () -> ()
    %scan3A = arith.constant 0 : i32
    %scan3A_161 = arith.constant 0 : i32
    %scan3A_162 = arith.constant 81 : i32
    %scan3A_163 = arith.addi %scan3A_161, %scan3A_162 : i32
    %scan3A_164 = arith.constant 1 : i32
    scf.for %scan3A_171 = %scan3A_161 to %scan3A_163 step %scan3A_164  : i32 {
      "tpu.region"() ({
        %run_scoped3A = tpu.sem_alloc : memref<!tpu.dma_semaphore, #tpu.memory_space<semaphore_mem>>
        %dma_start3A = arith.constant 0 : i32
        %dma_start3A_172 = tpu.memref_slice %arg6[%scan3A_171, %dma_start3A] : memref<88x128xf32, #tpu.memory_space<vmem>> -> memref<1x128xf32, #tpu.memory_space<vmem>>
        %dma_start3A_173 = tpu.memref_squeeze %dma_start3A_172 : memref<1x128xf32, #tpu.memory_space<vmem>> -> memref<128xf32, #tpu.memory_space<vmem>>
        %dma_start3A_174 = arith.constant 0 : i32
        %dma_start3A_175 = tpu.memref_slice %arg5[%scan3A_171, %dma_start3A_174] : memref<88x128xi32, #tpu.memory_space<vmem>> -> memref<1x128xi32, #tpu.memory_space<vmem>>
        %dma_start3A_176 = tpu.memref_squeeze %dma_start3A_175 : memref<1x128xi32, #tpu.memory_space<vmem>> -> memref<128xi32, #tpu.memory_space<vmem>>
        %dma_start3A_177 = arith.constant 0 : i32
        %dma_start3A_178 = tpu.memref_slice %arg8[%dma_start3A_177] : memref<10240xf32, #tpu.memory_space<vmem_shared>> -> memref<10240xf32, #tpu.memory_space<vmem_shared>>
        tpu.enqueue_indirect_dma source(%dma_start3A_173 : memref<128xf32, #tpu.memory_space<vmem>>) target(%dma_start3A_178 : memref<10240xf32, #tpu.memory_space<vmem_shared>>) offsets(%dma_start3A_176 : memref<128xi32, #tpu.memory_space<vmem>>) semaphore(%run_scoped3A : memref<!tpu.dma_semaphore, #tpu.memory_space<semaphore_mem>>) {add = true}
        %dma_wait3A = arith.constant 0 : i32
        %dma_wait3A_179 = tpu.memref_slice %arg6[%scan3A_171, %dma_wait3A] : memref<88x128xf32, #tpu.memory_space<vmem>> -> memref<1x128xf32, #tpu.memory_space<vmem>>
        %dma_wait3A_180 = tpu.memref_squeeze %dma_wait3A_179 : memref<1x128xf32, #tpu.memory_space<vmem>> -> memref<128xf32, #tpu.memory_space<vmem>>
        %dma_wait3A_181 = arith.constant 0 : i32
        %dma_wait3A_182 = tpu.memref_slice %arg5[%scan3A_171, %dma_wait3A_181] : memref<88x128xi32, #tpu.memory_space<vmem>> -> memref<1x128xi32, #tpu.memory_space<vmem>>
        %dma_wait3A_183 = tpu.memref_squeeze %dma_wait3A_182 : memref<1x128xi32, #tpu.memory_space<vmem>> -> memref<128xi32, #tpu.memory_space<vmem>>
        %dma_wait3A_184 = arith.constant 0 : i32
        %dma_wait3A_185 = tpu.memref_slice %arg8[%dma_wait3A_184] : memref<10240xf32, #tpu.memory_space<vmem_shared>> -> memref<10240xf32, #tpu.memory_space<vmem_shared>>
        tpu.wait_indirect_dma semaphore(%run_scoped3A : memref<!tpu.dma_semaphore, #tpu.memory_space<semaphore_mem>>) src(%dma_wait3A_180 : memref<128xf32, #tpu.memory_space<vmem>>) dst(%dma_wait3A_185 : memref<10240xf32, #tpu.memory_space<vmem_shared>>)
        tpu.yield
      }) : () -> ()
    }
    %scan3A_165 = arith.constant 81 : i32
    %barrier3A_166 = arith.constant 0 : index
    tpu.barrier barrier_id(%barrier3A_166)
    %mul3A_167 = arith.constant 640 : i32
    %mul3A_168 = arith.muli %arg1, %mul3A_167 : i32
    %mul3A_169 = arith.constant 640 : i32
    %mul3A_170 = arith.muli %arg1, %mul3A_169 : i32
    "tpu.region"() ({
      %run_scoped3A = tpu.sem_alloc : memref<!tpu.dma_semaphore, #tpu.memory_space<semaphore_mem>>
      %dma_start3A = tpu.memref_slice %arg4[%arg0, %mul3A_170] : memref<2x10240xf32, #tpu.memory_space<hbm>> -> memref<1x640xf32, #tpu.memory_space<hbm>>
      %dma_start3A_171 = tpu.memref_squeeze %dma_start3A : memref<1x640xf32, #tpu.memory_space<hbm>> -> memref<640xf32, #tpu.memory_space<hbm>>
      %dma_start3A_172 = tpu.memref_slice %arg8[%mul3A_168] : memref<10240xf32, #tpu.memory_space<vmem_shared>> -> memref<640xf32, #tpu.memory_space<vmem_shared>>
      tpu.enqueue_dma source(%dma_start3A_172 : memref<640xf32, #tpu.memory_space<vmem_shared>>) target(%dma_start3A_171 : memref<640xf32, #tpu.memory_space<hbm>>) target_semaphore(%run_scoped3A : memref<!tpu.dma_semaphore, #tpu.memory_space<semaphore_mem>>)
      %dma_wait3A = tpu.memref_slice %arg4[%arg0, %mul3A_170] : memref<2x10240xf32, #tpu.memory_space<hbm>> -> memref<1x640xf32, #tpu.memory_space<hbm>>
      %dma_wait3A_173 = tpu.memref_squeeze %dma_wait3A : memref<1x640xf32, #tpu.memory_space<hbm>> -> memref<640xf32, #tpu.memory_space<hbm>>
      %dma_wait3A_174 = tpu.memref_slice %arg8[%mul3A_168] : memref<10240xf32, #tpu.memory_space<vmem_shared>> -> memref<640xf32, #tpu.memory_space<vmem_shared>>
      tpu.wait_dma2 semaphore(%run_scoped3A : memref<!tpu.dma_semaphore, #tpu.memory_space<semaphore_mem>>) src(%dma_wait3A_174 : memref<640xf32, #tpu.memory_space<vmem_shared>>) dst(%dma_wait3A_173 : memref<640xf32, #tpu.memory_space<hbm>>)
      tpu.yield
    }) : () -> ()
    return
  }
}

#map = affine_map<(d0, d1) -> (0, 0)>
#map1 = affine_map<(d0, d1) -> (0, 0, 0)>
#map2 = affine_map<(d0, d1) -> (0)>
module attributes {stable_mosaic.version = 14 : i64} {
  func.func @_msg_sc(%arg0: i32, %arg1: i32, %arg2: memref<10240x128xf32, #tpu.memory_space<hbm>>, %arg3: memref<32x88x128xi32, #tpu.memory_space<hbm>>, %arg4: memref<32x88x128xi32, #tpu.memory_space<hbm>>, %arg5: memref<32x88x128xf32, #tpu.memory_space<hbm>>, %arg6: memref<10240xf32, #tpu.memory_space<hbm>>, %arg7: memref<2x10240x128xf32, #tpu.memory_space<hbm>>, %arg8: memref<8x128xi32, #tpu.memory_space<vmem>>, %arg9: memref<8x128xi32, #tpu.memory_space<vmem>>, %arg10: memref<8x128xf32, #tpu.memory_space<vmem>>, %arg11: memref<10240xf32, #tpu.memory_space<vmem>>, %arg12: memref<128x128xf32, #tpu.memory_space<vmem>>, %arg13: memref<128xf32, #tpu.memory_space<vmem>>, %arg14: memref<10240x128xf32, #tpu.memory_space<vmem_shared>>, %arg15: memref<!tpu.dma_semaphore, #tpu.memory_space<semaphore_mem>>) attributes {dimension_semantics = [#tpu.dimension_semantics<core_parallel>, #tpu.dimension_semantics<subcore_parallel>], iteration_bounds = array<i64: 2, 16>, scalar_prefetch = 0 : i64, scratch_operands = 8 : i64, tpu.core_type = #tpu.core_type<sc_vector_subcore>, window_params = [{transform_indices = #map}, {transform_indices = #map1}, {transform_indices = #map1}, {transform_indices = #map1}, {transform_indices = #map2}, {transform_indices = #map1}]} {
    %mul3A = arith.constant 16 : i32
    %mul3A_0 = arith.muli %arg0, %mul3A : i32
    %add3A = arith.addi %mul3A_0, %arg1 : i32
    %scan3A = arith.constant 0 : i32
    %scan3A_1 = arith.constant 0 : i32
    %scan3A_2 = arith.constant 128 : i32
    %scan3A_3 = arith.addi %scan3A_1, %scan3A_2 : i32
    %scan3A_4 = arith.constant 1 : i32
    scf.for %scan3A_37 = %scan3A_1 to %scan3A_3 step %scan3A_4  : i32 {
      %broadcast_in_dim3A = arith.constant 0.000000e+00 : f32
      %broadcast_in_dim3A_38 = vector.broadcast %broadcast_in_dim3A : f32 to vector<16xf32>
      %swap3A = arith.index_cast %scan3A_37 : i32 to index
      %swap3A_39 = arith.constant 0 : index
      %swap3A_40 = tpu.vector_load %arg12[%swap3A, %swap3A_39] {strides = array<i32>} : memref<128x128xf32, #tpu.memory_space<vmem>>, vector<16xf32>,
      tpu.vector_store %arg12[%swap3A, %swap3A_39], %broadcast_in_dim3A_38 {strides = array<i32>} : memref<128x128xf32, #tpu.memory_space<vmem>>, vector<16xf32>,
      %broadcast_in_dim3A_41 = arith.constant 0.000000e+00 : f32
      %broadcast_in_dim3A_42 = vector.broadcast %broadcast_in_dim3A_41 : f32 to vector<16xf32>
      %swap3A_43 = arith.index_cast %scan3A_37 : i32 to index
      %swap3A_44 = arith.constant 16 : index
      %swap3A_45 = tpu.vector_load %arg12[%swap3A_43, %swap3A_44] {strides = array<i32>} : memref<128x128xf32, #tpu.memory_space<vmem>>, vector<16xf32>,
      tpu.vector_store %arg12[%swap3A_43, %swap3A_44], %broadcast_in_dim3A_42 {strides = array<i32>} : memref<128x128xf32, #tpu.memory_space<vmem>>, vector<16xf32>,
      %broadcast_in_dim3A_46 = arith.constant 0.000000e+00 : f32
      %broadcast_in_dim3A_47 = vector.broadcast %broadcast_in_dim3A_46 : f32 to vector<16xf32>
      %swap3A_48 = arith.index_cast %scan3A_37 : i32 to index
      %swap3A_49 = arith.constant 32 : index
      %swap3A_50 = tpu.vector_load %arg12[%swap3A_48, %swap3A_49] {strides = array<i32>} : memref<128x128xf32, #tpu.memory_space<vmem>>, vector<16xf32>,
      tpu.vector_store %arg12[%swap3A_48, %swap3A_49], %broadcast_in_dim3A_47 {strides = array<i32>} : memref<128x128xf32, #tpu.memory_space<vmem>>, vector<16xf32>,
      %broadcast_in_dim3A_51 = arith.constant 0.000000e+00 : f32
      %broadcast_in_dim3A_52 = vector.broadcast %broadcast_in_dim3A_51 : f32 to vector<16xf32>
      %swap3A_53 = arith.index_cast %scan3A_37 : i32 to index
      %swap3A_54 = arith.constant 48 : index
      %swap3A_55 = tpu.vector_load %arg12[%swap3A_53, %swap3A_54] {strides = array<i32>} : memref<128x128xf32, #tpu.memory_space<vmem>>, vector<16xf32>,
      tpu.vector_store %arg12[%swap3A_53, %swap3A_54], %broadcast_in_dim3A_52 {strides = array<i32>} : memref<128x128xf32, #tpu.memory_space<vmem>>, vector<16xf32>,
      %broadcast_in_dim3A_56 = arith.constant 0.000000e+00 : f32
      %broadcast_in_dim3A_57 = vector.broadcast %broadcast_in_dim3A_56 : f32 to vector<16xf32>
      %swap3A_58 = arith.index_cast %scan3A_37 : i32 to index
      %swap3A_59 = arith.constant 64 : index
      %swap3A_60 = tpu.vector_load %arg12[%swap3A_58, %swap3A_59] {strides = array<i32>} : memref<128x128xf32, #tpu.memory_space<vmem>>, vector<16xf32>,
      tpu.vector_store %arg12[%swap3A_58, %swap3A_59], %broadcast_in_dim3A_57 {strides = array<i32>} : memref<128x128xf32, #tpu.memory_space<vmem>>, vector<16xf32>,
      %broadcast_in_dim3A_61 = arith.constant 0.000000e+00 : f32
      %broadcast_in_dim3A_62 = vector.broadcast %broadcast_in_dim3A_61 : f32 to vector<16xf32>
      %swap3A_63 = arith.index_cast %scan3A_37 : i32 to index
      %swap3A_64 = arith.constant 80 : index
      %swap3A_65 = tpu.vector_load %arg12[%swap3A_63, %swap3A_64] {strides = array<i32>} : memref<128x128xf32, #tpu.memory_space<vmem>>, vector<16xf32>,
      tpu.vector_store %arg12[%swap3A_63, %swap3A_64], %broadcast_in_dim3A_62 {strides = array<i32>} : memref<128x128xf32, #tpu.memory_space<vmem>>, vector<16xf32>,
      %broadcast_in_dim3A_66 = arith.constant 0.000000e+00 : f32
      %broadcast_in_dim3A_67 = vector.broadcast %broadcast_in_dim3A_66 : f32 to vector<16xf32>
      %swap3A_68 = arith.index_cast %scan3A_37 : i32 to index
      %swap3A_69 = arith.constant 96 : index
      %swap3A_70 = tpu.vector_load %arg12[%swap3A_68, %swap3A_69] {strides = array<i32>} : memref<128x128xf32, #tpu.memory_space<vmem>>, vector<16xf32>,
      tpu.vector_store %arg12[%swap3A_68, %swap3A_69], %broadcast_in_dim3A_67 {strides = array<i32>} : memref<128x128xf32, #tpu.memory_space<vmem>>, vector<16xf32>,
      %broadcast_in_dim3A_71 = arith.constant 0.000000e+00 : f32
      %broadcast_in_dim3A_72 = vector.broadcast %broadcast_in_dim3A_71 : f32 to vector<16xf32>
      %swap3A_73 = arith.index_cast %scan3A_37 : i32 to index
      %swap3A_74 = arith.constant 112 : index
      %swap3A_75 = tpu.vector_load %arg12[%swap3A_73, %swap3A_74] {strides = array<i32>} : memref<128x128xf32, #tpu.memory_space<vmem>>, vector<16xf32>,
      tpu.vector_store %arg12[%swap3A_73, %swap3A_74], %broadcast_in_dim3A_72 {strides = array<i32>} : memref<128x128xf32, #tpu.memory_space<vmem>>, vector<16xf32>,
    }
    %scan3A_5 = arith.constant 128 : i32
    %mul3A_6 = arith.constant 640 : i32
    %mul3A_7 = arith.muli %arg1, %mul3A_6 : i32
    %add3A_8 = arith.constant 0 : i32
    %add3A_9 = arith.addi %mul3A_7, %add3A_8 : i32
    "tpu.region"() ({
      %run_scoped3A = tpu.sem_alloc : memref<!tpu.dma_semaphore, #tpu.memory_space<semaphore_mem>>
      %dma_start3A = arith.constant 0 : i32
      %dma_start3A_37 = tpu.memref_slice %arg14[%add3A_9, %dma_start3A] : memref<10240x128xf32, #tpu.memory_space<vmem_shared>> -> memref<128x128xf32, #tpu.memory_space<vmem_shared>>
      %dma_start3A_38 = arith.constant 0 : i32
      %dma_start3A_39 = tpu.memref_slice %arg14[%add3A_9, %dma_start3A_38] : memref<10240x128xf32, #tpu.memory_space<vmem_shared>> -> memref<128x128xf32, #tpu.memory_space<vmem_shared>>
      tpu.enqueue_dma source(%arg12 : memref<128x128xf32, #tpu.memory_space<vmem>>) target(%dma_start3A_39 : memref<128x128xf32, #tpu.memory_space<vmem_shared>>) target_semaphore(%run_scoped3A : memref<!tpu.dma_semaphore, #tpu.memory_space<semaphore_mem>>)
      %dma_wait3A = arith.constant 0 : i32
      %dma_wait3A_40 = tpu.memref_slice %arg14[%add3A_9, %dma_wait3A] : memref<10240x128xf32, #tpu.memory_space<vmem_shared>> -> memref<128x128xf32, #tpu.memory_space<vmem_shared>>
      %dma_wait3A_41 = arith.constant 0 : i32
      %dma_wait3A_42 = tpu.memref_slice %arg14[%add3A_9, %dma_wait3A_41] : memref<10240x128xf32, #tpu.memory_space<vmem_shared>> -> memref<128x128xf32, #tpu.memory_space<vmem_shared>>
      tpu.wait_dma2 semaphore(%run_scoped3A : memref<!tpu.dma_semaphore, #tpu.memory_space<semaphore_mem>>) src(%arg12 : memref<128x128xf32, #tpu.memory_space<vmem>>) dst(%dma_wait3A_42 : memref<128x128xf32, #tpu.memory_space<vmem_shared>>)
      tpu.yield
    }) : () -> ()
    %mul3A_10 = arith.constant 640 : i32
    %mul3A_11 = arith.muli %arg1, %mul3A_10 : i32
    %add3A_12 = arith.constant 128 : i32
    %add3A_13 = arith.addi %mul3A_11, %add3A_12 : i32
    "tpu.region"() ({
      %run_scoped3A = tpu.sem_alloc : memref<!tpu.dma_semaphore, #tpu.memory_space<semaphore_mem>>
      %dma_start3A = arith.constant 0 : i32
      %dma_start3A_37 = tpu.memref_slice %arg14[%add3A_13, %dma_start3A] : memref<10240x128xf32, #tpu.memory_space<vmem_shared>> -> memref<128x128xf32, #tpu.memory_space<vmem_shared>>
      %dma_start3A_38 = arith.constant 0 : i32
      %dma_start3A_39 = tpu.memref_slice %arg14[%add3A_13, %dma_start3A_38] : memref<10240x128xf32, #tpu.memory_space<vmem_shared>> -> memref<128x128xf32, #tpu.memory_space<vmem_shared>>
      tpu.enqueue_dma source(%arg12 : memref<128x128xf32, #tpu.memory_space<vmem>>) target(%dma_start3A_39 : memref<128x128xf32, #tpu.memory_space<vmem_shared>>) target_semaphore(%run_scoped3A : memref<!tpu.dma_semaphore, #tpu.memory_space<semaphore_mem>>)
      %dma_wait3A = arith.constant 0 : i32
      %dma_wait3A_40 = tpu.memref_slice %arg14[%add3A_13, %dma_wait3A] : memref<10240x128xf32, #tpu.memory_space<vmem_shared>> -> memref<128x128xf32, #tpu.memory_space<vmem_shared>>
      %dma_wait3A_41 = arith.constant 0 : i32
      %dma_wait3A_42 = tpu.memref_slice %arg14[%add3A_13, %dma_wait3A_41] : memref<10240x128xf32, #tpu.memory_space<vmem_shared>> -> memref<128x128xf32, #tpu.memory_space<vmem_shared>>
      tpu.wait_dma2 semaphore(%run_scoped3A : memref<!tpu.dma_semaphore, #tpu.memory_space<semaphore_mem>>) src(%arg12 : memref<128x128xf32, #tpu.memory_space<vmem>>) dst(%dma_wait3A_42 : memref<128x128xf32, #tpu.memory_space<vmem_shared>>)
      tpu.yield
    }) : () -> ()
    %mul3A_14 = arith.constant 640 : i32
    %mul3A_15 = arith.muli %arg1, %mul3A_14 : i32
    %add3A_16 = arith.constant 256 : i32
    %add3A_17 = arith.addi %mul3A_15, %add3A_16 : i32
    "tpu.region"() ({
      %run_scoped3A = tpu.sem_alloc : memref<!tpu.dma_semaphore, #tpu.memory_space<semaphore_mem>>
      %dma_start3A = arith.constant 0 : i32
      %dma_start3A_37 = tpu.memref_slice %arg14[%add3A_17, %dma_start3A] : memref<10240x128xf32, #tpu.memory_space<vmem_shared>> -> memref<128x128xf32, #tpu.memory_space<vmem_shared>>
      %dma_start3A_38 = arith.constant 0 : i32
      %dma_start3A_39 = tpu.memref_slice %arg14[%add3A_17, %dma_start3A_38] : memref<10240x128xf32, #tpu.memory_space<vmem_shared>> -> memref<128x128xf32, #tpu.memory_space<vmem_shared>>
      tpu.enqueue_dma source(%arg12 : memref<128x128xf32, #tpu.memory_space<vmem>>) target(%dma_start3A_39 : memref<128x128xf32, #tpu.memory_space<vmem_shared>>) target_semaphore(%run_scoped3A : memref<!tpu.dma_semaphore, #tpu.memory_space<semaphore_mem>>)
      %dma_wait3A = arith.constant 0 : i32
      %dma_wait3A_40 = tpu.memref_slice %arg14[%add3A_17, %dma_wait3A] : memref<10240x128xf32, #tpu.memory_space<vmem_shared>> -> memref<128x128xf32, #tpu.memory_space<vmem_shared>>
      %dma_wait3A_41 = arith.constant 0 : i32
      %dma_wait3A_42 = tpu.memref_slice %arg14[%add3A_17, %dma_wait3A_41] : memref<10240x128xf32, #tpu.memory_space<vmem_shared>> -> memref<128x128xf32, #tpu.memory_space<vmem_shared>>
      tpu.wait_dma2 semaphore(%run_scoped3A : memref<!tpu.dma_semaphore, #tpu.memory_space<semaphore_mem>>) src(%arg12 : memref<128x128xf32, #tpu.memory_space<vmem>>) dst(%dma_wait3A_42 : memref<128x128xf32, #tpu.memory_space<vmem_shared>>)
      tpu.yield
    }) : () -> ()
    %mul3A_18 = arith.constant 640 : i32
    %mul3A_19 = arith.muli %arg1, %mul3A_18 : i32
    %add3A_20 = arith.constant 384 : i32
    %add3A_21 = arith.addi %mul3A_19, %add3A_20 : i32
    "tpu.region"() ({
      %run_scoped3A = tpu.sem_alloc : memref<!tpu.dma_semaphore, #tpu.memory_space<semaphore_mem>>
      %dma_start3A = arith.constant 0 : i32
      %dma_start3A_37 = tpu.memref_slice %arg14[%add3A_21, %dma_start3A] : memref<10240x128xf32, #tpu.memory_space<vmem_shared>> -> memref<128x128xf32, #tpu.memory_space<vmem_shared>>
      %dma_start3A_38 = arith.constant 0 : i32
      %dma_start3A_39 = tpu.memref_slice %arg14[%add3A_21, %dma_start3A_38] : memref<10240x128xf32, #tpu.memory_space<vmem_shared>> -> memref<128x128xf32, #tpu.memory_space<vmem_shared>>
      tpu.enqueue_dma source(%arg12 : memref<128x128xf32, #tpu.memory_space<vmem>>) target(%dma_start3A_39 : memref<128x128xf32, #tpu.memory_space<vmem_shared>>) target_semaphore(%run_scoped3A : memref<!tpu.dma_semaphore, #tpu.memory_space<semaphore_mem>>)
      %dma_wait3A = arith.constant 0 : i32
      %dma_wait3A_40 = tpu.memref_slice %arg14[%add3A_21, %dma_wait3A] : memref<10240x128xf32, #tpu.memory_space<vmem_shared>> -> memref<128x128xf32, #tpu.memory_space<vmem_shared>>
      %dma_wait3A_41 = arith.constant 0 : i32
      %dma_wait3A_42 = tpu.memref_slice %arg14[%add3A_21, %dma_wait3A_41] : memref<10240x128xf32, #tpu.memory_space<vmem_shared>> -> memref<128x128xf32, #tpu.memory_space<vmem_shared>>
      tpu.wait_dma2 semaphore(%run_scoped3A : memref<!tpu.dma_semaphore, #tpu.memory_space<semaphore_mem>>) src(%arg12 : memref<128x128xf32, #tpu.memory_space<vmem>>) dst(%dma_wait3A_42 : memref<128x128xf32, #tpu.memory_space<vmem_shared>>)
      tpu.yield
    }) : () -> ()
    %mul3A_22 = arith.constant 640 : i32
    %mul3A_23 = arith.muli %arg1, %mul3A_22 : i32
    %add3A_24 = arith.constant 512 : i32
    %add3A_25 = arith.addi %mul3A_23, %add3A_24 : i32
    "tpu.region"() ({
      %run_scoped3A = tpu.sem_alloc : memref<!tpu.dma_semaphore, #tpu.memory_space<semaphore_mem>>
      %dma_start3A = arith.constant 0 : i32
      %dma_start3A_37 = tpu.memref_slice %arg14[%add3A_25, %dma_start3A] : memref<10240x128xf32, #tpu.memory_space<vmem_shared>> -> memref<128x128xf32, #tpu.memory_space<vmem_shared>>
      %dma_start3A_38 = arith.constant 0 : i32
      %dma_start3A_39 = tpu.memref_slice %arg14[%add3A_25, %dma_start3A_38] : memref<10240x128xf32, #tpu.memory_space<vmem_shared>> -> memref<128x128xf32, #tpu.memory_space<vmem_shared>>
      tpu.enqueue_dma source(%arg12 : memref<128x128xf32, #tpu.memory_space<vmem>>) target(%dma_start3A_39 : memref<128x128xf32, #tpu.memory_space<vmem_shared>>) target_semaphore(%run_scoped3A : memref<!tpu.dma_semaphore, #tpu.memory_space<semaphore_mem>>)
      %dma_wait3A = arith.constant 0 : i32
      %dma_wait3A_40 = tpu.memref_slice %arg14[%add3A_25, %dma_wait3A] : memref<10240x128xf32, #tpu.memory_space<vmem_shared>> -> memref<128x128xf32, #tpu.memory_space<vmem_shared>>
      %dma_wait3A_41 = arith.constant 0 : i32
      %dma_wait3A_42 = tpu.memref_slice %arg14[%add3A_25, %dma_wait3A_41] : memref<10240x128xf32, #tpu.memory_space<vmem_shared>> -> memref<128x128xf32, #tpu.memory_space<vmem_shared>>
      tpu.wait_dma2 semaphore(%run_scoped3A : memref<!tpu.dma_semaphore, #tpu.memory_space<semaphore_mem>>) src(%arg12 : memref<128x128xf32, #tpu.memory_space<vmem>>) dst(%dma_wait3A_42 : memref<128x128xf32, #tpu.memory_space<vmem_shared>>)
      tpu.yield
    }) : () -> ()
    %barrier3A = arith.constant 0 : index
    tpu.barrier barrier_id(%barrier3A)
    "tpu.region"() ({
      %run_scoped3A = tpu.sem_alloc : memref<!tpu.dma_semaphore, #tpu.memory_space<semaphore_mem>>
      tpu.enqueue_dma source(%arg6 : memref<10240xf32, #tpu.memory_space<hbm>>) target(%arg11 : memref<10240xf32, #tpu.memory_space<vmem>>) target_semaphore(%run_scoped3A : memref<!tpu.dma_semaphore, #tpu.memory_space<semaphore_mem>>)
      tpu.wait_dma2 semaphore(%run_scoped3A : memref<!tpu.dma_semaphore, #tpu.memory_space<semaphore_mem>>) src(%arg6 : memref<10240xf32, #tpu.memory_space<hbm>>) dst(%arg11 : memref<10240xf32, #tpu.memory_space<vmem>>)
      tpu.yield
    }) : () -> ()
    %scan3A_26 = arith.constant 0 : i32
    %scan3A_27 = arith.constant 0 : i32
    %scan3A_28 = arith.constant 11 : i32
    %scan3A_29 = arith.addi %scan3A_27, %scan3A_28 : i32
    %scan3A_30 = arith.constant 1 : i32
    scf.for %scan3A_37 = %scan3A_27 to %scan3A_29 step %scan3A_30  : i32 {
      %mul3A_38 = arith.constant 8 : i32
      %mul3A_39 = arith.muli %scan3A_37, %mul3A_38 : i32
      "tpu.region"() ({
        %run_scoped3A = tpu.sem_alloc : memref<!tpu.dma_semaphore, #tpu.memory_space<semaphore_mem>>
        %dma_start3A = arith.constant 0 : i32
        %dma_start3A_57 = tpu.memref_slice %arg3[%add3A, %mul3A_39, %dma_start3A] : memref<32x88x128xi32, #tpu.memory_space<hbm>> -> memref<1x8x128xi32, #tpu.memory_space<hbm>>
        %dma_start3A_58 = tpu.memref_squeeze %dma_start3A_57 : memref<1x8x128xi32, #tpu.memory_space<hbm>> -> memref<8x128xi32, #tpu.memory_space<hbm>>
        %dma_start3A_59 = arith.constant 0 : i32
        %dma_start3A_60 = tpu.memref_slice %arg3[%add3A, %mul3A_39, %dma_start3A_59] : memref<32x88x128xi32, #tpu.memory_space<hbm>> -> memref<1x8x128xi32, #tpu.memory_space<hbm>>
        %dma_start3A_61 = tpu.memref_squeeze %dma_start3A_60 : memref<1x8x128xi32, #tpu.memory_space<hbm>> -> memref<8x128xi32, #tpu.memory_space<hbm>>
        tpu.enqueue_dma source(%dma_start3A_61 : memref<8x128xi32, #tpu.memory_space<hbm>>) target(%arg8 : memref<8x128xi32, #tpu.memory_space<vmem>>) target_semaphore(%run_scoped3A : memref<!tpu.dma_semaphore, #tpu.memory_space<semaphore_mem>>)
        %dma_wait3A = arith.constant 0 : i32
        %dma_wait3A_62 = tpu.memref_slice %arg3[%add3A, %mul3A_39, %dma_wait3A] : memref<32x88x128xi32, #tpu.memory_space<hbm>> -> memref<1x8x128xi32, #tpu.memory_space<hbm>>
        %dma_wait3A_63 = tpu.memref_squeeze %dma_wait3A_62 : memref<1x8x128xi32, #tpu.memory_space<hbm>> -> memref<8x128xi32, #tpu.memory_space<hbm>>
        %dma_wait3A_64 = arith.constant 0 : i32
        %dma_wait3A_65 = tpu.memref_slice %arg3[%add3A, %mul3A_39, %dma_wait3A_64] : memref<32x88x128xi32, #tpu.memory_space<hbm>> -> memref<1x8x128xi32, #tpu.memory_space<hbm>>
        %dma_wait3A_66 = tpu.memref_squeeze %dma_wait3A_65 : memref<1x8x128xi32, #tpu.memory_space<hbm>> -> memref<8x128xi32, #tpu.memory_space<hbm>>
        tpu.wait_dma2 semaphore(%run_scoped3A : memref<!tpu.dma_semaphore, #tpu.memory_space<semaphore_mem>>) src(%dma_wait3A_66 : memref<8x128xi32, #tpu.memory_space<hbm>>) dst(%arg8 : memref<8x128xi32, #tpu.memory_space<vmem>>)
        tpu.yield
      }) : () -> ()
      %mul3A_40 = arith.constant 8 : i32
      %mul3A_41 = arith.muli %scan3A_37, %mul3A_40 : i32
      "tpu.region"() ({
        %run_scoped3A = tpu.sem_alloc : memref<!tpu.dma_semaphore, #tpu.memory_space<semaphore_mem>>
        %dma_start3A = arith.constant 0 : i32
        %dma_start3A_57 = tpu.memref_slice %arg4[%add3A, %mul3A_41, %dma_start3A] : memref<32x88x128xi32, #tpu.memory_space<hbm>> -> memref<1x8x128xi32, #tpu.memory_space<hbm>>
        %dma_start3A_58 = tpu.memref_squeeze %dma_start3A_57 : memref<1x8x128xi32, #tpu.memory_space<hbm>> -> memref<8x128xi32, #tpu.memory_space<hbm>>
        %dma_start3A_59 = arith.constant 0 : i32
        %dma_start3A_60 = tpu.memref_slice %arg4[%add3A, %mul3A_41, %dma_start3A_59] : memref<32x88x128xi32, #tpu.memory_space<hbm>> -> memref<1x8x128xi32, #tpu.memory_space<hbm>>
        %dma_start3A_61 = tpu.memref_squeeze %dma_start3A_60 : memref<1x8x128xi32, #tpu.memory_space<hbm>> -> memref<8x128xi32, #tpu.memory_space<hbm>>
        tpu.enqueue_dma source(%dma_start3A_61 : memref<8x128xi32, #tpu.memory_space<hbm>>) target(%arg9 : memref<8x128xi32, #tpu.memory_space<vmem>>) target_semaphore(%run_scoped3A : memref<!tpu.dma_semaphore, #tpu.memory_space<semaphore_mem>>)
        %dma_wait3A = arith.constant 0 : i32
        %dma_wait3A_62 = tpu.memref_slice %arg4[%add3A, %mul3A_41, %dma_wait3A] : memref<32x88x128xi32, #tpu.memory_space<hbm>> -> memref<1x8x128xi32, #tpu.memory_space<hbm>>
        %dma_wait3A_63 = tpu.memref_squeeze %dma_wait3A_62 : memref<1x8x128xi32, #tpu.memory_space<hbm>> -> memref<8x128xi32, #tpu.memory_space<hbm>>
        %dma_wait3A_64 = arith.constant 0 : i32
        %dma_wait3A_65 = tpu.memref_slice %arg4[%add3A, %mul3A_41, %dma_wait3A_64] : memref<32x88x128xi32, #tpu.memory_space<hbm>> -> memref<1x8x128xi32, #tpu.memory_space<hbm>>
        %dma_wait3A_66 = tpu.memref_squeeze %dma_wait3A_65 : memref<1x8x128xi32, #tpu.memory_space<hbm>> -> memref<8x128xi32, #tpu.memory_space<hbm>>
        tpu.wait_dma2 semaphore(%run_scoped3A : memref<!tpu.dma_semaphore, #tpu.memory_space<semaphore_mem>>) src(%dma_wait3A_66 : memref<8x128xi32, #tpu.memory_space<hbm>>) dst(%arg9 : memref<8x128xi32, #tpu.memory_space<vmem>>)
        tpu.yield
      }) : () -> ()
      %mul3A_42 = arith.constant 8 : i32
      %mul3A_43 = arith.muli %scan3A_37, %mul3A_42 : i32
      "tpu.region"() ({
        %run_scoped3A = tpu.sem_alloc : memref<!tpu.dma_semaphore, #tpu.memory_space<semaphore_mem>>
        %dma_start3A = arith.constant 0 : i32
        %dma_start3A_57 = tpu.memref_slice %arg5[%add3A, %mul3A_43, %dma_start3A] : memref<32x88x128xf32, #tpu.memory_space<hbm>> -> memref<1x8x128xf32, #tpu.memory_space<hbm>>
        %dma_start3A_58 = tpu.memref_squeeze %dma_start3A_57 : memref<1x8x128xf32, #tpu.memory_space<hbm>> -> memref<8x128xf32, #tpu.memory_space<hbm>>
        %dma_start3A_59 = arith.constant 0 : i32
        %dma_start3A_60 = tpu.memref_slice %arg5[%add3A, %mul3A_43, %dma_start3A_59] : memref<32x88x128xf32, #tpu.memory_space<hbm>> -> memref<1x8x128xf32, #tpu.memory_space<hbm>>
        %dma_start3A_61 = tpu.memref_squeeze %dma_start3A_60 : memref<1x8x128xf32, #tpu.memory_space<hbm>> -> memref<8x128xf32, #tpu.memory_space<hbm>>
        tpu.enqueue_dma source(%dma_start3A_61 : memref<8x128xf32, #tpu.memory_space<hbm>>) target(%arg10 : memref<8x128xf32, #tpu.memory_space<vmem>>) target_semaphore(%run_scoped3A : memref<!tpu.dma_semaphore, #tpu.memory_space<semaphore_mem>>)
        %dma_wait3A = arith.constant 0 : i32
        %dma_wait3A_62 = tpu.memref_slice %arg5[%add3A, %mul3A_43, %dma_wait3A] : memref<32x88x128xf32, #tpu.memory_space<hbm>> -> memref<1x8x128xf32, #tpu.memory_space<hbm>>
        %dma_wait3A_63 = tpu.memref_squeeze %dma_wait3A_62 : memref<1x8x128xf32, #tpu.memory_space<hbm>> -> memref<8x128xf32, #tpu.memory_space<hbm>>
        %dma_wait3A_64 = arith.constant 0 : i32
        %dma_wait3A_65 = tpu.memref_slice %arg5[%add3A, %mul3A_43, %dma_wait3A_64] : memref<32x88x128xf32, #tpu.memory_space<hbm>> -> memref<1x8x128xf32, #tpu.memory_space<hbm>>
        %dma_wait3A_66 = tpu.memref_squeeze %dma_wait3A_65 : memref<1x8x128xf32, #tpu.memory_space<hbm>> -> memref<8x128xf32, #tpu.memory_space<hbm>>
        tpu.wait_dma2 semaphore(%run_scoped3A : memref<!tpu.dma_semaphore, #tpu.memory_space<semaphore_mem>>) src(%dma_wait3A_66 : memref<8x128xf32, #tpu.memory_space<hbm>>) dst(%arg10 : memref<8x128xf32, #tpu.memory_space<vmem>>)
        tpu.yield
      }) : () -> ()
      %mul3A_44 = arith.constant 8 : i32
      %mul3A_45 = arith.muli %scan3A_37, %mul3A_44 : i32
      %sub3A = arith.constant 81 : i32
      %sub3A_46 = arith.subi %sub3A, %mul3A_45 : i32
      %min3A = arith.constant 8 : i32
      %min3A_47 = arith.minsi %min3A, %sub3A_46 : i32
      %while3A = arith.constant 0 : i32
      %while3A_48 = arith.constant 0 : i32
      %while3A_49 = arith.subi %min3A_47, %while3A_48 : i32
      %while3A_50 = arith.addi %while3A_48, %while3A_49 : i32
      %while3A_51 = arith.constant 1 : i32
      %while3A_52 = arith.divsi %while3A_49, %while3A_51 : i32
      %while3A_53 = arith.muli %while3A_52, %while3A_51 : i32
      %while3A_54 = arith.addi %while3A_48, %while3A_53 : i32
      %while3A_55 = arith.constant 1 : i32
      scf.for %while3A_57 = %while3A_48 to %while3A_54 step %while3A_55  : i32 {
        %get3A = arith.index_cast %while3A_57 : i32 to index
        %get3A_58 = arith.constant 0 : index
        %get3A_59 = tpu.vector_load %arg8[%get3A, %get3A_58] {strides = array<i32>} : memref<8x128xi32, #tpu.memory_space<vmem>>, vector<16xi32>,
        %get3A_60 = arith.index_cast %while3A_57 : i32 to index
        %get3A_61 = arith.constant 0 : index
        %get3A_62 = tpu.vector_load %arg9[%get3A_60, %get3A_61] {strides = array<i32>} : memref<8x128xi32, #tpu.memory_space<vmem>>, vector<16xi32>,
        %gather3A = tpu.vector_load_idx %arg11[%get3A_59] : memref<10240xf32, #tpu.memory_space<vmem>>[vector<16xi32>], vector<16xf32>,
        %gather3A_63 = tpu.vector_load_idx %arg11[%get3A_62] : memref<10240xf32, #tpu.memory_space<vmem>>[vector<16xi32>], vector<16xf32>,
        %get3A_64 = arith.index_cast %while3A_57 : i32 to index
        %get3A_65 = arith.constant 0 : index
        %get3A_66 = tpu.vector_load %arg10[%get3A_64, %get3A_65] {strides = array<i32>} : memref<8x128xf32, #tpu.memory_space<vmem>>, vector<16xf32>,
        %mul3A_67 = arith.mulf %gather3A, %get3A_66 : vector<16xf32>
        %mul3A_68 = arith.mulf %mul3A_67, %gather3A_63 : vector<16xf32>
        %swap3A = arith.constant 0 : index
        %swap3A_69 = tpu.vector_load %arg13[%swap3A] {strides = array<i32>} : memref<128xf32, #tpu.memory_space<vmem>>, vector<16xf32>,
        tpu.vector_store %arg13[%swap3A], %mul3A_68 {strides = array<i32>} : memref<128xf32, #tpu.memory_space<vmem>>, vector<16xf32>,
        %get3A_70 = arith.index_cast %while3A_57 : i32 to index
        %get3A_71 = arith.constant 16 : index
        %get3A_72 = tpu.vector_load %arg8[%get3A_70, %get3A_71] {strides = array<i32>} : memref<8x128xi32, #tpu.memory_space<vmem>>, vector<16xi32>,
        %get3A_73 = arith.index_cast %while3A_57 : i32 to index
        %get3A_74 = arith.constant 16 : index
        %get3A_75 = tpu.vector_load %arg9[%get3A_73, %get3A_74] {strides = array<i32>} : memref<8x128xi32, #tpu.memory_space<vmem>>, vector<16xi32>,
        %gather3A_76 = tpu.vector_load_idx %arg11[%get3A_72] : memref<10240xf32, #tpu.memory_space<vmem>>[vector<16xi32>], vector<16xf32>,
        %gather3A_77 = tpu.vector_load_idx %arg11[%get3A_75] : memref<10240xf32, #tpu.memory_space<vmem>>[vector<16xi32>], vector<16xf32>,
        %get3A_78 = arith.index_cast %while3A_57 : i32 to index
        %get3A_79 = arith.constant 16 : index
        %get3A_80 = tpu.vector_load %arg10[%get3A_78, %get3A_79] {strides = array<i32>} : memref<8x128xf32, #tpu.memory_space<vmem>>, vector<16xf32>,
        %mul3A_81 = arith.mulf %gather3A_76, %get3A_80 : vector<16xf32>
        %mul3A_82 = arith.mulf %mul3A_81, %gather3A_77 : vector<16xf32>
        %swap3A_83 = arith.constant 16 : index
        %swap3A_84 = tpu.vector_load %arg13[%swap3A_83] {strides = array<i32>} : memref<128xf32, #tpu.memory_space<vmem>>, vector<16xf32>,
        tpu.vector_store %arg13[%swap3A_83], %mul3A_82 {strides = array<i32>} : memref<128xf32, #tpu.memory_space<vmem>>, vector<16xf32>,
        %get3A_85 = arith.index_cast %while3A_57 : i32 to index
        %get3A_86 = arith.constant 32 : index
        %get3A_87 = tpu.vector_load %arg8[%get3A_85, %get3A_86] {strides = array<i32>} : memref<8x128xi32, #tpu.memory_space<vmem>>, vector<16xi32>,
        %get3A_88 = arith.index_cast %while3A_57 : i32 to index
        %get3A_89 = arith.constant 32 : index
        %get3A_90 = tpu.vector_load %arg9[%get3A_88, %get3A_89] {strides = array<i32>} : memref<8x128xi32, #tpu.memory_space<vmem>>, vector<16xi32>,
        %gather3A_91 = tpu.vector_load_idx %arg11[%get3A_87] : memref<10240xf32, #tpu.memory_space<vmem>>[vector<16xi32>], vector<16xf32>,
        %gather3A_92 = tpu.vector_load_idx %arg11[%get3A_90] : memref<10240xf32, #tpu.memory_space<vmem>>[vector<16xi32>], vector<16xf32>,
        %get3A_93 = arith.index_cast %while3A_57 : i32 to index
        %get3A_94 = arith.constant 32 : index
        %get3A_95 = tpu.vector_load %arg10[%get3A_93, %get3A_94] {strides = array<i32>} : memref<8x128xf32, #tpu.memory_space<vmem>>, vector<16xf32>,
        %mul3A_96 = arith.mulf %gather3A_91, %get3A_95 : vector<16xf32>
        %mul3A_97 = arith.mulf %mul3A_96, %gather3A_92 : vector<16xf32>
        %swap3A_98 = arith.constant 32 : index
        %swap3A_99 = tpu.vector_load %arg13[%swap3A_98] {strides = array<i32>} : memref<128xf32, #tpu.memory_space<vmem>>, vector<16xf32>,
        tpu.vector_store %arg13[%swap3A_98], %mul3A_97 {strides = array<i32>} : memref<128xf32, #tpu.memory_space<vmem>>, vector<16xf32>,
        %get3A_100 = arith.index_cast %while3A_57 : i32 to index
        %get3A_101 = arith.constant 48 : index
        %get3A_102 = tpu.vector_load %arg8[%get3A_100, %get3A_101] {strides = array<i32>} : memref<8x128xi32, #tpu.memory_space<vmem>>, vector<16xi32>,
        %get3A_103 = arith.index_cast %while3A_57 : i32 to index
        %get3A_104 = arith.constant 48 : index
        %get3A_105 = tpu.vector_load %arg9[%get3A_103, %get3A_104] {strides = array<i32>} : memref<8x128xi32, #tpu.memory_space<vmem>>, vector<16xi32>,
        %gather3A_106 = tpu.vector_load_idx %arg11[%get3A_102] : memref<10240xf32, #tpu.memory_space<vmem>>[vector<16xi32>], vector<16xf32>,
        %gather3A_107 = tpu.vector_load_idx %arg11[%get3A_105] : memref<10240xf32, #tpu.memory_space<vmem>>[vector<16xi32>], vector<16xf32>,
        %get3A_108 = arith.index_cast %while3A_57 : i32 to index
        %get3A_109 = arith.constant 48 : index
        %get3A_110 = tpu.vector_load %arg10[%get3A_108, %get3A_109] {strides = array<i32>} : memref<8x128xf32, #tpu.memory_space<vmem>>, vector<16xf32>,
        %mul3A_111 = arith.mulf %gather3A_106, %get3A_110 : vector<16xf32>
        %mul3A_112 = arith.mulf %mul3A_111, %gather3A_107 : vector<16xf32>
        %swap3A_113 = arith.constant 48 : index
        %swap3A_114 = tpu.vector_load %arg13[%swap3A_113] {strides = array<i32>} : memref<128xf32, #tpu.memory_space<vmem>>, vector<16xf32>,
        tpu.vector_store %arg13[%swap3A_113], %mul3A_112 {strides = array<i32>} : memref<128xf32, #tpu.memory_space<vmem>>, vector<16xf32>,
        %get3A_115 = arith.index_cast %while3A_57 : i32 to index
        %get3A_116 = arith.constant 64 : index
        %get3A_117 = tpu.vector_load %arg8[%get3A_115, %get3A_116] {strides = array<i32>} : memref<8x128xi32, #tpu.memory_space<vmem>>, vector<16xi32>,
        %get3A_118 = arith.index_cast %while3A_57 : i32 to index
        %get3A_119 = arith.constant 64 : index
        %get3A_120 = tpu.vector_load %arg9[%get3A_118, %get3A_119] {strides = array<i32>} : memref<8x128xi32, #tpu.memory_space<vmem>>, vector<16xi32>,
        %gather3A_121 = tpu.vector_load_idx %arg11[%get3A_117] : memref<10240xf32, #tpu.memory_space<vmem>>[vector<16xi32>], vector<16xf32>,
        %gather3A_122 = tpu.vector_load_idx %arg11[%get3A_120] : memref<10240xf32, #tpu.memory_space<vmem>>[vector<16xi32>], vector<16xf32>,
        %get3A_123 = arith.index_cast %while3A_57 : i32 to index
        %get3A_124 = arith.constant 64 : index
        %get3A_125 = tpu.vector_load %arg10[%get3A_123, %get3A_124] {strides = array<i32>} : memref<8x128xf32, #tpu.memory_space<vmem>>, vector<16xf32>,
        %mul3A_126 = arith.mulf %gather3A_121, %get3A_125 : vector<16xf32>
        %mul3A_127 = arith.mulf %mul3A_126, %gather3A_122 : vector<16xf32>
        %swap3A_128 = arith.constant 64 : index
        %swap3A_129 = tpu.vector_load %arg13[%swap3A_128] {strides = array<i32>} : memref<128xf32, #tpu.memory_space<vmem>>, vector<16xf32>,
        tpu.vector_store %arg13[%swap3A_128], %mul3A_127 {strides = array<i32>} : memref<128xf32, #tpu.memory_space<vmem>>, vector<16xf32>,
        %get3A_130 = arith.index_cast %while3A_57 : i32 to index
        %get3A_131 = arith.constant 80 : index
        %get3A_132 = tpu.vector_load %arg8[%get3A_130, %get3A_131] {strides = array<i32>} : memref<8x128xi32, #tpu.memory_space<vmem>>, vector<16xi32>,
        %get3A_133 = arith.index_cast %while3A_57 : i32 to index
        %get3A_134 = arith.constant 80 : index
        %get3A_135 = tpu.vector_load %arg9[%get3A_133, %get3A_134] {strides = array<i32>} : memref<8x128xi32, #tpu.memory_space<vmem>>, vector<16xi32>,
        %gather3A_136 = tpu.vector_load_idx %arg11[%get3A_132] : memref<10240xf32, #tpu.memory_space<vmem>>[vector<16xi32>], vector<16xf32>,
        %gather3A_137 = tpu.vector_load_idx %arg11[%get3A_135] : memref<10240xf32, #tpu.memory_space<vmem>>[vector<16xi32>], vector<16xf32>,
        %get3A_138 = arith.index_cast %while3A_57 : i32 to index
        %get3A_139 = arith.constant 80 : index
        %get3A_140 = tpu.vector_load %arg10[%get3A_138, %get3A_139] {strides = array<i32>} : memref<8x128xf32, #tpu.memory_space<vmem>>, vector<16xf32>,
        %mul3A_141 = arith.mulf %gather3A_136, %get3A_140 : vector<16xf32>
        %mul3A_142 = arith.mulf %mul3A_141, %gather3A_137 : vector<16xf32>
        %swap3A_143 = arith.constant 80 : index
        %swap3A_144 = tpu.vector_load %arg13[%swap3A_143] {strides = array<i32>} : memref<128xf32, #tpu.memory_space<vmem>>, vector<16xf32>,
        tpu.vector_store %arg13[%swap3A_143], %mul3A_142 {strides = array<i32>} : memref<128xf32, #tpu.memory_space<vmem>>, vector<16xf32>,
        %get3A_145 = arith.index_cast %while3A_57 : i32 to index
        %get3A_146 = arith.constant 96 : index
        %get3A_147 = tpu.vector_load %arg8[%get3A_145, %get3A_146] {strides = array<i32>} : memref<8x128xi32, #tpu.memory_space<vmem>>, vector<16xi32>,
        %get3A_148 = arith.index_cast %while3A_57 : i32 to index
        %get3A_149 = arith.constant 96 : index
        %get3A_150 = tpu.vector_load %arg9[%get3A_148, %get3A_149] {strides = array<i32>} : memref<8x128xi32, #tpu.memory_space<vmem>>, vector<16xi32>,
        %gather3A_151 = tpu.vector_load_idx %arg11[%get3A_147] : memref<10240xf32, #tpu.memory_space<vmem>>[vector<16xi32>], vector<16xf32>,
        %gather3A_152 = tpu.vector_load_idx %arg11[%get3A_150] : memref<10240xf32, #tpu.memory_space<vmem>>[vector<16xi32>], vector<16xf32>,
        %get3A_153 = arith.index_cast %while3A_57 : i32 to index
        %get3A_154 = arith.constant 96 : index
        %get3A_155 = tpu.vector_load %arg10[%get3A_153, %get3A_154] {strides = array<i32>} : memref<8x128xf32, #tpu.memory_space<vmem>>, vector<16xf32>,
        %mul3A_156 = arith.mulf %gather3A_151, %get3A_155 : vector<16xf32>
        %mul3A_157 = arith.mulf %mul3A_156, %gather3A_152 : vector<16xf32>
        %swap3A_158 = arith.constant 96 : index
        %swap3A_159 = tpu.vector_load %arg13[%swap3A_158] {strides = array<i32>} : memref<128xf32, #tpu.memory_space<vmem>>, vector<16xf32>,
        tpu.vector_store %arg13[%swap3A_158], %mul3A_157 {strides = array<i32>} : memref<128xf32, #tpu.memory_space<vmem>>, vector<16xf32>,
        %get3A_160 = arith.index_cast %while3A_57 : i32 to index
        %get3A_161 = arith.constant 112 : index
        %get3A_162 = tpu.vector_load %arg8[%get3A_160, %get3A_161] {strides = array<i32>} : memref<8x128xi32, #tpu.memory_space<vmem>>, vector<16xi32>,
        %get3A_163 = arith.index_cast %while3A_57 : i32 to index
        %get3A_164 = arith.constant 112 : index
        %get3A_165 = tpu.vector_load %arg9[%get3A_163, %get3A_164] {strides = array<i32>} : memref<8x128xi32, #tpu.memory_space<vmem>>, vector<16xi32>,
        %gather3A_166 = tpu.vector_load_idx %arg11[%get3A_162] : memref<10240xf32, #tpu.memory_space<vmem>>[vector<16xi32>], vector<16xf32>,
        %gather3A_167 = tpu.vector_load_idx %arg11[%get3A_165] : memref<10240xf32, #tpu.memory_space<vmem>>[vector<16xi32>], vector<16xf32>,
        %get3A_168 = arith.index_cast %while3A_57 : i32 to index
        %get3A_169 = arith.constant 112 : index
        %get3A_170 = tpu.vector_load %arg10[%get3A_168, %get3A_169] {strides = array<i32>} : memref<8x128xf32, #tpu.memory_space<vmem>>, vector<16xf32>,
        %mul3A_171 = arith.mulf %gather3A_166, %get3A_170 : vector<16xf32>
        %mul3A_172 = arith.mulf %mul3A_171, %gather3A_167 : vector<16xf32>
        %swap3A_173 = arith.constant 112 : index
        %swap3A_174 = tpu.vector_load %arg13[%swap3A_173] {strides = array<i32>} : memref<128xf32, #tpu.memory_space<vmem>>, vector<16xf32>,
        tpu.vector_store %arg13[%swap3A_173], %mul3A_172 {strides = array<i32>} : memref<128xf32, #tpu.memory_space<vmem>>, vector<16xf32>,
        %dma_start3A = arith.constant 0 : i32
        %dma_start3A_175 = tpu.memref_slice %arg8[%while3A_57, %dma_start3A] : memref<8x128xi32, #tpu.memory_space<vmem>> -> memref<1x128xi32, #tpu.memory_space<vmem>>
        %dma_start3A_176 = tpu.memref_squeeze %dma_start3A_175 : memref<1x128xi32, #tpu.memory_space<vmem>> -> memref<128xi32, #tpu.memory_space<vmem>>
        %dma_start3A_177 = arith.constant 0 : i32
        %dma_start3A_178 = arith.constant 0 : i32
        %dma_start3A_179 = tpu.memref_slice %arg2[%dma_start3A_177, %dma_start3A_178] : memref<10240x128xf32, #tpu.memory_space<hbm>> -> memref<10240x128xf32, #tpu.memory_space<hbm>>
        tpu.enqueue_indirect_dma source(%dma_start3A_179 : memref<10240x128xf32, #tpu.memory_space<hbm>>) target(%arg12 : memref<128x128xf32, #tpu.memory_space<vmem>>) offsets(%dma_start3A_176 : memref<128xi32, #tpu.memory_space<vmem>>) semaphore(%arg15 : memref<!tpu.dma_semaphore, #tpu.memory_space<semaphore_mem>>)
        %dma_wait3A = arith.constant 0 : i32
        %dma_wait3A_180 = tpu.memref_slice %arg8[%while3A_57, %dma_wait3A] : memref<8x128xi32, #tpu.memory_space<vmem>> -> memref<1x128xi32, #tpu.memory_space<vmem>>
        %dma_wait3A_181 = tpu.memref_squeeze %dma_wait3A_180 : memref<1x128xi32, #tpu.memory_space<vmem>> -> memref<128xi32, #tpu.memory_space<vmem>>
        %dma_wait3A_182 = arith.constant 0 : i32
        %dma_wait3A_183 = arith.constant 0 : i32
        %dma_wait3A_184 = tpu.memref_slice %arg2[%dma_wait3A_182, %dma_wait3A_183] : memref<10240x128xf32, #tpu.memory_space<hbm>> -> memref<10240x128xf32, #tpu.memory_space<hbm>>
        tpu.wait_indirect_dma semaphore(%arg15 : memref<!tpu.dma_semaphore, #tpu.memory_space<semaphore_mem>>) src(%dma_wait3A_184 : memref<10240x128xf32, #tpu.memory_space<hbm>>) dst(%arg12 : memref<128x128xf32, #tpu.memory_space<vmem>>)
        %scan3A_185 = arith.constant 0 : i32
        %scan3A_186 = arith.constant 0 : i32
        %scan3A_187 = arith.constant 128 : i32
        %scan3A_188 = arith.addi %scan3A_186, %scan3A_187 : i32
        %scan3A_189 = arith.constant 1 : i32
        scf.for %scan3A_191 = %scan3A_186 to %scan3A_188 step %scan3A_189  : i32 {
          %broadcast_in_dim3A = vector.broadcast %scan3A_191 : i32 to vector<16xi32>
          %gather3A_192 = tpu.vector_load_idx %arg13[%broadcast_in_dim3A] : memref<128xf32, #tpu.memory_space<vmem>>[vector<16xi32>], vector<16xf32>,
          %get3A_193 = arith.index_cast %scan3A_191 : i32 to index
          %get3A_194 = arith.constant 0 : index
          %get3A_195 = tpu.vector_load %arg12[%get3A_193, %get3A_194] {strides = array<i32>} : memref<128x128xf32, #tpu.memory_space<vmem>>, vector<16xf32>,
          %mul3A_196 = arith.mulf %get3A_195, %gather3A_192 : vector<16xf32>
          %swap3A_197 = arith.index_cast %scan3A_191 : i32 to index
          %swap3A_198 = arith.constant 0 : index
          %swap3A_199 = tpu.vector_load %arg12[%swap3A_197, %swap3A_198] {strides = array<i32>} : memref<128x128xf32, #tpu.memory_space<vmem>>, vector<16xf32>,
          tpu.vector_store %arg12[%swap3A_197, %swap3A_198], %mul3A_196 {strides = array<i32>} : memref<128x128xf32, #tpu.memory_space<vmem>>, vector<16xf32>,
          %get3A_200 = arith.index_cast %scan3A_191 : i32 to index
          %get3A_201 = arith.constant 16 : index
          %get3A_202 = tpu.vector_load %arg12[%get3A_200, %get3A_201] {strides = array<i32>} : memref<128x128xf32, #tpu.memory_space<vmem>>, vector<16xf32>,
          %mul3A_203 = arith.mulf %get3A_202, %gather3A_192 : vector<16xf32>
          %swap3A_204 = arith.index_cast %scan3A_191 : i32 to index
          %swap3A_205 = arith.constant 16 : index
          %swap3A_206 = tpu.vector_load %arg12[%swap3A_204, %swap3A_205] {strides = array<i32>} : memref<128x128xf32, #tpu.memory_space<vmem>>, vector<16xf32>,
          tpu.vector_store %arg12[%swap3A_204, %swap3A_205], %mul3A_203 {strides = array<i32>} : memref<128x128xf32, #tpu.memory_space<vmem>>, vector<16xf32>,
          %get3A_207 = arith.index_cast %scan3A_191 : i32 to index
          %get3A_208 = arith.constant 32 : index
          %get3A_209 = tpu.vector_load %arg12[%get3A_207, %get3A_208] {strides = array<i32>} : memref<128x128xf32, #tpu.memory_space<vmem>>, vector<16xf32>,
          %mul3A_210 = arith.mulf %get3A_209, %gather3A_192 : vector<16xf32>
          %swap3A_211 = arith.index_cast %scan3A_191 : i32 to index
          %swap3A_212 = arith.constant 32 : index
          %swap3A_213 = tpu.vector_load %arg12[%swap3A_211, %swap3A_212] {strides = array<i32>} : memref<128x128xf32, #tpu.memory_space<vmem>>, vector<16xf32>,
          tpu.vector_store %arg12[%swap3A_211, %swap3A_212], %mul3A_210 {strides = array<i32>} : memref<128x128xf32, #tpu.memory_space<vmem>>, vector<16xf32>,
          %get3A_214 = arith.index_cast %scan3A_191 : i32 to index
          %get3A_215 = arith.constant 48 : index
          %get3A_216 = tpu.vector_load %arg12[%get3A_214, %get3A_215] {strides = array<i32>} : memref<128x128xf32, #tpu.memory_space<vmem>>, vector<16xf32>,
          %mul3A_217 = arith.mulf %get3A_216, %gather3A_192 : vector<16xf32>
          %swap3A_218 = arith.index_cast %scan3A_191 : i32 to index
          %swap3A_219 = arith.constant 48 : index
          %swap3A_220 = tpu.vector_load %arg12[%swap3A_218, %swap3A_219] {strides = array<i32>} : memref<128x128xf32, #tpu.memory_space<vmem>>, vector<16xf32>,
          tpu.vector_store %arg12[%swap3A_218, %swap3A_219], %mul3A_217 {strides = array<i32>} : memref<128x128xf32, #tpu.memory_space<vmem>>, vector<16xf32>,
          %get3A_221 = arith.index_cast %scan3A_191 : i32 to index
          %get3A_222 = arith.constant 64 : index
          %get3A_223 = tpu.vector_load %arg12[%get3A_221, %get3A_222] {strides = array<i32>} : memref<128x128xf32, #tpu.memory_space<vmem>>, vector<16xf32>,
          %mul3A_224 = arith.mulf %get3A_223, %gather3A_192 : vector<16xf32>
          %swap3A_225 = arith.index_cast %scan3A_191 : i32 to index
          %swap3A_226 = arith.constant 64 : index
          %swap3A_227 = tpu.vector_load %arg12[%swap3A_225, %swap3A_226] {strides = array<i32>} : memref<128x128xf32, #tpu.memory_space<vmem>>, vector<16xf32>,
          tpu.vector_store %arg12[%swap3A_225, %swap3A_226], %mul3A_224 {strides = array<i32>} : memref<128x128xf32, #tpu.memory_space<vmem>>, vector<16xf32>,
          %get3A_228 = arith.index_cast %scan3A_191 : i32 to index
          %get3A_229 = arith.constant 80 : index
          %get3A_230 = tpu.vector_load %arg12[%get3A_228, %get3A_229] {strides = array<i32>} : memref<128x128xf32, #tpu.memory_space<vmem>>, vector<16xf32>,
          %mul3A_231 = arith.mulf %get3A_230, %gather3A_192 : vector<16xf32>
          %swap3A_232 = arith.index_cast %scan3A_191 : i32 to index
          %swap3A_233 = arith.constant 80 : index
          %swap3A_234 = tpu.vector_load %arg12[%swap3A_232, %swap3A_233] {strides = array<i32>} : memref<128x128xf32, #tpu.memory_space<vmem>>, vector<16xf32>,
          tpu.vector_store %arg12[%swap3A_232, %swap3A_233], %mul3A_231 {strides = array<i32>} : memref<128x128xf32, #tpu.memory_space<vmem>>, vector<16xf32>,
          %get3A_235 = arith.index_cast %scan3A_191 : i32 to index
          %get3A_236 = arith.constant 96 : index
          %get3A_237 = tpu.vector_load %arg12[%get3A_235, %get3A_236] {strides = array<i32>} : memref<128x128xf32, #tpu.memory_space<vmem>>, vector<16xf32>,
          %mul3A_238 = arith.mulf %get3A_237, %gather3A_192 : vector<16xf32>
          %swap3A_239 = arith.index_cast %scan3A_191 : i32 to index
          %swap3A_240 = arith.constant 96 : index
          %swap3A_241 = tpu.vector_load %arg12[%swap3A_239, %swap3A_240] {strides = array<i32>} : memref<128x128xf32, #tpu.memory_space<vmem>>, vector<16xf32>,
          tpu.vector_store %arg12[%swap3A_239, %swap3A_240], %mul3A_238 {strides = array<i32>} : memref<128x128xf32, #tpu.memory_space<vmem>>, vector<16xf32>,
          %get3A_242 = arith.index_cast %scan3A_191 : i32 to index
          %get3A_243 = arith.constant 112 : index
          %get3A_244 = tpu.vector_load %arg12[%get3A_242, %get3A_243] {strides = array<i32>} : memref<128x128xf32, #tpu.memory_space<vmem>>, vector<16xf32>,
          %mul3A_245 = arith.mulf %get3A_244, %gather3A_192 : vector<16xf32>
          %swap3A_246 = arith.index_cast %scan3A_191 : i32 to index
          %swap3A_247 = arith.constant 112 : index
          %swap3A_248 = tpu.vector_load %arg12[%swap3A_246, %swap3A_247] {strides = array<i32>} : memref<128x128xf32, #tpu.memory_space<vmem>>, vector<16xf32>,
          tpu.vector_store %arg12[%swap3A_246, %swap3A_247], %mul3A_245 {strides = array<i32>} : memref<128x128xf32, #tpu.memory_space<vmem>>, vector<16xf32>,
        }
        %scan3A_190 = arith.constant 128 : i32
        "tpu.region"() ({
          %run_scoped3A = tpu.sem_alloc : memref<!tpu.dma_semaphore, #tpu.memory_space<semaphore_mem>>
          %dma_start3A_191 = arith.constant 0 : i32
          %dma_start3A_192 = tpu.memref_slice %arg9[%while3A_57, %dma_start3A_191] : memref<8x128xi32, #tpu.memory_space<vmem>> -> memref<1x128xi32, #tpu.memory_space<vmem>>
          %dma_start3A_193 = tpu.memref_squeeze %dma_start3A_192 : memref<1x128xi32, #tpu.memory_space<vmem>> -> memref<128xi32, #tpu.memory_space<vmem>>
          %dma_start3A_194 = arith.constant 0 : i32
          %dma_start3A_195 = arith.constant 0 : i32
          %dma_start3A_196 = tpu.memref_slice %arg14[%dma_start3A_194, %dma_start3A_195] : memref<10240x128xf32, #tpu.memory_space<vmem_shared>> -> memref<10240x128xf32, #tpu.memory_space<vmem_shared>>
          tpu.enqueue_indirect_dma source(%arg12 : memref<128x128xf32, #tpu.memory_space<vmem>>) target(%dma_start3A_196 : memref<10240x128xf32, #tpu.memory_space<vmem_shared>>) offsets(%dma_start3A_193 : memref<128xi32, #tpu.memory_space<vmem>>) semaphore(%run_scoped3A : memref<!tpu.dma_semaphore, #tpu.memory_space<semaphore_mem>>) {add = true}
          %dma_wait3A_197 = arith.constant 0 : i32
          %dma_wait3A_198 = tpu.memref_slice %arg9[%while3A_57, %dma_wait3A_197] : memref<8x128xi32, #tpu.memory_space<vmem>> -> memref<1x128xi32, #tpu.memory_space<vmem>>
          %dma_wait3A_199 = tpu.memref_squeeze %dma_wait3A_198 : memref<1x128xi32, #tpu.memory_space<vmem>> -> memref<128xi32, #tpu.memory_space<vmem>>
          %dma_wait3A_200 = arith.constant 0 : i32
          %dma_wait3A_201 = arith.constant 0 : i32
          %dma_wait3A_202 = tpu.memref_slice %arg14[%dma_wait3A_200, %dma_wait3A_201] : memref<10240x128xf32, #tpu.memory_space<vmem_shared>> -> memref<10240x128xf32, #tpu.memory_space<vmem_shared>>
          tpu.wait_indirect_dma semaphore(%run_scoped3A : memref<!tpu.dma_semaphore, #tpu.memory_space<semaphore_mem>>) src(%arg12 : memref<128x128xf32, #tpu.memory_space<vmem>>) dst(%dma_wait3A_202 : memref<10240x128xf32, #tpu.memory_space<vmem_shared>>)
          tpu.yield
        }) : () -> ()
      }
      %while3A_56 = arith.constant 1 : i32
      scf.for %while3A_57 = %while3A_54 to %while3A_50 step %while3A_56  : i32 {
        %get3A = arith.index_cast %while3A_57 : i32 to index
        %get3A_58 = arith.constant 0 : index
        %get3A_59 = tpu.vector_load %arg8[%get3A, %get3A_58] {strides = array<i32>} : memref<8x128xi32, #tpu.memory_space<vmem>>, vector<16xi32>,
        %get3A_60 = arith.index_cast %while3A_57 : i32 to index
        %get3A_61 = arith.constant 0 : index
        %get3A_62 = tpu.vector_load %arg9[%get3A_60, %get3A_61] {strides = array<i32>} : memref<8x128xi32, #tpu.memory_space<vmem>>, vector<16xi32>,
        %gather3A = tpu.vector_load_idx %arg11[%get3A_59] : memref<10240xf32, #tpu.memory_space<vmem>>[vector<16xi32>], vector<16xf32>,
        %gather3A_63 = tpu.vector_load_idx %arg11[%get3A_62] : memref<10240xf32, #tpu.memory_space<vmem>>[vector<16xi32>], vector<16xf32>,
        %get3A_64 = arith.index_cast %while3A_57 : i32 to index
        %get3A_65 = arith.constant 0 : index
        %get3A_66 = tpu.vector_load %arg10[%get3A_64, %get3A_65] {strides = array<i32>} : memref<8x128xf32, #tpu.memory_space<vmem>>, vector<16xf32>,
        %mul3A_67 = arith.mulf %gather3A, %get3A_66 : vector<16xf32>
        %mul3A_68 = arith.mulf %mul3A_67, %gather3A_63 : vector<16xf32>
        %swap3A = arith.constant 0 : index
        %swap3A_69 = tpu.vector_load %arg13[%swap3A] {strides = array<i32>} : memref<128xf32, #tpu.memory_space<vmem>>, vector<16xf32>,
        tpu.vector_store %arg13[%swap3A], %mul3A_68 {strides = array<i32>} : memref<128xf32, #tpu.memory_space<vmem>>, vector<16xf32>,
        %get3A_70 = arith.index_cast %while3A_57 : i32 to index
        %get3A_71 = arith.constant 16 : index
        %get3A_72 = tpu.vector_load %arg8[%get3A_70, %get3A_71] {strides = array<i32>} : memref<8x128xi32, #tpu.memory_space<vmem>>, vector<16xi32>,
        %get3A_73 = arith.index_cast %while3A_57 : i32 to index
        %get3A_74 = arith.constant 16 : index
        %get3A_75 = tpu.vector_load %arg9[%get3A_73, %get3A_74] {strides = array<i32>} : memref<8x128xi32, #tpu.memory_space<vmem>>, vector<16xi32>,
        %gather3A_76 = tpu.vector_load_idx %arg11[%get3A_72] : memref<10240xf32, #tpu.memory_space<vmem>>[vector<16xi32>], vector<16xf32>,
        %gather3A_77 = tpu.vector_load_idx %arg11[%get3A_75] : memref<10240xf32, #tpu.memory_space<vmem>>[vector<16xi32>], vector<16xf32>,
        %get3A_78 = arith.index_cast %while3A_57 : i32 to index
        %get3A_79 = arith.constant 16 : index
        %get3A_80 = tpu.vector_load %arg10[%get3A_78, %get3A_79] {strides = array<i32>} : memref<8x128xf32, #tpu.memory_space<vmem>>, vector<16xf32>,
        %mul3A_81 = arith.mulf %gather3A_76, %get3A_80 : vector<16xf32>
        %mul3A_82 = arith.mulf %mul3A_81, %gather3A_77 : vector<16xf32>
        %swap3A_83 = arith.constant 16 : index
        %swap3A_84 = tpu.vector_load %arg13[%swap3A_83] {strides = array<i32>} : memref<128xf32, #tpu.memory_space<vmem>>, vector<16xf32>,
        tpu.vector_store %arg13[%swap3A_83], %mul3A_82 {strides = array<i32>} : memref<128xf32, #tpu.memory_space<vmem>>, vector<16xf32>,
        %get3A_85 = arith.index_cast %while3A_57 : i32 to index
        %get3A_86 = arith.constant 32 : index
        %get3A_87 = tpu.vector_load %arg8[%get3A_85, %get3A_86] {strides = array<i32>} : memref<8x128xi32, #tpu.memory_space<vmem>>, vector<16xi32>,
        %get3A_88 = arith.index_cast %while3A_57 : i32 to index
        %get3A_89 = arith.constant 32 : index
        %get3A_90 = tpu.vector_load %arg9[%get3A_88, %get3A_89] {strides = array<i32>} : memref<8x128xi32, #tpu.memory_space<vmem>>, vector<16xi32>,
        %gather3A_91 = tpu.vector_load_idx %arg11[%get3A_87] : memref<10240xf32, #tpu.memory_space<vmem>>[vector<16xi32>], vector<16xf32>,
        %gather3A_92 = tpu.vector_load_idx %arg11[%get3A_90] : memref<10240xf32, #tpu.memory_space<vmem>>[vector<16xi32>], vector<16xf32>,
        %get3A_93 = arith.index_cast %while3A_57 : i32 to index
        %get3A_94 = arith.constant 32 : index
        %get3A_95 = tpu.vector_load %arg10[%get3A_93, %get3A_94] {strides = array<i32>} : memref<8x128xf32, #tpu.memory_space<vmem>>, vector<16xf32>,
        %mul3A_96 = arith.mulf %gather3A_91, %get3A_95 : vector<16xf32>
        %mul3A_97 = arith.mulf %mul3A_96, %gather3A_92 : vector<16xf32>
        %swap3A_98 = arith.constant 32 : index
        %swap3A_99 = tpu.vector_load %arg13[%swap3A_98] {strides = array<i32>} : memref<128xf32, #tpu.memory_space<vmem>>, vector<16xf32>,
        tpu.vector_store %arg13[%swap3A_98], %mul3A_97 {strides = array<i32>} : memref<128xf32, #tpu.memory_space<vmem>>, vector<16xf32>,
        %get3A_100 = arith.index_cast %while3A_57 : i32 to index
        %get3A_101 = arith.constant 48 : index
        %get3A_102 = tpu.vector_load %arg8[%get3A_100, %get3A_101] {strides = array<i32>} : memref<8x128xi32, #tpu.memory_space<vmem>>, vector<16xi32>,
        %get3A_103 = arith.index_cast %while3A_57 : i32 to index
        %get3A_104 = arith.constant 48 : index
        %get3A_105 = tpu.vector_load %arg9[%get3A_103, %get3A_104] {strides = array<i32>} : memref<8x128xi32, #tpu.memory_space<vmem>>, vector<16xi32>,
        %gather3A_106 = tpu.vector_load_idx %arg11[%get3A_102] : memref<10240xf32, #tpu.memory_space<vmem>>[vector<16xi32>], vector<16xf32>,
        %gather3A_107 = tpu.vector_load_idx %arg11[%get3A_105] : memref<10240xf32, #tpu.memory_space<vmem>>[vector<16xi32>], vector<16xf32>,
        %get3A_108 = arith.index_cast %while3A_57 : i32 to index
        %get3A_109 = arith.constant 48 : index
        %get3A_110 = tpu.vector_load %arg10[%get3A_108, %get3A_109] {strides = array<i32>} : memref<8x128xf32, #tpu.memory_space<vmem>>, vector<16xf32>,
        %mul3A_111 = arith.mulf %gather3A_106, %get3A_110 : vector<16xf32>
        %mul3A_112 = arith.mulf %mul3A_111, %gather3A_107 : vector<16xf32>
        %swap3A_113 = arith.constant 48 : index
        %swap3A_114 = tpu.vector_load %arg13[%swap3A_113] {strides = array<i32>} : memref<128xf32, #tpu.memory_space<vmem>>, vector<16xf32>,
        tpu.vector_store %arg13[%swap3A_113], %mul3A_112 {strides = array<i32>} : memref<128xf32, #tpu.memory_space<vmem>>, vector<16xf32>,
        %get3A_115 = arith.index_cast %while3A_57 : i32 to index
        %get3A_116 = arith.constant 64 : index
        %get3A_117 = tpu.vector_load %arg8[%get3A_115, %get3A_116] {strides = array<i32>} : memref<8x128xi32, #tpu.memory_space<vmem>>, vector<16xi32>,
        %get3A_118 = arith.index_cast %while3A_57 : i32 to index
        %get3A_119 = arith.constant 64 : index
        %get3A_120 = tpu.vector_load %arg9[%get3A_118, %get3A_119] {strides = array<i32>} : memref<8x128xi32, #tpu.memory_space<vmem>>, vector<16xi32>,
        %gather3A_121 = tpu.vector_load_idx %arg11[%get3A_117] : memref<10240xf32, #tpu.memory_space<vmem>>[vector<16xi32>], vector<16xf32>,
        %gather3A_122 = tpu.vector_load_idx %arg11[%get3A_120] : memref<10240xf32, #tpu.memory_space<vmem>>[vector<16xi32>], vector<16xf32>,
        %get3A_123 = arith.index_cast %while3A_57 : i32 to index
        %get3A_124 = arith.constant 64 : index
        %get3A_125 = tpu.vector_load %arg10[%get3A_123, %get3A_124] {strides = array<i32>} : memref<8x128xf32, #tpu.memory_space<vmem>>, vector<16xf32>,
        %mul3A_126 = arith.mulf %gather3A_121, %get3A_125 : vector<16xf32>
        %mul3A_127 = arith.mulf %mul3A_126, %gather3A_122 : vector<16xf32>
        %swap3A_128 = arith.constant 64 : index
        %swap3A_129 = tpu.vector_load %arg13[%swap3A_128] {strides = array<i32>} : memref<128xf32, #tpu.memory_space<vmem>>, vector<16xf32>,
        tpu.vector_store %arg13[%swap3A_128], %mul3A_127 {strides = array<i32>} : memref<128xf32, #tpu.memory_space<vmem>>, vector<16xf32>,
        %get3A_130 = arith.index_cast %while3A_57 : i32 to index
        %get3A_131 = arith.constant 80 : index
        %get3A_132 = tpu.vector_load %arg8[%get3A_130, %get3A_131] {strides = array<i32>} : memref<8x128xi32, #tpu.memory_space<vmem>>, vector<16xi32>,
        %get3A_133 = arith.index_cast %while3A_57 : i32 to index
        %get3A_134 = arith.constant 80 : index
        %get3A_135 = tpu.vector_load %arg9[%get3A_133, %get3A_134] {strides = array<i32>} : memref<8x128xi32, #tpu.memory_space<vmem>>, vector<16xi32>,
        %gather3A_136 = tpu.vector_load_idx %arg11[%get3A_132] : memref<10240xf32, #tpu.memory_space<vmem>>[vector<16xi32>], vector<16xf32>,
        %gather3A_137 = tpu.vector_load_idx %arg11[%get3A_135] : memref<10240xf32, #tpu.memory_space<vmem>>[vector<16xi32>], vector<16xf32>,
        %get3A_138 = arith.index_cast %while3A_57 : i32 to index
        %get3A_139 = arith.constant 80 : index
        %get3A_140 = tpu.vector_load %arg10[%get3A_138, %get3A_139] {strides = array<i32>} : memref<8x128xf32, #tpu.memory_space<vmem>>, vector<16xf32>,
        %mul3A_141 = arith.mulf %gather3A_136, %get3A_140 : vector<16xf32>
        %mul3A_142 = arith.mulf %mul3A_141, %gather3A_137 : vector<16xf32>
        %swap3A_143 = arith.constant 80 : index
        %swap3A_144 = tpu.vector_load %arg13[%swap3A_143] {strides = array<i32>} : memref<128xf32, #tpu.memory_space<vmem>>, vector<16xf32>,
        tpu.vector_store %arg13[%swap3A_143], %mul3A_142 {strides = array<i32>} : memref<128xf32, #tpu.memory_space<vmem>>, vector<16xf32>,
        %get3A_145 = arith.index_cast %while3A_57 : i32 to index
        %get3A_146 = arith.constant 96 : index
        %get3A_147 = tpu.vector_load %arg8[%get3A_145, %get3A_146] {strides = array<i32>} : memref<8x128xi32, #tpu.memory_space<vmem>>, vector<16xi32>,
        %get3A_148 = arith.index_cast %while3A_57 : i32 to index
        %get3A_149 = arith.constant 96 : index
        %get3A_150 = tpu.vector_load %arg9[%get3A_148, %get3A_149] {strides = array<i32>} : memref<8x128xi32, #tpu.memory_space<vmem>>, vector<16xi32>,
        %gather3A_151 = tpu.vector_load_idx %arg11[%get3A_147] : memref<10240xf32, #tpu.memory_space<vmem>>[vector<16xi32>], vector<16xf32>,
        %gather3A_152 = tpu.vector_load_idx %arg11[%get3A_150] : memref<10240xf32, #tpu.memory_space<vmem>>[vector<16xi32>], vector<16xf32>,
        %get3A_153 = arith.index_cast %while3A_57 : i32 to index
        %get3A_154 = arith.constant 96 : index
        %get3A_155 = tpu.vector_load %arg10[%get3A_153, %get3A_154] {strides = array<i32>} : memref<8x128xf32, #tpu.memory_space<vmem>>, vector<16xf32>,
        %mul3A_156 = arith.mulf %gather3A_151, %get3A_155 : vector<16xf32>
        %mul3A_157 = arith.mulf %mul3A_156, %gather3A_152 : vector<16xf32>
        %swap3A_158 = arith.constant 96 : index
        %swap3A_159 = tpu.vector_load %arg13[%swap3A_158] {strides = array<i32>} : memref<128xf32, #tpu.memory_space<vmem>>, vector<16xf32>,
        tpu.vector_store %arg13[%swap3A_158], %mul3A_157 {strides = array<i32>} : memref<128xf32, #tpu.memory_space<vmem>>, vector<16xf32>,
        %get3A_160 = arith.index_cast %while3A_57 : i32 to index
        %get3A_161 = arith.constant 112 : index
        %get3A_162 = tpu.vector_load %arg8[%get3A_160, %get3A_161] {strides = array<i32>} : memref<8x128xi32, #tpu.memory_space<vmem>>, vector<16xi32>,
        %get3A_163 = arith.index_cast %while3A_57 : i32 to index
        %get3A_164 = arith.constant 112 : index
        %get3A_165 = tpu.vector_load %arg9[%get3A_163, %get3A_164] {strides = array<i32>} : memref<8x128xi32, #tpu.memory_space<vmem>>, vector<16xi32>,
        %gather3A_166 = tpu.vector_load_idx %arg11[%get3A_162] : memref<10240xf32, #tpu.memory_space<vmem>>[vector<16xi32>], vector<16xf32>,
        %gather3A_167 = tpu.vector_load_idx %arg11[%get3A_165] : memref<10240xf32, #tpu.memory_space<vmem>>[vector<16xi32>], vector<16xf32>,
        %get3A_168 = arith.index_cast %while3A_57 : i32 to index
        %get3A_169 = arith.constant 112 : index
        %get3A_170 = tpu.vector_load %arg10[%get3A_168, %get3A_169] {strides = array<i32>} : memref<8x128xf32, #tpu.memory_space<vmem>>, vector<16xf32>,
        %mul3A_171 = arith.mulf %gather3A_166, %get3A_170 : vector<16xf32>
        %mul3A_172 = arith.mulf %mul3A_171, %gather3A_167 : vector<16xf32>
        %swap3A_173 = arith.constant 112 : index
        %swap3A_174 = tpu.vector_load %arg13[%swap3A_173] {strides = array<i32>} : memref<128xf32, #tpu.memory_space<vmem>>, vector<16xf32>,
        tpu.vector_store %arg13[%swap3A_173], %mul3A_172 {strides = array<i32>} : memref<128xf32, #tpu.memory_space<vmem>>, vector<16xf32>,
        %dma_start3A = arith.constant 0 : i32
        %dma_start3A_175 = tpu.memref_slice %arg8[%while3A_57, %dma_start3A] : memref<8x128xi32, #tpu.memory_space<vmem>> -> memref<1x128xi32, #tpu.memory_space<vmem>>
        %dma_start3A_176 = tpu.memref_squeeze %dma_start3A_175 : memref<1x128xi32, #tpu.memory_space<vmem>> -> memref<128xi32, #tpu.memory_space<vmem>>
        %dma_start3A_177 = arith.constant 0 : i32
        %dma_start3A_178 = arith.constant 0 : i32
        %dma_start3A_179 = tpu.memref_slice %arg2[%dma_start3A_177, %dma_start3A_178] : memref<10240x128xf32, #tpu.memory_space<hbm>> -> memref<10240x128xf32, #tpu.memory_space<hbm>>
        tpu.enqueue_indirect_dma source(%dma_start3A_179 : memref<10240x128xf32, #tpu.memory_space<hbm>>) target(%arg12 : memref<128x128xf32, #tpu.memory_space<vmem>>) offsets(%dma_start3A_176 : memref<128xi32, #tpu.memory_space<vmem>>) semaphore(%arg15 : memref<!tpu.dma_semaphore, #tpu.memory_space<semaphore_mem>>)
        %dma_wait3A = arith.constant 0 : i32
        %dma_wait3A_180 = tpu.memref_slice %arg8[%while3A_57, %dma_wait3A] : memref<8x128xi32, #tpu.memory_space<vmem>> -> memref<1x128xi32, #tpu.memory_space<vmem>>
        %dma_wait3A_181 = tpu.memref_squeeze %dma_wait3A_180 : memref<1x128xi32, #tpu.memory_space<vmem>> -> memref<128xi32, #tpu.memory_space<vmem>>
        %dma_wait3A_182 = arith.constant 0 : i32
        %dma_wait3A_183 = arith.constant 0 : i32
        %dma_wait3A_184 = tpu.memref_slice %arg2[%dma_wait3A_182, %dma_wait3A_183] : memref<10240x128xf32, #tpu.memory_space<hbm>> -> memref<10240x128xf32, #tpu.memory_space<hbm>>
        tpu.wait_indirect_dma semaphore(%arg15 : memref<!tpu.dma_semaphore, #tpu.memory_space<semaphore_mem>>) src(%dma_wait3A_184 : memref<10240x128xf32, #tpu.memory_space<hbm>>) dst(%arg12 : memref<128x128xf32, #tpu.memory_space<vmem>>)
        %scan3A_185 = arith.constant 0 : i32
        %scan3A_186 = arith.constant 0 : i32
        %scan3A_187 = arith.constant 128 : i32
        %scan3A_188 = arith.addi %scan3A_186, %scan3A_187 : i32
        %scan3A_189 = arith.constant 1 : i32
        scf.for %scan3A_191 = %scan3A_186 to %scan3A_188 step %scan3A_189  : i32 {
          %broadcast_in_dim3A = vector.broadcast %scan3A_191 : i32 to vector<16xi32>
          %gather3A_192 = tpu.vector_load_idx %arg13[%broadcast_in_dim3A] : memref<128xf32, #tpu.memory_space<vmem>>[vector<16xi32>], vector<16xf32>,
          %get3A_193 = arith.index_cast %scan3A_191 : i32 to index
          %get3A_194 = arith.constant 0 : index
          %get3A_195 = tpu.vector_load %arg12[%get3A_193, %get3A_194] {strides = array<i32>} : memref<128x128xf32, #tpu.memory_space<vmem>>, vector<16xf32>,
          %mul3A_196 = arith.mulf %get3A_195, %gather3A_192 : vector<16xf32>
          %swap3A_197 = arith.index_cast %scan3A_191 : i32 to index
          %swap3A_198 = arith.constant 0 : index
          %swap3A_199 = tpu.vector_load %arg12[%swap3A_197, %swap3A_198] {strides = array<i32>} : memref<128x128xf32, #tpu.memory_space<vmem>>, vector<16xf32>,
          tpu.vector_store %arg12[%swap3A_197, %swap3A_198], %mul3A_196 {strides = array<i32>} : memref<128x128xf32, #tpu.memory_space<vmem>>, vector<16xf32>,
          %get3A_200 = arith.index_cast %scan3A_191 : i32 to index
          %get3A_201 = arith.constant 16 : index
          %get3A_202 = tpu.vector_load %arg12[%get3A_200, %get3A_201] {strides = array<i32>} : memref<128x128xf32, #tpu.memory_space<vmem>>, vector<16xf32>,
          %mul3A_203 = arith.mulf %get3A_202, %gather3A_192 : vector<16xf32>
          %swap3A_204 = arith.index_cast %scan3A_191 : i32 to index
          %swap3A_205 = arith.constant 16 : index
          %swap3A_206 = tpu.vector_load %arg12[%swap3A_204, %swap3A_205] {strides = array<i32>} : memref<128x128xf32, #tpu.memory_space<vmem>>, vector<16xf32>,
          tpu.vector_store %arg12[%swap3A_204, %swap3A_205], %mul3A_203 {strides = array<i32>} : memref<128x128xf32, #tpu.memory_space<vmem>>, vector<16xf32>,
          %get3A_207 = arith.index_cast %scan3A_191 : i32 to index
          %get3A_208 = arith.constant 32 : index
          %get3A_209 = tpu.vector_load %arg12[%get3A_207, %get3A_208] {strides = array<i32>} : memref<128x128xf32, #tpu.memory_space<vmem>>, vector<16xf32>,
          %mul3A_210 = arith.mulf %get3A_209, %gather3A_192 : vector<16xf32>
          %swap3A_211 = arith.index_cast %scan3A_191 : i32 to index
          %swap3A_212 = arith.constant 32 : index
          %swap3A_213 = tpu.vector_load %arg12[%swap3A_211, %swap3A_212] {strides = array<i32>} : memref<128x128xf32, #tpu.memory_space<vmem>>, vector<16xf32>,
          tpu.vector_store %arg12[%swap3A_211, %swap3A_212], %mul3A_210 {strides = array<i32>} : memref<128x128xf32, #tpu.memory_space<vmem>>, vector<16xf32>,
          %get3A_214 = arith.index_cast %scan3A_191 : i32 to index
          %get3A_215 = arith.constant 48 : index
          %get3A_216 = tpu.vector_load %arg12[%get3A_214, %get3A_215] {strides = array<i32>} : memref<128x128xf32, #tpu.memory_space<vmem>>, vector<16xf32>,
          %mul3A_217 = arith.mulf %get3A_216, %gather3A_192 : vector<16xf32>
          %swap3A_218 = arith.index_cast %scan3A_191 : i32 to index
          %swap3A_219 = arith.constant 48 : index
          %swap3A_220 = tpu.vector_load %arg12[%swap3A_218, %swap3A_219] {strides = array<i32>} : memref<128x128xf32, #tpu.memory_space<vmem>>, vector<16xf32>,
          tpu.vector_store %arg12[%swap3A_218, %swap3A_219], %mul3A_217 {strides = array<i32>} : memref<128x128xf32, #tpu.memory_space<vmem>>, vector<16xf32>,
          %get3A_221 = arith.index_cast %scan3A_191 : i32 to index
          %get3A_222 = arith.constant 64 : index
          %get3A_223 = tpu.vector_load %arg12[%get3A_221, %get3A_222] {strides = array<i32>} : memref<128x128xf32, #tpu.memory_space<vmem>>, vector<16xf32>,
          %mul3A_224 = arith.mulf %get3A_223, %gather3A_192 : vector<16xf32>
          %swap3A_225 = arith.index_cast %scan3A_191 : i32 to index
          %swap3A_226 = arith.constant 64 : index
          %swap3A_227 = tpu.vector_load %arg12[%swap3A_225, %swap3A_226] {strides = array<i32>} : memref<128x128xf32, #tpu.memory_space<vmem>>, vector<16xf32>,
          tpu.vector_store %arg12[%swap3A_225, %swap3A_226], %mul3A_224 {strides = array<i32>} : memref<128x128xf32, #tpu.memory_space<vmem>>, vector<16xf32>,
          %get3A_228 = arith.index_cast %scan3A_191 : i32 to index
          %get3A_229 = arith.constant 80 : index
          %get3A_230 = tpu.vector_load %arg12[%get3A_228, %get3A_229] {strides = array<i32>} : memref<128x128xf32, #tpu.memory_space<vmem>>, vector<16xf32>,
          %mul3A_231 = arith.mulf %get3A_230, %gather3A_192 : vector<16xf32>
          %swap3A_232 = arith.index_cast %scan3A_191 : i32 to index
          %swap3A_233 = arith.constant 80 : index
          %swap3A_234 = tpu.vector_load %arg12[%swap3A_232, %swap3A_233] {strides = array<i32>} : memref<128x128xf32, #tpu.memory_space<vmem>>, vector<16xf32>,
          tpu.vector_store %arg12[%swap3A_232, %swap3A_233], %mul3A_231 {strides = array<i32>} : memref<128x128xf32, #tpu.memory_space<vmem>>, vector<16xf32>,
          %get3A_235 = arith.index_cast %scan3A_191 : i32 to index
          %get3A_236 = arith.constant 96 : index
          %get3A_237 = tpu.vector_load %arg12[%get3A_235, %get3A_236] {strides = array<i32>} : memref<128x128xf32, #tpu.memory_space<vmem>>, vector<16xf32>,
          %mul3A_238 = arith.mulf %get3A_237, %gather3A_192 : vector<16xf32>
          %swap3A_239 = arith.index_cast %scan3A_191 : i32 to index
          %swap3A_240 = arith.constant 96 : index
          %swap3A_241 = tpu.vector_load %arg12[%swap3A_239, %swap3A_240] {strides = array<i32>} : memref<128x128xf32, #tpu.memory_space<vmem>>, vector<16xf32>,
          tpu.vector_store %arg12[%swap3A_239, %swap3A_240], %mul3A_238 {strides = array<i32>} : memref<128x128xf32, #tpu.memory_space<vmem>>, vector<16xf32>,
          %get3A_242 = arith.index_cast %scan3A_191 : i32 to index
          %get3A_243 = arith.constant 112 : index
          %get3A_244 = tpu.vector_load %arg12[%get3A_242, %get3A_243] {strides = array<i32>} : memref<128x128xf32, #tpu.memory_space<vmem>>, vector<16xf32>,
          %mul3A_245 = arith.mulf %get3A_244, %gather3A_192 : vector<16xf32>
          %swap3A_246 = arith.index_cast %scan3A_191 : i32 to index
          %swap3A_247 = arith.constant 112 : index
          %swap3A_248 = tpu.vector_load %arg12[%swap3A_246, %swap3A_247] {strides = array<i32>} : memref<128x128xf32, #tpu.memory_space<vmem>>, vector<16xf32>,
          tpu.vector_store %arg12[%swap3A_246, %swap3A_247], %mul3A_245 {strides = array<i32>} : memref<128x128xf32, #tpu.memory_space<vmem>>, vector<16xf32>,
        }
        %scan3A_190 = arith.constant 128 : i32
        "tpu.region"() ({
          %run_scoped3A = tpu.sem_alloc : memref<!tpu.dma_semaphore, #tpu.memory_space<semaphore_mem>>
          %dma_start3A_191 = arith.constant 0 : i32
          %dma_start3A_192 = tpu.memref_slice %arg9[%while3A_57, %dma_start3A_191] : memref<8x128xi32, #tpu.memory_space<vmem>> -> memref<1x128xi32, #tpu.memory_space<vmem>>
          %dma_start3A_193 = tpu.memref_squeeze %dma_start3A_192 : memref<1x128xi32, #tpu.memory_space<vmem>> -> memref<128xi32, #tpu.memory_space<vmem>>
          %dma_start3A_194 = arith.constant 0 : i32
          %dma_start3A_195 = arith.constant 0 : i32
          %dma_start3A_196 = tpu.memref_slice %arg14[%dma_start3A_194, %dma_start3A_195] : memref<10240x128xf32, #tpu.memory_space<vmem_shared>> -> memref<10240x128xf32, #tpu.memory_space<vmem_shared>>
          tpu.enqueue_indirect_dma source(%arg12 : memref<128x128xf32, #tpu.memory_space<vmem>>) target(%dma_start3A_196 : memref<10240x128xf32, #tpu.memory_space<vmem_shared>>) offsets(%dma_start3A_193 : memref<128xi32, #tpu.memory_space<vmem>>) semaphore(%run_scoped3A : memref<!tpu.dma_semaphore, #tpu.memory_space<semaphore_mem>>) {add = true}
          %dma_wait3A_197 = arith.constant 0 : i32
          %dma_wait3A_198 = tpu.memref_slice %arg9[%while3A_57, %dma_wait3A_197] : memref<8x128xi32, #tpu.memory_space<vmem>> -> memref<1x128xi32, #tpu.memory_space<vmem>>
          %dma_wait3A_199 = tpu.memref_squeeze %dma_wait3A_198 : memref<1x128xi32, #tpu.memory_space<vmem>> -> memref<128xi32, #tpu.memory_space<vmem>>
          %dma_wait3A_200 = arith.constant 0 : i32
          %dma_wait3A_201 = arith.constant 0 : i32
          %dma_wait3A_202 = tpu.memref_slice %arg14[%dma_wait3A_200, %dma_wait3A_201] : memref<10240x128xf32, #tpu.memory_space<vmem_shared>> -> memref<10240x128xf32, #tpu.memory_space<vmem_shared>>
          tpu.wait_indirect_dma semaphore(%run_scoped3A : memref<!tpu.dma_semaphore, #tpu.memory_space<semaphore_mem>>) src(%arg12 : memref<128x128xf32, #tpu.memory_space<vmem>>) dst(%dma_wait3A_202 : memref<10240x128xf32, #tpu.memory_space<vmem_shared>>)
          tpu.yield
        }) : () -> ()
      }
    }
    %scan3A_31 = arith.constant 11 : i32
    %barrier3A_32 = arith.constant 0 : index
    tpu.barrier barrier_id(%barrier3A_32)
    %mul3A_33 = arith.constant 640 : i32
    %mul3A_34 = arith.muli %arg1, %mul3A_33 : i32
    %mul3A_35 = arith.constant 640 : i32
    %mul3A_36 = arith.muli %arg1, %mul3A_35 : i32
    "tpu.region"() ({
      %run_scoped3A = tpu.sem_alloc : memref<!tpu.dma_semaphore, #tpu.memory_space<semaphore_mem>>
      %dma_start3A = arith.constant 0 : i32
      %dma_start3A_37 = tpu.memref_slice %arg7[%arg0, %mul3A_36, %dma_start3A] : memref<2x10240x128xf32, #tpu.memory_space<hbm>> -> memref<1x640x128xf32, #tpu.memory_space<hbm>>
      %dma_start3A_38 = tpu.memref_squeeze %dma_start3A_37 : memref<1x640x128xf32, #tpu.memory_space<hbm>> -> memref<640x128xf32, #tpu.memory_space<hbm>>
      %dma_start3A_39 = arith.constant 0 : i32
      %dma_start3A_40 = tpu.memref_slice %arg14[%mul3A_34, %dma_start3A_39] : memref<10240x128xf32, #tpu.memory_space<vmem_shared>> -> memref<640x128xf32, #tpu.memory_space<vmem_shared>>
      tpu.enqueue_dma source(%dma_start3A_40 : memref<640x128xf32, #tpu.memory_space<vmem_shared>>) target(%dma_start3A_38 : memref<640x128xf32, #tpu.memory_space<hbm>>) target_semaphore(%run_scoped3A : memref<!tpu.dma_semaphore, #tpu.memory_space<semaphore_mem>>)
      %dma_wait3A = arith.constant 0 : i32
      %dma_wait3A_41 = tpu.memref_slice %arg7[%arg0, %mul3A_36, %dma_wait3A] : memref<2x10240x128xf32, #tpu.memory_space<hbm>> -> memref<1x640x128xf32, #tpu.memory_space<hbm>>
      %dma_wait3A_42 = tpu.memref_squeeze %dma_wait3A_41 : memref<1x640x128xf32, #tpu.memory_space<hbm>> -> memref<640x128xf32, #tpu.memory_space<hbm>>
      %dma_wait3A_43 = arith.constant 0 : i32
      %dma_wait3A_44 = tpu.memref_slice %arg14[%mul3A_34, %dma_wait3A_43] : memref<10240x128xf32, #tpu.memory_space<vmem_shared>> -> memref<640x128xf32, #tpu.memory_space<vmem_shared>>
      tpu.wait_dma2 semaphore(%run_scoped3A : memref<!tpu.dma_semaphore, #tpu.memory_space<semaphore_mem>>) src(%dma_wait3A_44 : memref<640x128xf32, #tpu.memory_space<vmem_shared>>) dst(%dma_wait3A_42 : memref<640x128xf32, #tpu.memory_space<hbm>>)
      tpu.yield
    }) : () -> ()
    return
  }
}

module attributes {stable_mosaic.version = 14 : i64} {
  func.func @_mm1_body(%arg0: i32, %arg1: memref<2048x128xf32, #tpu.memory_space<vmem>>, %arg2: memref<128x128xf32, #tpu.memory_space<vmem>>, %arg3: memref<2048x128xf32, #tpu.memory_space<vmem>>) attributes {dimension_semantics = [#tpu.dimension_semantics<arbitrary>], iteration_bounds = array<i64: 5>, scalar_prefetch = 0 : i64, scratch_operands = 0 : i64, tpu.core_type = #tpu.core_type<tc>, window_params = [{transform_indices = @transform_0, window_bounds = array<i64: 2048, 128>}, {pipeline_mode = #tpu.pipeline_mode<synchronous>, transform_indices = @transform_1, window_bounds = array<i64: 128, 128>}, {transform_indices = @transform_2, window_bounds = array<i64: 2048, 128>}]} {
    %get3A = arith.constant 0 : index
    %get3A_0 = arith.constant 0 : index
    %get3A_1 = vector.load %arg1[%get3A, %get3A_0] : memref<2048x128xf32, #tpu.memory_space<vmem>>, vector<2048x128xf32>
    %get3A_2 = arith.constant 0 : index
    %get3A_3 = arith.constant 0 : index
    %get3A_4 = vector.load %arg2[%get3A_2, %get3A_3] : memref<128x128xf32, #tpu.memory_space<vmem>>, vector<128x128xf32>
    %dot_general3A = arith.constant dense<0.000000e+00> : vector<2048x128xf32>
    %dot_general3A_5 = tpu.matmul %get3A_1, %get3A_4, %dot_general3A {dimension_numbers = #tpu.dot_dimension_numbers<[1], [0], [0], [1], [0, 0, 1, 1], [], []>, transpose_lhs_hint = false} : vector<2048x128xf32>, vector<128x128xf32>, vector<2048x128xf32> -> vector<2048x128xf32>
    %swap3A = arith.constant 0 : index
    %swap3A_6 = arith.constant 0 : index
    %swap3A_7 = vector.load %arg3[%swap3A, %swap3A_6] : memref<2048x128xf32, #tpu.memory_space<vmem>>, vector<2048x128xf32>
    tpu.vector_store %arg3[%swap3A, %swap3A_6], %dot_general3A_5 {strides = array<i32>} : memref<2048x128xf32, #tpu.memory_space<vmem>>, vector<2048x128xf32>,
    return
  }
  func.func @transform_0(%arg0: i32) -> (i32, i32) {
    %c0_i32 = arith.constant 0 : i32
    %c0_i32_0 = arith.constant 0 : i32
    return %arg0, %c0_i32 : i32, i32
  }
  func.func @transform_1(%arg0: i32) -> (i32, i32) {
    %c0_i32 = arith.constant 0 : i32
    %c0_i32_0 = arith.constant 0 : i32
    %c0_i32_1 = arith.constant 0 : i32
    return %c0_i32, %c0_i32_0 : i32, i32
  }
  func.func @transform_2(%arg0: i32) -> (i32, i32) {
    %c0_i32 = arith.constant 0 : i32
    %c0_i32_0 = arith.constant 0 : i32
    return %arg0, %c0_i32 : i32, i32
  }
}

module attributes {stable_mosaic.version = 14 : i64} {
  func.func @_dinv_body(%arg0: memref<2x10240xf32, #tpu.memory_space<vmem>>, %arg1: memref<1x10240xf32, #tpu.memory_space<vmem>>) attributes {dimension_semantics = [], scalar_prefetch = 0 : i64, scratch_operands = 0 : i64, tpu.core_type = #tpu.core_type<tc>} {
    %get3A = arith.constant 0 : index
    %get3A_0 = arith.constant 0 : index
    %get3A_1 = vector.load %arg0[%get3A, %get3A_0] : memref<2x10240xf32, #tpu.memory_space<vmem>>, vector<1x10240xf32>
    %get3A_2 = arith.constant 1 : index
    %get3A_3 = arith.constant 0 : index
    %get3A_4 = vector.load %arg0[%get3A_2, %get3A_3] : memref<2x10240xf32, #tpu.memory_space<vmem>>, vector<1x10240xf32>
    %add3A = arith.addf %get3A_1, %get3A_4 : vector<1x10240xf32>
    %gt3A = arith.constant 0.000000e+00 : f32
    %gt3A_5 = vector.broadcast %gt3A : f32 to vector<1x10240xf32>
    %gt3A_6 = arith.cmpf ogt, %add3A, %gt3A_5 : vector<1x10240xf32>
    %max3A = arith.constant 9.99999996E-13 : f32
    %max3A_7 = vector.broadcast %max3A : f32 to vector<1x10240xf32>
    %max3A_8 = arith.maximumf %add3A, %max3A_7 : vector<1x10240xf32>
    %rsqrt3A = math.rsqrt %max3A_8 : vector<1x10240xf32>
    %jit3A = arith.constant 0.000000e+00 : f32
    %broadcast_in_dim3A = vector.broadcast %jit3A : f32 to vector<1x10240xf32>
    %select_n3A = arith.select %gt3A_6, %rsqrt3A, %broadcast_in_dim3A : vector<1x10240xi1>, vector<1x10240xf32>
    %swap3A = arith.constant 0 : index
    %swap3A_9 = arith.constant 0 : index
    %swap3A_10 = vector.load %arg1[%swap3A, %swap3A_9] : memref<1x10240xf32, #tpu.memory_space<vmem>>, vector<1x10240xf32>
    tpu.vector_store %arg1[%swap3A, %swap3A_9], %select_n3A {strides = array<i32>} : memref<1x10240xf32, #tpu.memory_space<vmem>>, vector<1x10240xf32>,
    return
  }
}

module attributes {stable_mosaic.version = 14 : i64} {
  func.func @_mm2_body(%arg0: i32, %arg1: memref<2x2048x128xf32, #tpu.memory_space<vmem>>, %arg2: memref<1x128xf32, #tpu.memory_space<vmem>>, %arg3: memref<128x128xf32, #tpu.memory_space<vmem>>, %arg4: memref<2048x128xf32, #tpu.memory_space<vmem>>) attributes {dimension_semantics = [#tpu.dimension_semantics<arbitrary>], iteration_bounds = array<i64: 5>, scalar_prefetch = 0 : i64, scratch_operands = 0 : i64, tpu.core_type = #tpu.core_type<tc>, window_params = [{transform_indices = @transform_0, window_bounds = array<i64: 2, 2048, 128>}, {pipeline_mode = #tpu.pipeline_mode<synchronous>, transform_indices = @transform_1, window_bounds = array<i64: 1, 128>}, {pipeline_mode = #tpu.pipeline_mode<synchronous>, transform_indices = @transform_2, window_bounds = array<i64: 128, 128>}, {transform_indices = @transform_3, window_bounds = array<i64: 2048, 128>}]} {
    %get3A = arith.constant 0 : index
    %get3A_0 = arith.constant 0 : index
    %get3A_1 = arith.constant 0 : index
    %get3A_2 = vector.load %arg1[%get3A, %get3A_0, %get3A_1] : memref<2x2048x128xf32, #tpu.memory_space<vmem>>, vector<1x2048x128xf32>
    %get3A_3 = vector.shape_cast %get3A_2 : vector<1x2048x128xf32> to vector<2048x128xf32>
    %get3A_4 = arith.constant 1 : index
    %get3A_5 = arith.constant 0 : index
    %get3A_6 = arith.constant 0 : index
    %get3A_7 = vector.load %arg1[%get3A_4, %get3A_5, %get3A_6] : memref<2x2048x128xf32, #tpu.memory_space<vmem>>, vector<1x2048x128xf32>
    %get3A_8 = vector.shape_cast %get3A_7 : vector<1x2048x128xf32> to vector<2048x128xf32>
    %add3A = arith.addf %get3A_3, %get3A_8 : vector<2048x128xf32>
    %get3A_9 = arith.constant 0 : index
    %get3A_10 = arith.constant 0 : index
    %get3A_11 = vector.load %arg2[%get3A_9, %get3A_10] : memref<1x128xf32, #tpu.memory_space<vmem>>, vector<1x128xf32>
    %add3A_12 = vector.broadcast %get3A_11 : vector<1x128xf32> to vector<2048x128xf32>
    %add3A_13 = arith.addf %add3A, %add3A_12 : vector<2048x128xf32>
    %get3A_14 = arith.constant 0 : index
    %get3A_15 = arith.constant 0 : index
    %get3A_16 = vector.load %arg3[%get3A_14, %get3A_15] : memref<128x128xf32, #tpu.memory_space<vmem>>, vector<128x128xf32>
    %dot_general3A = arith.constant dense<0.000000e+00> : vector<2048x128xf32>
    %dot_general3A_17 = tpu.matmul %add3A_13, %get3A_16, %dot_general3A {dimension_numbers = #tpu.dot_dimension_numbers<[1], [0], [0], [1], [0, 0, 1, 1], [], []>, transpose_lhs_hint = false} : vector<2048x128xf32>, vector<128x128xf32>, vector<2048x128xf32> -> vector<2048x128xf32>
    %swap3A = arith.constant 0 : index
    %swap3A_18 = arith.constant 0 : index
    %swap3A_19 = vector.load %arg4[%swap3A, %swap3A_18] : memref<2048x128xf32, #tpu.memory_space<vmem>>, vector<2048x128xf32>
    tpu.vector_store %arg4[%swap3A, %swap3A_18], %dot_general3A_17 {strides = array<i32>} : memref<2048x128xf32, #tpu.memory_space<vmem>>, vector<2048x128xf32>,
    return
  }
  func.func @transform_0(%arg0: i32) -> (i32, i32, i32) {
    %c0_i32 = arith.constant 0 : i32
    %c0_i32_0 = arith.constant 0 : i32
    %c0_i32_1 = arith.constant 0 : i32
    return %c0_i32, %arg0, %c0_i32_0 : i32, i32, i32
  }
  func.func @transform_1(%arg0: i32) -> (i32, i32) {
    %c0_i32 = arith.constant 0 : i32
    %c0_i32_0 = arith.constant 0 : i32
    %c0_i32_1 = arith.constant 0 : i32
    return %c0_i32, %c0_i32_0 : i32, i32
  }
  func.func @transform_2(%arg0: i32) -> (i32, i32) {
    %c0_i32 = arith.constant 0 : i32
    %c0_i32_0 = arith.constant 0 : i32
    %c0_i32_1 = arith.constant 0 : i32
    return %c0_i32, %c0_i32_0 : i32, i32
  }
  func.func @transform_3(%arg0: i32) -> (i32, i32) {
    %c0_i32 = arith.constant 0 : i32
    %c0_i32_0 = arith.constant 0 : i32
    return %arg0, %c0_i32 : i32, i32
  }
}

module attributes {stable_mosaic.version = 14 : i64} {
  func.func @_fin_body(%arg0: i32, %arg1: memref<2x2048x128xf32, #tpu.memory_space<vmem>>, %arg2: memref<1x128xf32, #tpu.memory_space<vmem>>, %arg3: memref<2048x128xf32, #tpu.memory_space<vmem>>) attributes {dimension_semantics = [#tpu.dimension_semantics<arbitrary>], iteration_bounds = array<i64: 5>, scalar_prefetch = 0 : i64, scratch_operands = 0 : i64, tpu.core_type = #tpu.core_type<tc>, window_params = [{transform_indices = @transform_0, window_bounds = array<i64: 2, 2048, 128>}, {pipeline_mode = #tpu.pipeline_mode<synchronous>, transform_indices = @transform_1, window_bounds = array<i64: 1, 128>}, {transform_indices = @transform_2, window_bounds = array<i64: 2048, 128>}]} {
    %get3A = arith.constant 0 : index
    %get3A_0 = arith.constant 0 : index
    %get3A_1 = arith.constant 0 : index
    %get3A_2 = vector.load %arg1[%get3A, %get3A_0, %get3A_1] : memref<2x2048x128xf32, #tpu.memory_space<vmem>>, vector<1x2048x128xf32>
    %get3A_3 = vector.shape_cast %get3A_2 : vector<1x2048x128xf32> to vector<2048x128xf32>
    %get3A_4 = arith.constant 1 : index
    %get3A_5 = arith.constant 0 : index
    %get3A_6 = arith.constant 0 : index
    %get3A_7 = vector.load %arg1[%get3A_4, %get3A_5, %get3A_6] : memref<2x2048x128xf32, #tpu.memory_space<vmem>>, vector<1x2048x128xf32>
    %get3A_8 = vector.shape_cast %get3A_7 : vector<1x2048x128xf32> to vector<2048x128xf32>
    %add3A = arith.addf %get3A_3, %get3A_8 : vector<2048x128xf32>
    %get3A_9 = arith.constant 0 : index
    %get3A_10 = arith.constant 0 : index
    %get3A_11 = vector.load %arg2[%get3A_9, %get3A_10] : memref<1x128xf32, #tpu.memory_space<vmem>>, vector<1x128xf32>
    %add3A_12 = vector.broadcast %get3A_11 : vector<1x128xf32> to vector<2048x128xf32>
    %add3A_13 = arith.addf %add3A, %add3A_12 : vector<2048x128xf32>
    %swap3A = arith.constant 0 : index
    %swap3A_14 = arith.constant 0 : index
    %swap3A_15 = vector.load %arg3[%swap3A, %swap3A_14] : memref<2048x128xf32, #tpu.memory_space<vmem>>, vector<2048x128xf32>
    tpu.vector_store %arg3[%swap3A, %swap3A_14], %add3A_13 {strides = array<i32>} : memref<2048x128xf32, #tpu.memory_space<vmem>>, vector<2048x128xf32>,
    return
  }
  func.func @transform_0(%arg0: i32) -> (i32, i32, i32) {
    %c0_i32 = arith.constant 0 : i32
    %c0_i32_0 = arith.constant 0 : i32
    %c0_i32_1 = arith.constant 0 : i32
    return %c0_i32, %arg0, %c0_i32_0 : i32, i32, i32
  }
  func.func @transform_1(%arg0: i32) -> (i32, i32) {
    %c0_i32 = arith.constant 0 : i32
    %c0_i32_0 = arith.constant 0 : i32
    %c0_i32_1 = arith.constant 0 : i32
    return %c0_i32, %c0_i32_0 : i32, i32
  }
  func.func @transform_2(%arg0: i32) -> (i32, i32) {
    %c0_i32 = arith.constant 0 : i32
    %c0_i32_0 = arith.constant 0 : i32
    return %arg0, %c0_i32 : i32, i32
  }
}

</mosaic_0001>

<sc_bundles>
// kernel: kernel.12.cloned.1.call-start
scs
__scs_entry_jumppad:
0x0: {  	(pc) =	sbr.rel $0x88, $3  }
0x1: {  	(tag) =	ssettag $0x0;
	lr =	simm.s32 $0x1  }
0x2: {  	[smem:$0x3F9A] =	sst lr;
	_ =	strace $0xD0000000  }
0x3: {  	_ = 	snop  }
0x4: {  	_ = 	snop  }
0x5: {  	_ = 	snop  }
0x6: {  	_ = 	snop  }
0x7: {  	_ = 	snop  }
__scs_overlays_trampoline_lowered:
0x8: {  	[smem:$0x3FA9] =	sst s0  }
0x9: {  	[smem:$0x3FAA] =	sst s1  }
0xa: {  	[smem:$0x3FAB] =	sst s2  }
0xb: {  	[smem:$0x3FAC] =	sst s3  }
0xc: {  	[smem:$0x3FAD] =	sst s4  }
0xd: {  	[smem:$0x3FAE] =	sst s5  }
0xe: {  	[smem:$0x3FAF] =	sst s6  }
0xf: {  	[smem:$0x3FB0] =	sst s7  }
0x10: {  	[smem:$0x3FB1] =	sst s8  }
0x11: {  	[smem:$0x3FB2] =	sst s9;
	s0 =	simm.s32 @!p0 $0x0  }
0x12: {  	s1 =	sld [smem:$0x3F98];
	s0 =	simm.s32 @p0 $0x1  }
0x13: {  	[smem:$0x3FB3] =	sst s0;
	s0 =	simm.s32 @!p1 $0x0  }
0x14: {  	s2 =	sld [smem:$0x3F97];
	s0 =	simm.s32 @p1 $0x1  }
0x15: {  	[smem:$0x3FB4] =	sst s0;
	s0 =	simm.s32 @!p2 $0x0  }
0x16: {  	s3 =	sld [smem:$0x3FDB];
	s0 =	simm.s32 @p2 $0x1  }
0x17: {  	s4 =	simm.s32 $0x1BF5;
	[smem:$0x3FB6] =	sst s0  }
0x18: {  	s0 =	sld [smem:$0x3F99];
	_ =	swait.ge [sflag:s4], $0x0  }
0x19: {  	s7 =	sld [smem:$0x3F9A]  }
0x1a: {  	s8 =	sadd.s32 $0xFFFFE003, lr  }
0x1b: {  	s9 =	sadd.s32 $0xFFFFFEF7, lr;
	s5 =	simm.s32 $0xFFFFFFFF;
	p2 =	slt.u32 s8, $0xFFFFF086  }
0x1c: {  	p1 =	slt.u32 s9, $0xF7A;
	s5 =	simm.s32 @!p2 $0x0  }
0x1d: {  	s5 =	simm.s32 @p1 $0x1;
	p0 =	seq.s32 s7, s2  }
0x1e: {  	s7 =	smul.u32 @!p0 $0xF7A, s2;
	p2 =	seq.s32 @!p0 s5, $0x0  }
0x1f: {  	s9 =	smul.u32 $0xF7A, s1;
	s8 =	simm.s32 @!p0 $0x1BF5;
	p2 =	por !p2, p0  }
0x20: {  	[sflag:s8] =	ssyncset.s32 @!p0 $0xFFFFF086;
	s6 =	sadd.s32 @!p0 s3, s7;
	s7 =	simm.s32 @!p0 $0x108  }
0x21: {  	s3 =	sadd.s32 s3, s9;
	s6 =	sadd.s32 @!p0 $0x88, s6;
	s7 =	simm.s32 @p2 $0x1082  }
0x22: {  	[simem:s7], [sflag:s8] =	dma.local @!p0 [hbm:s6], $0xF7A  }
0x23: {  	s9 =	sor.u32 $0xD0000000, s2;
	s6 =	simm.s32 $0x108;
	_ =	swait.ge @!p0 [sflag:s8], $0x0  }
0x24: {  	s3 =	sadd.s32 $0x88, s3;
	s6 =	simm.s32 @!p1 $0x1082;
	[sflag:s4] =	ssyncset.s32 $0xFFFFF086  }
0x25: {  	[simem:s6], [sflag:s4] =	dma.local [hbm:s3], $0xF7A  }
0x26: {  	[smem:$0x3F9A] =	sst s1;
	(tag) =	ssettag s2;
	_ =	strace s9  }
0x27: {  	s1 =	sld [smem:$0x3FAA]  }
0x28: {  	s2 =	sld [smem:$0x3FAB]  }
0x29: {  	s4 =	sld [smem:$0x3FAD]  }
0x2a: {  	p0 =	seq.s32 s5, $0x0;
	s5 =	sld [smem:$0x3FAE]  }
0x2b: {  	s6 =	sld [smem:$0x3FAF]  }
0x2c: {  	s7 =	sld [smem:$0x3FB0]  }
0x2d: {  	s3 =	simm.s32 $0x108;
	s8 =	sld [smem:$0x3FB1]  }
0x2e: {  	s3 =	simm.s32 @!p0 $0x1082;
	s9 =	sld [smem:$0x3FB2]  }
0x2f: {  	lr =	sadd.s32 s0, s3;
	s0 =	sld [smem:$0x3FA9]  }
0x30: {  	s3 =	sld [smem:$0x3FAC]  }
0x31: {  	[smem:$0x3FB5] =	sst s10  }
0x32: {  	s10 =	sld [smem:$0x3FB3];
	_ =	sdelay $0x3  }
0x33: {  	p0 =	seq.s32 s10, $0x1;
	s10 =	sld [smem:$0x3FB5];
	_ =	sdelay $0x3  }
0x34: {  	[smem:$0x3FB5] =	sst s10  }
0x35: {  	s10 =	sld [smem:$0x3FB4];
	_ =	sdelay $0x3  }
0x36: {  	p1 =	seq.s32 s10, $0x1;
	s10 =	sld [smem:$0x3FB5];
	_ =	sdelay $0x3  }
0x37: {  	[smem:$0x3FB5] =	sst s10  }
0x38: {  	s10 =	sld [smem:$0x3FB6]  }
0x39: {  	_ = 	snop;
	(pc) =	sbr.ind lr, $3  }
0x3a: {  	_ = 	snop  }
0x3b: {  	_ = 	snop  }
0x3c: {  	p2 =	seq.s32 s10, $0x1;
	s10 =	sld [smem:$0x3FB5]  }
0x3d: {  	_ =	shalt  }
0x3e: {  	_ =	shalt  }
0x3f: {  	_ =	shalt  }
0x40: {  	_ =	shalt  }
0x41: {  	_ =	shalt  }
0x42: {  	_ =	shalt  }
0x43: {  	_ =	shalt  }
0x44: {  	_ =	shalt  }
0x45: {  	_ =	shalt  }
0x46: {  	_ =	shalt  }
0x47: {  	_ =	shalt  }
0x48: {  	_ =	shalt  }
0x49: {  	_ =	shalt  }
0x4a: {  	_ =	shalt  }
0x4b: {  	_ =	shalt  }
0x4c: {  	_ =	shalt  }
0x4d: {  	_ =	shalt  }
0x4e: {  	_ =	shalt  }
0x4f: {  	_ =	shalt  }
0x50: {  	_ =	shalt  }
0x51: {  	_ =	shalt  }
0x52: {  	_ =	shalt  }
0x53: {  	_ =	shalt  }
0x54: {  	_ =	shalt  }
0x55: {  	_ =	shalt  }
0x56: {  	_ =	shalt  }
0x57: {  	_ =	shalt  }
0x58: {  	_ =	shalt  }
0x59: {  	_ =	shalt  }
0x5a: {  	_ =	shalt  }
0x5b: {  	_ =	shalt  }
0x5c: {  	_ =	shalt  }
0x5d: {  	_ =	shalt  }
0x5e: {  	_ =	shalt  }
0x5f: {  	_ =	shalt  }
0x60: {  	_ =	shalt  }
0x61: {  	_ =	shalt  }
0x62: {  	_ =	shalt  }
0x63: {  	_ =	shalt  }
0x64: {  	_ =	shalt  }
0x65: {  	_ =	shalt  }
0x66: {  	_ =	shalt  }
0x67: {  	_ =	shalt  }
0x68: {  	_ =	shalt  }
0x69: {  	_ =	shalt  }
0x6a: {  	_ =	shalt  }
0x6b: {  	_ =	shalt  }
0x6c: {  	_ =	shalt  }
0x6d: {  	_ =	shalt  }
0x6e: {  	_ =	shalt  }
0x6f: {  	_ =	shalt  }
0x70: {  	_ =	shalt  }
0x71: {  	_ =	shalt  }
0x72: {  	_ =	shalt  }
0x73: {  	_ =	shalt  }
0x74: {  	_ =	shalt  }
0x75: {  	_ =	shalt  }
0x76: {  	_ =	shalt  }
0x77: {  	_ =	shalt  }
0x78: {  	_ =	shalt  }
0x79: {  	_ =	shalt  }
0x7a: {  	_ =	shalt  }
0x7b: {  	_ =	shalt  }
0x7c: {  	_ =	shalt  }
0x7d: {  	_ =	shalt  }
0x7e: {  	_ =	shalt  }
0x7f: {  	_ =	shalt  }
0x80: {  	_ =	shalt  }
0x81: {  	_ =	shalt  }
0x82: {  	_ =	shalt  }
0x83: {  	_ =	shalt  }
0x84: {  	_ =	shalt  }
0x85: {  	_ =	shalt  }
0x86: {  	_ =	shalt  }
0x87: {  	_ =	shalt  }
.Lfunc_end0:
.L_simem_size_0:
called_computation.1_lowered:
.L_overlay_start_0:
0x88: {  	s2 =	sld [smem:$0x3FD9]  }
0x89: {  	s3 =	sld [smem:$0x3FFE];
	_ =	sdelay $0x1  }
0x8a: {  	s1 =	srdreg.scid  }
0x8b: {  	s0 =	sand.u32 $0x1, s1  }
0x8c: {  	s17 =	sshll.u32 s0, $0xA;
	s2 =	sadd.s32 s3, s2  }
0x8d: {  	s2 =	sadd.s32 s2, s17  }
0x8e: {  	[smem:$0x3FC1] =	sst s2  }
0x8f: {  	_ = 	snop  }
0x90: {  	s2 =	sld [smem:$0x3FD0];
	(tm) =	ssettm $0x1  }
0x91: {  	s18 =	sld [smem:$0x3FFB];
	_ =	sdelay $0x3  }
0x92: {  	_ =	strace s18  }
0x93: {  	s3 =	sld [smem:$0x3FFC];
	_ =	sdelay $0x3  }
0x94: {  	_ =	strace s3  }
0x95: {  	s3 =	sld [smem:$0x3FFD];
	_ =	sdelay $0x3  }
0x96: {  	_ =	strace s3  }
0x97: {  	_ =	strace $0x8FFFFFFF  }
0x98: {  	s19 =	sld [smem:$0x3FDB];
	_ =	sdelay $0x1  }
0x99: {  	s4 =	simm.s32 $_scs_section_size  }
0x9a: {  	s5 =	simm.s32 $_size__tile_overlayer_lowered;
	s6 =	simm.s32 $_tile_overlayer_lowered  }
0x9b: {  	s22 =	simm.s32 $0x1BFF;
	s21 =	sshll.u32 s6, $0x1;
	s3 =	sadd.s32 s4, s19  }
0x9c: {  	s7 =	simm.s32 $0x0;
	s20 =	sshll.u32 s5, $0x1;
	s5 =	sadd.s32 s21, s3  }
0x9d: {  	[timem:s7], [sflag:s22] =	dma.local [hbm:s5], s20  }
0x9e: {  	_ =	swait.ge [sflag:s22], s20  }
0x9f: {  	s4 =	ssub.s32 $0x0, s20;
	[sflag:s22] =	ssyncset.done $0x0  }
0xa0: {  	[sflag:s22] =	ssyncadd.s32 s4;
	_ =	sdelay $0x1  }
0xa1: {  	s23 =	simm.s32 $0x1B8B  }
0xa2: {  	_ =	swait.ge [sflag:s23], $0x1  }
0xa3: {  	[sflag:s23] =	ssyncset.done $0x0  }
0xa4: {  	s25 =	simm.s32 $0x1B8E;
	s24 =	sld [smem:$0x3FFE];
	[sflag:s23] =	ssyncadd.s32 $0xFFFFFFFF  }
0xa5: {  	s26 =	simm.s32 $execute0_lowered;
	[smem:$0x3FD2] =	sst s25  }
0xa6: {  	s5 =	sshll.u32 s26, $0x1;
	_ =	strace $0x80000049;
	[dreg:$0x1] =	wrdreg $0xFFFFFFFF  }
0xa7: {  	s28 =	simm.s32 $_size_execute0_lowered;
	s3 =	sadd.s32 s3, s5;
	[dreg:$0x0] =	wrdreg $0x0  }
0xa8: {  	s5 =	sshll.u32 s28, $0x1;
	[dreg:$0x2] =	wrdreg s3  }
0xa9: {  	[dreg:$0x3] =	wrdreg s5  }
0xaa: {  	[dreg:$0x4] =	wrdreg $0xC0  }
0xab: {  	_ =	task [dreg:s7], $0x5FFFF  }
0xac: {  	[dreg:$0x1] =	wrdreg $0xFFFFFFFF  }
0xad: {  	[dreg:$0x0] =	wrdreg $0x60  }
0xae: {  	[dreg:$0x2] =	wrdreg s24  }
0xaf: {  	[dreg:$0x3] =	wrdreg s2  }
0xb0: {  	[dreg:$0x4] =	wrdreg $0x74800  }
0xb1: {  	[dreg:$0x5] =	wrdreg $0x9  }
0xb2: {  	_ =	task.clear_ibuf [dreg:s7], $0x6FFFF;
	_ =	strace $0x90000049  }
0xb3: {  	s29 =	simm.s32 $0x9;
	_ =	strace $0x8000004B  }
0xb4: {  	_ =	swait.ge [sflag:s29], $0x1  }
0xb5: {  	[sflag:s29] =	ssyncadd.s32 $0xFFFFFFFF  }
0xb6: {  	_ =	strace $0x9000004B  }
0xb7: {  	_ =	sfence  }
0xb8: {  	s30 =	sld [smem:$0x0];
	_ =	sdelay $0x2  }
0xb9: {  	s31 =	sshll.u32 s1, $0xD;
	s1 =	sshrl.u32 s1, $0x2  }
0xba: {  	s3 =	sand.u32 $0x4000, s31;
	s1 =	sadd.s32 s1, s30  }
0xbb: {  	s0 =	sor.u32 s3, s0;
	s1 =	sshll.u32 s1, $0x11  }
0xbc: {  	s0 =	sor.u32 s1, s0  }
0xbd: {  	s0 =	sadd.s32 $0x8F2B, s0  }
0xbe: {  	[sflag:s0] =	ssyncadd.remote.s32 $0x1  }
0xbf: {  	_ =	sfence.sel $0xFFFF  }
0xc0: {  	[dreg:$0x0] =	wrdreg $0xFFFFFFFF;
	(pc) =	sbr.abs _section_cstart, $3  }
0xc1: {  	[dreg:$0x1] =	wrdreg $0xFFFFFFFF  }
0xc2: {  	_ =	task.clear_ibuf [dreg:s7], $0x2FFFF;
	_ =	strace $0x9FFFFFFF  }
0xc3: {  	(tm) =	ssettm $0x7FFFFFFF  }
tec
execute0_lowered:
.L_overlay_start_1:
0x0: {  	(tag) =	ssettag $0x1  }
0x1: {  	s0 =	rddreg [dreg:$0x0]  }
0x2: {  	s1 =	rddreg [dreg:$0x1]  }
0x3: {  	s2 =	rddreg [dreg:$0x2];
	s3 =	srdreg.scid;
	s4 =	simm.s32 $0x0  }
0x4: {  	s11 =	stileid.u32;
	s17 =	simm.s32 $0x3400;
	s18 =	simm.s32 $0x2  }
0x5: {  	s19 =	simm.s32 $0xC00;
	s20 =	simm.s32 $0x400;
	s21 =	simm.s32 $0x800  }
0x6: {  	s22 =	simm.s32 $0x80;
	s23 =	simm.s32 $0x1;
	s24 =	simm.s32 $0x7400  }
0x7: {  	s25 =	simm.s32 $0x0;
	s3 =	sand.u32 $0x1, s3;
	s8 =	smul.u32 $0x14000, s11  }
0x8: {  	[smem:$0x7FF] =	sst s4;
	s5 =	sadd.s32 $0x18800, s0;
	s9 =	smul.u32 $0x50000, s11  }
0x9: {  	s6 =	sadd.s32 $0xCE00, s0;
	s10 =	sadd.s32 $0x17E00, s0;
	s7 =	smul.u32 $0x140000, s3  }
0xa: {  	_ =	strace $0x8000004A;
	[dreg:$0x4] =	wrdreg s10;
	s29 =	ssub.s32 $0x2, s3  }
0xb: {  	s3 =	sshll.u32 s3, $0x4;
	s30 =	sshrl.u32 s29, $0x1;
	s9 =	sshrl.u32 s9, $0x2  }
0xc: {  	s3 =	sor.u32 s11, s3;
	s8 =	sadd.s32 s8, s7;
	s7 =	sadd.s32 $0x1E00, s0  }
0xd: {  	s9 =	sadd.s32 s9, s2;
	s14 =	smul.u32 $0x2C00, s3;
	s8 =	sshrl.u32 s8, $0x3  }
0xe: {  	s31 =	sadd.s32 $0x4000, s9;
	s11 =	sadd.s32 $0x8000, s9;
	s12 =	sadd.s32 $0xC000, s9  }
0xf: {  	s13 =	sadd.s32 $0x10000, s9;
	s0 =	sadd.s32 s8, s0;
	s8 =	ssub.s32 s29, s30  }
0x10: {  	v0 =	vimm.f32 $0.0e+00;
	[dreg:$0x5] =	wrdreg s31;
	s15 =	sadd.s32 $0x40800, s0;
	s16 =	smax.u32 s8, $0x1  }
.LBB2_1:
0x11: {  	s0 =	simm.s32 $0x0;
	s3 =	simm.s32 $0x200  }
.LBB2_2:
0x12: {  	p0 =	sne.s32 s3, $0xFE00;
	[tilespmem:s0+$0x3470] =	vst v0  }
0x13: {  	[tilespmem:s0+$0x3400] =	vst v0  }
0x14: {  	[tilespmem:s0+$0x3410] =	vst v0  }
.Ltmp0:
0x15: {  	[tilespmem:s0+$0x3420] =	vst v0;
	(pc) =	sbr.rel @p0 .LBB2_2-.Ltmp0, $4  }
0x16: {  	[tilespmem:s0+$0x3430] =	vst v0  }
0x17: {  	[tilespmem:s0+$0x3440] =	vst v0  }
0x18: {  	[tilespmem:s0+$0x3450] =	vst v0  }
0x19: {  	[tilespmem:s0+$0x3460] =	vst v0;
	s0 =	sshra.s32 s3, $0x2;
	s3 =	sadd.s32 $0x200, s3  }
0x1a: {  	[tilespmem:s0+$0x3470] =	vst v0  }
0x1b: {  	[tilespmem:s0+$0x3400] =	vst v0  }
0x1c: {  	[tilespmem:s0+$0x3410] =	vst v0  }
0x1d: {  	[tilespmem:s0+$0x3420] =	vst v0  }
0x1e: {  	[tilespmem:s0+$0x3430] =	vst v0  }
0x1f: {  	[tilespmem:s0+$0x3440] =	vst v0  }
0x20: {  	[tilespmem:s0+$0x3450] =	vst v0  }
0x21: {  	[tilespmem:s0+$0x3460] =	vst v0  }
0x22: {  	[spmem:s9] =	stream.linear.scatter [tilespmem:s17], [sflag:$0x2], $0x4000, $0x38;
	[tilespmem:$0x1B480] =	vst v63  }
0x23: {  	_ =	swait.ge [sflag:s18], $0x4000  }
0x24: {  	[sflag:s18] =	ssyncset.done $0x0  }
0x25: {  	s30 =	rddreg [dreg:$0x5];
	[sflag:s18] =	ssyncadd.s32 $0xFFFFC000  }
0x26: {  	[spmem:s30] =	stream.linear.scatter [tilespmem:s17], [sflag:$0x2], $0x4000, $0x38;
	[tilespmem:$0x1B480] =	vst v63  }
0x27: {  	_ =	swait.ge [sflag:s18], $0x4000  }
0x28: {  	[sflag:s18] =	ssyncset.done $0x0  }
0x29: {  	[sflag:s18] =	ssyncadd.s32 $0xFFFFC000  }
0x2a: {  	[spmem:s11] =	stream.linear.scatter [tilespmem:s17], [sflag:$0x2], $0x4000, $0x38;
	[tilespmem:$0x1B480] =	vst v63  }
0x2b: {  	_ =	swait.ge [sflag:s18], $0x4000  }
0x2c: {  	[sflag:s18] =	ssyncset.done $0x0  }
0x2d: {  	[sflag:s18] =	ssyncadd.s32 $0xFFFFC000  }
0x2e: {  	[spmem:s12] =	stream.linear.scatter [tilespmem:s17], [sflag:$0x2], $0x4000, $0x38;
	[tilespmem:$0x1B480] =	vst v63  }
0x2f: {  	_ =	swait.ge [sflag:s18], $0x4000  }
0x30: {  	[sflag:s18] =	ssyncset.done $0x0  }
0x31: {  	[sflag:s18] =	ssyncadd.s32 $0xFFFFC000  }
0x32: {  	[spmem:s13] =	stream.linear.scatter [tilespmem:s17], [sflag:$0x2], $0x4000, $0x38;
	[tilespmem:$0x1B480] =	vst v63  }
0x33: {  	_ =	swait.ge [sflag:s18], $0x4000  }
0x34: {  	[sflag:s18] =	ssyncset.done $0x0  }
0x35: {  	[sflag:s18] =	ssyncadd.s32 $0xFFFFC000  }
0x36: {  	[bflag:$0x0] =	sbarrier.arrive $0xFFFF  }
0x37: {  	s31 =	rddreg [dreg:$0x4]  }
0x38: {  	[tilespmem:s19], [sflag:$0x2] =	stream.linear.gather [hbm4b:s31+s25], $0x2800, $0x38;
	[tilespmem:$0x1B480] =	vst v63  }
0x39: {  	_ =	swait.ge [sflag:s18], $0x2800  }
0x3a: {  	[sflag:s18] =	ssyncset.done $0x0  }
0x3b: {  	s26 =	simm.s32 $0x51;
	s28 =	simm.s32 $0x0;
	[sflag:s18] =	ssyncadd.s32 $0xFFFFD800  }
.LBB2_4:
0x3c: {  	s0 =	sshll.u32 s28, $0xA  }
0x3d: {  	s0 =	sadd.s32 s14, s0  }
0x3e: {  	s0 =	sshrl.u32 s0, $0x3  }
0x3f: {  	s3 =	sadd.s32 s6, s0  }
0x40: {  	[tilespmem:s25], [sflag:$0x2] =	stream.linear.gather [hbm4b:s3+s25], $0x400, $0x38;
	[tilespmem:$0x1B480] =	vst v63  }
0x41: {  	_ =	swait.ge [sflag:s18], $0x400  }
0x42: {  	[sflag:s18] =	ssyncset.done $0x0  }
0x43: {  	s31 =	sadd.s32 s1, s0;
	[sflag:s18] =	ssyncadd.s32 $0xFFFFFC00  }
0x44: {  	[tilespmem:s20], [sflag:$0x2] =	stream.linear.gather [hbm4b:s31+s25], $0x400, $0x38;
	[tilespmem:$0x1B480] =	vst v63  }
0x45: {  	_ =	swait.ge [sflag:s18], $0x400  }
0x46: {  	[sflag:s18] =	ssyncset.done $0x0  }
0x47: {  	s0 =	sadd.s32 s7, s0;
	[sflag:s18] =	ssyncadd.s32 $0xFFFFFC00  }
0x48: {  	[tilespmem:s21], [sflag:$0x2] =	stream.linear.gather [hbm4b:s0+s25], $0x400, $0x38;
	[tilespmem:$0x1B480] =	vst v63  }
0x49: {  	_ =	swait.ge [sflag:s18], $0x400  }
0x4a: {  	[sflag:s18] =	ssyncset.done $0x0  }
0x4b: {  	s29 =	smin.u32 s26, $0x8;
	s30 =	simm.s32 $0x0;
	[sflag:s18] =	ssyncadd.s32 $0xFFFFFC00  }
.LBB2_5:
0x4c: {  	s31 =	sshll.u32 s30, $0x7  }
0x4d: {  	v1 =	vld [tilespmem:s31+$0x0];
	_ =	sdelay $0x1  }
0x4e: {  	v2 =	vld [tilespmem:s31+$0x400];
	_ =	sdelay $0x4  }
0x4f: {  	v3 =	vld [tilespmem:s31+$0x800]  }
0x50: {  	v1 =	vld.idx.msk [tilespmem:v1+s19+$0x0], $0xffff;
	_ =	sdelay $0x1  }
0x51: {  	v2 =	vld.idx.msk [tilespmem:v2+s19+$0x0], $0xffff;
	_ =	sdelay $0x2  }
0x52: {  	v1 =	vmul.f32 v3, v1;
	_ =	sdelay $0x1  }
0x53: {  	v1 =	vmul.f32 v1, v2;
	_ =	sdelay $0x1  }
0x54: {  	[tilespmem:$0x7400] =	vst v1  }
0x55: {  	v1 =	vld [tilespmem:s31+$0x10];
	_ =	sdelay $0x1  }
0x56: {  	v2 =	vld [tilespmem:s31+$0x410];
	_ =	sdelay $0x4  }
0x57: {  	v3 =	vld [tilespmem:s31+$0x810]  }
0x58: {  	v1 =	vld.idx.msk [tilespmem:v1+s19+$0x0], $0xffff;
	_ =	sdelay $0x1  }
0x59: {  	v2 =	vld.idx.msk [tilespmem:v2+s19+$0x0], $0xffff;
	_ =	sdelay $0x2  }
0x5a: {  	v1 =	vmul.f32 v3, v1;
	_ =	sdelay $0x1  }
0x5b: {  	v1 =	vmul.f32 v1, v2;
	_ =	sdelay $0x1  }
0x5c: {  	[tilespmem:$0x7410] =	vst v1  }
0x5d: {  	v1 =	vld [tilespmem:s31+$0x20];
	_ =	sdelay $0x1  }
0x5e: {  	v2 =	vld [tilespmem:s31+$0x420];
	_ =	sdelay $0x4  }
0x5f: {  	v3 =	vld [tilespmem:s31+$0x820]  }
0x60: {  	v1 =	vld.idx.msk [tilespmem:v1+s19+$0x0], $0xffff;
	_ =	sdelay $0x1  }
0x61: {  	v2 =	vld.idx.msk [tilespmem:v2+s19+$0x0], $0xffff;
	_ =	sdelay $0x2  }
0x62: {  	v1 =	vmul.f32 v3, v1;
	_ =	sdelay $0x1  }
0x63: {  	v1 =	vmul.f32 v1, v2;
	_ =	sdelay $0x1  }
0x64: {  	[tilespmem:$0x7420] =	vst v1  }
0x65: {  	v1 =	vld [tilespmem:s31+$0x30];
	_ =	sdelay $0x1  }
0x66: {  	v2 =	vld [tilespmem:s31+$0x430];
	_ =	sdelay $0x4  }
0x67: {  	v3 =	vld [tilespmem:s31+$0x830]  }
0x68: {  	v1 =	vld.idx.msk [tilespmem:v1+s19+$0x0], $0xffff;
	_ =	sdelay $0x1  }
0x69: {  	v2 =	vld.idx.msk [tilespmem:v2+s19+$0x0], $0xffff;
	_ =	sdelay $0x2  }
0x6a: {  	v1 =	vmul.f32 v3, v1;
	_ =	sdelay $0x1  }
0x6b: {  	v1 =	vmul.f32 v1, v2;
	_ =	sdelay $0x1  }
0x6c: {  	[tilespmem:$0x7430] =	vst v1  }
0x6d: {  	v1 =	vld [tilespmem:s31+$0x40];
	_ =	sdelay $0x1  }
0x6e: {  	v2 =	vld [tilespmem:s31+$0x440];
	_ =	sdelay $0x4  }
0x6f: {  	v3 =	vld [tilespmem:s31+$0x840]  }
0x70: {  	v1 =	vld.idx.msk [tilespmem:v1+s19+$0x0], $0xffff;
	_ =	sdelay $0x1  }
0x71: {  	v2 =	vld.idx.msk [tilespmem:v2+s19+$0x0], $0xffff;
	_ =	sdelay $0x2  }
0x72: {  	v1 =	vmul.f32 v3, v1;
	_ =	sdelay $0x1  }
0x73: {  	v1 =	vmul.f32 v1, v2;
	_ =	sdelay $0x1  }
0x74: {  	[tilespmem:$0x7440] =	vst v1  }
0x75: {  	v1 =	vld [tilespmem:s31+$0x50];
	_ =	sdelay $0x1  }
0x76: {  	v2 =	vld [tilespmem:s31+$0x450];
	_ =	sdelay $0x4  }
0x77: {  	v3 =	vld [tilespmem:s31+$0x850]  }
0x78: {  	v1 =	vld.idx.msk [tilespmem:v1+s19+$0x0], $0xffff;
	_ =	sdelay $0x1  }
0x79: {  	v2 =	vld.idx.msk [tilespmem:v2+s19+$0x0], $0xffff;
	_ =	sdelay $0x2  }
0x7a: {  	v1 =	vmul.f32 v3, v1;
	_ =	sdelay $0x1  }
0x7b: {  	v1 =	vmul.f32 v1, v2;
	_ =	sdelay $0x1  }
0x7c: {  	[tilespmem:$0x7450] =	vst v1  }
0x7d: {  	v1 =	vld [tilespmem:s31+$0x60];
	_ =	sdelay $0x1  }
0x7e: {  	v2 =	vld [tilespmem:s31+$0x460];
	_ =	sdelay $0x4  }
0x7f: {  	v3 =	vld [tilespmem:s31+$0x860]  }
0x80: {  	v1 =	vld.idx.msk [tilespmem:v1+s19+$0x0], $0xffff;
	_ =	sdelay $0x1  }
0x81: {  	v2 =	vld.idx.msk [tilespmem:v2+s19+$0x0], $0xffff;
	_ =	sdelay $0x2  }
0x82: {  	v1 =	vmul.f32 v3, v1;
	_ =	sdelay $0x1  }
0x83: {  	v1 =	vmul.f32 v1, v2;
	_ =	sdelay $0x1  }
0x84: {  	[tilespmem:$0x7460] =	vst v1  }
0x85: {  	v1 =	vld [tilespmem:s31+$0x70];
	_ =	sdelay $0x1  }
0x86: {  	v2 =	vld [tilespmem:s31+$0x470];
	_ =	sdelay $0x4  }
0x87: {  	v3 =	vld [tilespmem:s31+$0x870]  }
0x88: {  	v1 =	vld.idx.msk [tilespmem:v1+s19+$0x0], $0xffff;
	_ =	sdelay $0x1  }
0x89: {  	v2 =	vld.idx.msk [tilespmem:v2+s19+$0x0], $0xffff;
	_ =	sdelay $0x2  }
0x8a: {  	v1 =	vmul.f32 v3, v1;
	_ =	sdelay $0x1  }
0x8b: {  	v1 =	vmul.f32 v1, v2;
	_ =	sdelay $0x1  }
0x8c: {  	[tilespmem:$0x7470] =	vst v1  }
0x8d: {  	[tilespmem:s17], [sflag:$0x1] =	stream.indirect.gather [hbm4b:s5+s22], $0x80, s31, s22, $0xb8;
	[tilespmem:$0x1B480] =	vst v63  }
0x8e: {  	s0 =	simm.s32 $0x0;
	_ =	swait.ge [sflag:s23], $0x4000  }
0x8f: {  	v1 =	vmov s0;
	[sflag:s23] =	ssyncset.done $0x0  }
0x90: {  	s0 =	simm.s32 $0x3440;
	[sflag:s23] =	ssyncadd.s32 $0xFFFFC000  }
0x91: {  	v5 =	vld [tilespmem:s0+$0x30]  }
0x92: {  	v8 =	vld [tilespmem:s0+$0x10]  }
0x93: {  	v6 =	vld [tilespmem:s0+$0xFFFFFFC0]  }
0x94: {  	v2 =	vld.idx.msk [tilespmem:v1+s24+$0x0], $0xffff  }
0x95: {  	v10 =	vld [tilespmem:s0+$0xFFFFFFE0]  }
0x96: {  	v1 =	vld [tilespmem:s0+$0xFFFFFFF0]  }
0x97: {  	v3 =	vld [tilespmem:s0+$0x20]  }
0x98: {  	v4 =	vld [tilespmem:s0+$0xFFFFFFD0]  }
0x99: {  	v9 =	vmul.f32 v5, v2;
	v5 =	vld [tilespmem:s0+$0x0]  }
0x9a: {  	v7 =	vmul.f32 v6, v2  }
0x9b: {  	s3 =	simm.s32 $0x1;
	s8 =	simm.s32 $0x3440;
	s31 =	sadd.s32 $0x400, s31;
	v6 =	vmul.f32 v10, v2;
	v8 =	vmul.f32 v8, v2  }
.LBB2_6:
0x9c: {  	p0 =	sne.s32 s3, $0x7F  }
0x9d: {  	v4 =	vmul.f32 v4, v2;
	v3 =	vmul.f32 v3, v2;
	[tilespmem:s0+$0x30] =	vst v9;
	s8 =	sadd.s32 $0x80, s8;
	s10 =	smov.u32 s3;
	s3 =	sadd.s32 $0x1, s3  }
0x9e: {  	[tilespmem:s0+$0xFFFFFFC0] =	vst v7;
	v7 =	vmul.f32 v1, v2;
	v2 =	vmul.f32 v5, v2  }
0x9f: {  	[tilespmem:s0+$0x10] =	vst v8  }
0xa0: {  	v5 =	vmov s10;
	[tilespmem:s0+$0xFFFFFFE0] =	vst v6  }
0xa1: {  	v1 =	vld [tilespmem:s8+$0xFFFFFFF0];
	[tilespmem:s0+$0xFFFFFFF0] =	vst v7  }
0xa2: {  	v6 =	vld [tilespmem:s8+$0x30];
	[tilespmem:s0+$0x0] =	vst v2  }
0xa3: {  	v8 =	vld [tilespmem:s8+$0x10];
	[tilespmem:s0+$0x20] =	vst v3  }
0xa4: {  	v7 =	vld [tilespmem:s8+$0xFFFFFFC0];
	[tilespmem:s0+$0xFFFFFFD0] =	vst v4;
	s0 =	smov.u32 s8  }
0xa5: {  	v2 =	vld.idx.msk [tilespmem:v5+s24+$0x0], $0xffff  }
0xa6: {  	v10 =	vld [tilespmem:s8+$0xFFFFFFE0]  }
0xa7: {  	v3 =	vld [tilespmem:s8+$0x20]  }
.Ltmp1:
0xa8: {  	v4 =	vld [tilespmem:s8+$0xFFFFFFD0];
	(pc) =	sbr.rel @p0 .LBB2_6-.Ltmp1, $3  }
0xa9: {  	v5 =	vld [tilespmem:s8+$0x0];
	_ =	sdelay $0x1  }
0xaa: {  	v7 =	vmul.f32 v7, v2;
	v9 =	vmul.f32 v6, v2  }
0xab: {  	v8 =	vmul.f32 v8, v2;
	v6 =	vmul.f32 v10, v2  }
0xac: {  	[tilespmem:s0+$0x30] =	vst v9  }
0xad: {  	[tilespmem:s0+$0xFFFFFFC0] =	vst v7  }
0xae: {  	v1 =	vmul.f32 v1, v2;
	[tilespmem:s0+$0x10] =	vst v8  }
0xaf: {  	v3 =	vmul.f32 v3, v2;
	[tilespmem:s0+$0xFFFFFFE0] =	vst v6  }
0xb0: {  	v5 =	vmul.f32 v5, v2;
	[tilespmem:s0+$0xFFFFFFF0] =	vst v1  }
0xb1: {  	s30 =	sadd.s32 $0x1, s30;
	v1 =	vmul.f32 v4, v2;
	[tilespmem:s0+$0x20] =	vst v3  }
0xb2: {  	p0 =	sne.s32 s30, s29;
	[tilespmem:s0+$0x0] =	vst v5  }
.Ltmp2:
0xb3: {  	[tilespmem:s0+$0xFFFFFFD0] =	vst v1;
	(pc) =	sbr.rel @p0 .LBB2_5-.Ltmp2, $4  }
0xb4: {  	[spmem:s2] =	stream.indirect.scatter.add.f32 [tilespmem:s17], [sflag:$0x2], $0x80, s31, s22, $0xb8;
	[tilespmem:$0x1B480] =	vst v63  }
0xb5: {  	_ =	swait.ge [sflag:s18], $0x4000  }
0xb6: {  	[sflag:s18] =	ssyncset.done $0x0  }
0xb7: {  	[sflag:s18] =	ssyncadd.s32 $0xFFFFC000  }
0xb8: {  	s28 =	sadd.s32 $0x1, s28  }
0xb9: {  	p0 =	sne.s32 s28, $0xB  }
.Ltmp3:
0xba: {  	_ = 	snop;
	(pc) =	sbr.rel @p0 .LBB2_4-.Ltmp3, $2  }
0xbb: {  	_ =	sdelay $0x2  }
0xbc: {  	s26 =	sadd.s32 $0xFFFFFFF8, s26  }
0xbd: {  	s0 =	stileid.u32;
	s4 =	sadd.s32 $0x1, s4  }
0xbe: {  	[bflag:$0x0] =	sbarrier.arrive $0xFFFF;
	s0 =	sshll.u32 s0, $0x6;
	p0 =	sne.s32 s4, s16  }
.Ltmp4:
0xbf: {  	s3 =	sshrl.u32 s9, $0x3;
	s0 =	sor.u32 $0x1C02, s0;
	(pc) =	sbr.rel @p0 .LBB2_1-.Ltmp4, $4  }
0xc0: {  	[hbm:s15], [sflag:s0] =	dma.local [spmem:s3], $0x2800  }
0xc1: {  	_ =	swait.ge [sflag:s18], $0x2800  }
0xc2: {  	[sflag:s18] =	ssyncset.done $0x0  }
0xc3: {  	[sflag:s18] =	ssyncadd.s32 $0xFFFFD800  }
0xc4: {  	_ =	sfence.sel $0x180000  }
0xc5: {  	[bflag:$0x0] =	sbarrier.arrive $0xFFFF  }
0xc6: {  	_ =	strace $0x9000004A  }
0xc7: {  	s0 =	stileid.u32;
	[bflag:$0x2] =	sbarrier.arrive $0xFFFF  }
0xc8: {  	p0 =	sne.s32 s0, $0x0;
	s0 =	rddreg [dreg:$0x3]  }
0xc9: {  	s0 =	sadd.s32 @!p0 $0x100000, s0  }
0xca: {  	[sflag:s0] =	ssyncadd.tile.s32 @!p0 $0x1;
	_ =	shalt  }
.Lfunc_end2:
_tile_overlayer_lowered:
.L_overlay_start_2:
0xcb: {  	(tag) =	ssettag $0x2  }
0xcc: {  	s0 =	rddreg [dreg:$0x0];
	s2 =	stileid.u32  }
0xcd: {  	s1 =	rddreg [dreg:$0x1];
	p0 =	sne.s32 s2, $0x0  }
0xce: {  	s3 =	rddreg [dreg:$0x2];
	[bflag:$0x3] =	sbarrier.arrive $0xFFFF;
	s2 =	simm.s32 @!p0 $0x1C02  }
0xcf: {  	[timem:s3], [sflag:s2] =	dma.local @!p0 [hbm:s0], s1  }
0xd0: {  	s0 =	simm.s32 @!p0 $0x2  }
0xd1: {  	_ =	swait.ge @!p0 [sflag:s0], s1  }
0xd2: {  	s1 =	ssub.s32 @!p0 $0x0, s1;
	[sflag:s0] =	ssyncset.done @!p0 $0x0  }
0xd3: {  	[sflag:s0] =	ssyncadd.s32 @!p0 s1  }
0xd4: {  	[bflag:$0x3] =	sbarrier.arrive $0xFFFF  }
0xd5: {  	_ =	shalt  }

// kernel: kernel.15.cloned.1.call-start
scs
__scs_entry_jumppad:
0x0: {  	(pc) =	sbr.rel $0x88, $3  }
0x1: {  	(tag) =	ssettag $0x0;
	lr =	simm.s32 $0x1  }
0x2: {  	[smem:$0x3F9A] =	sst lr;
	_ =	strace $0xD0000000  }
0x3: {  	_ = 	snop  }
0x4: {  	_ = 	snop  }
0x5: {  	_ = 	snop  }
0x6: {  	_ = 	snop  }
0x7: {  	_ = 	snop  }
__scs_overlays_trampoline_lowered:
0x8: {  	[smem:$0x3FA9] =	sst s0  }
0x9: {  	[smem:$0x3FAA] =	sst s1  }
0xa: {  	[smem:$0x3FAB] =	sst s2  }
0xb: {  	[smem:$0x3FAC] =	sst s3  }
0xc: {  	[smem:$0x3FAD] =	sst s4  }
0xd: {  	[smem:$0x3FAE] =	sst s5  }
0xe: {  	[smem:$0x3FAF] =	sst s6  }
0xf: {  	[smem:$0x3FB0] =	sst s7  }
0x10: {  	[smem:$0x3FB1] =	sst s8  }
0x11: {  	[smem:$0x3FB2] =	sst s9;
	s0 =	simm.s32 @!p0 $0x0  }
0x12: {  	s1 =	sld [smem:$0x3F98];
	s0 =	simm.s32 @p0 $0x1  }
0x13: {  	[smem:$0x3FB3] =	sst s0;
	s0 =	simm.s32 @!p1 $0x0  }
0x14: {  	s2 =	sld [smem:$0x3F97];
	s0 =	simm.s32 @p1 $0x1  }
0x15: {  	[smem:$0x3FB4] =	sst s0;
	s0 =	simm.s32 @!p2 $0x0  }
0x16: {  	s3 =	sld [smem:$0x3FDB];
	s0 =	simm.s32 @p2 $0x1  }
0x17: {  	s4 =	simm.s32 $0x1BF5;
	[smem:$0x3FB6] =	sst s0  }
0x18: {  	s0 =	sld [smem:$0x3F99];
	_ =	swait.ge [sflag:s4], $0x0  }
0x19: {  	s7 =	sld [smem:$0x3F9A]  }
0x1a: {  	s8 =	sadd.s32 $0xFFFFE003, lr  }
0x1b: {  	s9 =	sadd.s32 $0xFFFFFEF7, lr;
	s5 =	simm.s32 $0xFFFFFFFF;
	p2 =	slt.u32 s8, $0xFFFFF086  }
0x1c: {  	p1 =	slt.u32 s9, $0xF7A;
	s5 =	simm.s32 @!p2 $0x0  }
0x1d: {  	s5 =	simm.s32 @p1 $0x1;
	p0 =	seq.s32 s7, s2  }
0x1e: {  	s7 =	smul.u32 @!p0 $0xF7A, s2;
	p2 =	seq.s32 @!p0 s5, $0x0  }
0x1f: {  	s9 =	smul.u32 $0xF7A, s1;
	s8 =	simm.s32 @!p0 $0x1BF5;
	p2 =	por !p2, p0  }
0x20: {  	[sflag:s8] =	ssyncset.s32 @!p0 $0xFFFFF086;
	s6 =	sadd.s32 @!p0 s3, s7;
	s7 =	simm.s32 @!p0 $0x108  }
0x21: {  	s3 =	sadd.s32 s3, s9;
	s6 =	sadd.s32 @!p0 $0x88, s6;
	s7 =	simm.s32 @p2 $0x1082  }
0x22: {  	[simem:s7], [sflag:s8] =	dma.local @!p0 [hbm:s6], $0xF7A  }
0x23: {  	s9 =	sor.u32 $0xD0000000, s2;
	s6 =	simm.s32 $0x108;
	_ =	swait.ge @!p0 [sflag:s8], $0x0  }
0x24: {  	s3 =	sadd.s32 $0x88, s3;
	s6 =	simm.s32 @!p1 $0x1082;
	[sflag:s4] =	ssyncset.s32 $0xFFFFF086  }
0x25: {  	[simem:s6], [sflag:s4] =	dma.local [hbm:s3], $0xF7A  }
0x26: {  	[smem:$0x3F9A] =	sst s1;
	(tag) =	ssettag s2;
	_ =	strace s9  }
0x27: {  	s1 =	sld [smem:$0x3FAA]  }
0x28: {  	s2 =	sld [smem:$0x3FAB]  }
0x29: {  	s4 =	sld [smem:$0x3FAD]  }
0x2a: {  	p0 =	seq.s32 s5, $0x0;
	s5 =	sld [smem:$0x3FAE]  }
0x2b: {  	s6 =	sld [smem:$0x3FAF]  }
0x2c: {  	s7 =	sld [smem:$0x3FB0]  }
0x2d: {  	s3 =	simm.s32 $0x108;
	s8 =	sld [smem:$0x3FB1]  }
0x2e: {  	s3 =	simm.s32 @!p0 $0x1082;
	s9 =	sld [smem:$0x3FB2]  }
0x2f: {  	lr =	sadd.s32 s0, s3;
	s0 =	sld [smem:$0x3FA9]  }
0x30: {  	s3 =	sld [smem:$0x3FAC]  }
0x31: {  	[smem:$0x3FB5] =	sst s10  }
0x32: {  	s10 =	sld [smem:$0x3FB3];
	_ =	sdelay $0x3  }
0x33: {  	p0 =	seq.s32 s10, $0x1;
	s10 =	sld [smem:$0x3FB5];
	_ =	sdelay $0x3  }
0x34: {  	[smem:$0x3FB5] =	sst s10  }
0x35: {  	s10 =	sld [smem:$0x3FB4];
	_ =	sdelay $0x3  }
0x36: {  	p1 =	seq.s32 s10, $0x1;
	s10 =	sld [smem:$0x3FB5];
	_ =	sdelay $0x3  }
0x37: {  	[smem:$0x3FB5] =	sst s10  }
0x38: {  	s10 =	sld [smem:$0x3FB6]  }
0x39: {  	_ = 	snop;
	(pc) =	sbr.ind lr, $3  }
0x3a: {  	_ = 	snop  }
0x3b: {  	_ = 	snop  }
0x3c: {  	p2 =	seq.s32 s10, $0x1;
	s10 =	sld [smem:$0x3FB5]  }
0x3d: {  	_ =	shalt  }
0x3e: {  	_ =	shalt  }
0x3f: {  	_ =	shalt  }
0x40: {  	_ =	shalt  }
0x41: {  	_ =	shalt  }
0x42: {  	_ =	shalt  }
0x43: {  	_ =	shalt  }
0x44: {  	_ =	shalt  }
0x45: {  	_ =	shalt  }
0x46: {  	_ =	shalt  }
0x47: {  	_ =	shalt  }
0x48: {  	_ =	shalt  }
0x49: {  	_ =	shalt  }
0x4a: {  	_ =	shalt  }
0x4b: {  	_ =	shalt  }
0x4c: {  	_ =	shalt  }
0x4d: {  	_ =	shalt  }
0x4e: {  	_ =	shalt  }
0x4f: {  	_ =	shalt  }
0x50: {  	_ =	shalt  }
0x51: {  	_ =	shalt  }
0x52: {  	_ =	shalt  }
0x53: {  	_ =	shalt  }
0x54: {  	_ =	shalt  }
0x55: {  	_ =	shalt  }
0x56: {  	_ =	shalt  }
0x57: {  	_ =	shalt  }
0x58: {  	_ =	shalt  }
0x59: {  	_ =	shalt  }
0x5a: {  	_ =	shalt  }
0x5b: {  	_ =	shalt  }
0x5c: {  	_ =	shalt  }
0x5d: {  	_ =	shalt  }
0x5e: {  	_ =	shalt  }
0x5f: {  	_ =	shalt  }
0x60: {  	_ =	shalt  }
0x61: {  	_ =	shalt  }
0x62: {  	_ =	shalt  }
0x63: {  	_ =	shalt  }
0x64: {  	_ =	shalt  }
0x65: {  	_ =	shalt  }
0x66: {  	_ =	shalt  }
0x67: {  	_ =	shalt  }
0x68: {  	_ =	shalt  }
0x69: {  	_ =	shalt  }
0x6a: {  	_ =	shalt  }
0x6b: {  	_ =	shalt  }
0x6c: {  	_ =	shalt  }
0x6d: {  	_ =	shalt  }
0x6e: {  	_ =	shalt  }
0x6f: {  	_ =	shalt  }
0x70: {  	_ =	shalt  }
0x71: {  	_ =	shalt  }
0x72: {  	_ =	shalt  }
0x73: {  	_ =	shalt  }
0x74: {  	_ =	shalt  }
0x75: {  	_ =	shalt  }
0x76: {  	_ =	shalt  }
0x77: {  	_ =	shalt  }
0x78: {  	_ =	shalt  }
0x79: {  	_ =	shalt  }
0x7a: {  	_ =	shalt  }
0x7b: {  	_ =	shalt  }
0x7c: {  	_ =	shalt  }
0x7d: {  	_ =	shalt  }
0x7e: {  	_ =	shalt  }
0x7f: {  	_ =	shalt  }
0x80: {  	_ =	shalt  }
0x81: {  	_ =	shalt  }
0x82: {  	_ =	shalt  }
0x83: {  	_ =	shalt  }
0x84: {  	_ =	shalt  }
0x85: {  	_ =	shalt  }
0x86: {  	_ =	shalt  }
0x87: {  	_ =	shalt  }
.Lfunc_end0:
.L_simem_size_0:
called_computation.2_lowered:
.L_overlay_start_0:
0x88: {  	s2 =	sld [smem:$0x3FD9]  }
0x89: {  	s3 =	sld [smem:$0x3FFE];
	_ =	sdelay $0x1  }
0x8a: {  	s1 =	srdreg.scid  }
0x8b: {  	s0 =	sand.u32 $0x1, s1  }
0x8c: {  	s17 =	sshll.u32 s0, $0xA;
	s2 =	sadd.s32 s3, s2  }
0x8d: {  	s2 =	sadd.s32 s2, s17  }
0x8e: {  	[smem:$0x3FC1] =	sst s2  }
0x8f: {  	_ = 	snop  }
0x90: {  	s2 =	sld [smem:$0x3FD0];
	(tm) =	ssettm $0x1  }
0x91: {  	s18 =	sld [smem:$0x3FFB];
	_ =	sdelay $0x3  }
0x92: {  	_ =	strace s18  }
0x93: {  	s3 =	sld [smem:$0x3FFC];
	_ =	sdelay $0x3  }
0x94: {  	_ =	strace s3  }
0x95: {  	s3 =	sld [smem:$0x3FFD];
	_ =	sdelay $0x3  }
0x96: {  	_ =	strace s3  }
0x97: {  	_ =	strace $0x8FFFFFFF  }
0x98: {  	s19 =	sld [smem:$0x3FDB];
	_ =	sdelay $0x1  }
0x99: {  	s4 =	simm.s32 $_scs_section_size  }
0x9a: {  	s5 =	simm.s32 $_size__tile_overlayer_lowered;
	s6 =	simm.s32 $_tile_overlayer_lowered  }
0x9b: {  	s22 =	simm.s32 $0x1BFF;
	s21 =	sshll.u32 s6, $0x1;
	s3 =	sadd.s32 s4, s19  }
0x9c: {  	s7 =	simm.s32 $0x0;
	s20 =	sshll.u32 s5, $0x1;
	s5 =	sadd.s32 s21, s3  }
0x9d: {  	[timem:s7], [sflag:s22] =	dma.local [hbm:s5], s20  }
0x9e: {  	_ =	swait.ge [sflag:s22], s20  }
0x9f: {  	s4 =	ssub.s32 $0x0, s20;
	[sflag:s22] =	ssyncset.done $0x0  }
0xa0: {  	[sflag:s22] =	ssyncadd.s32 s4;
	_ =	sdelay $0x1  }
0xa1: {  	s23 =	simm.s32 $0x1B8B  }
0xa2: {  	_ =	swait.ge [sflag:s23], $0x1  }
0xa3: {  	[sflag:s23] =	ssyncset.done $0x0  }
0xa4: {  	s25 =	simm.s32 $0x1B8E;
	s24 =	sld [smem:$0x3FFE];
	[sflag:s23] =	ssyncadd.s32 $0xFFFFFFFF  }
0xa5: {  	s26 =	simm.s32 $execute0_lowered;
	[smem:$0x3FD2] =	sst s25  }
0xa6: {  	s5 =	sshll.u32 s26, $0x1;
	_ =	strace $0x8000004C;
	[dreg:$0x1] =	wrdreg $0xFFFFFFFF  }
0xa7: {  	s28 =	simm.s32 $_size_execute0_lowered;
	s3 =	sadd.s32 s3, s5;
	[dreg:$0x0] =	wrdreg $0x0  }
0xa8: {  	s5 =	sshll.u32 s28, $0x1;
	[dreg:$0x2] =	wrdreg s3  }
0xa9: {  	[dreg:$0x3] =	wrdreg s5  }
0xaa: {  	[dreg:$0x4] =	wrdreg $0xC0  }
0xab: {  	_ =	task [dreg:s7], $0x5FFFF  }
0xac: {  	[dreg:$0x1] =	wrdreg $0xFFFFFFFF  }
0xad: {  	[dreg:$0x0] =	wrdreg $0x60  }
0xae: {  	[dreg:$0x2] =	wrdreg s24  }
0xaf: {  	[dreg:$0x3] =	wrdreg s2  }
0xb0: {  	[dreg:$0x4] =	wrdreg $0x74800  }
0xb1: {  	[dreg:$0x5] =	wrdreg $0x9  }
0xb2: {  	_ =	task.clear_ibuf [dreg:s7], $0x6FFFF;
	_ =	strace $0x9000004C  }
0xb3: {  	s29 =	simm.s32 $0x9;
	_ =	strace $0x8000004E  }
0xb4: {  	_ =	swait.ge [sflag:s29], $0x1  }
0xb5: {  	[sflag:s29] =	ssyncadd.s32 $0xFFFFFFFF  }
0xb6: {  	_ =	strace $0x9000004E  }
0xb7: {  	_ =	sfence  }
0xb8: {  	s30 =	sld [smem:$0x0];
	_ =	sdelay $0x2  }
0xb9: {  	s31 =	sshll.u32 s1, $0xD;
	s1 =	sshrl.u32 s1, $0x2  }
0xba: {  	s3 =	sand.u32 $0x4000, s31;
	s1 =	sadd.s32 s1, s30  }
0xbb: {  	s0 =	sor.u32 s3, s0;
	s1 =	sshll.u32 s1, $0x11  }
0xbc: {  	s0 =	sor.u32 s1, s0  }
0xbd: {  	s0 =	sadd.s32 $0x8F2B, s0  }
0xbe: {  	[sflag:s0] =	ssyncadd.remote.s32 $0x1  }
0xbf: {  	_ =	sfence.sel $0xFFFF  }
0xc0: {  	[dreg:$0x0] =	wrdreg $0xFFFFFFFF;
	(pc) =	sbr.abs _section_cstart, $3  }
0xc1: {  	[dreg:$0x1] =	wrdreg $0xFFFFFFFF  }
0xc2: {  	_ =	task.clear_ibuf [dreg:s7], $0x2FFFF;
	_ =	strace $0x9FFFFFFF  }
0xc3: {  	(tm) =	ssettm $0x7FFFFFFF  }
tec
execute0_lowered:
.L_overlay_start_1:
0x0: {  	(tag) =	ssettag $0x1  }
0x1: {  	s0 =	rddreg [dreg:$0x0]  }
0x2: {  	s1 =	rddreg [dreg:$0x1]  }
0x3: {  	s2 =	rddreg [dreg:$0x2];
	s3 =	srdreg.scid;
	s4 =	simm.s32 $0x0  }
0x4: {  	s11 =	stileid.u32;
	s17 =	simm.s32 $0x3400;
	s18 =	simm.s32 $0x2  }
0x5: {  	s19 =	simm.s32 $0xC00;
	s20 =	simm.s32 $0x400;
	s21 =	simm.s32 $0x800  }
0x6: {  	s22 =	simm.s32 $0x80;
	s23 =	simm.s32 $0x1;
	s24 =	simm.s32 $0x7400  }
0x7: {  	s25 =	simm.s32 $0x0;
	s3 =	sand.u32 $0x1, s3;
	s8 =	smul.u32 $0x14000, s11  }
0x8: {  	[smem:$0x7FF] =	sst s4;
	s5 =	sadd.s32 $0x18400, s0;
	s9 =	smul.u32 $0x50000, s11  }
0x9: {  	s6 =	sadd.s32 $0xCE00, s0;
	s10 =	sadd.s32 $0x17E00, s0;
	s7 =	smul.u32 $0x140000, s3  }
0xa: {  	_ =	strace $0x8000004D;
	[dreg:$0x4] =	wrdreg s10;
	s29 =	ssub.s32 $0x2, s3  }
0xb: {  	s3 =	sshll.u32 s3, $0x4;
	s30 =	sshrl.u32 s29, $0x1;
	s9 =	sshrl.u32 s9, $0x2  }
0xc: {  	s3 =	sor.u32 s11, s3;
	s8 =	sadd.s32 s8, s7;
	s7 =	sadd.s32 $0x1E00, s0  }
0xd: {  	s9 =	sadd.s32 s9, s2;
	s14 =	smul.u32 $0x2C00, s3;
	s8 =	sshrl.u32 s8, $0x3  }
0xe: {  	s31 =	sadd.s32 $0x4000, s9;
	s11 =	sadd.s32 $0x8000, s9;
	s12 =	sadd.s32 $0xC000, s9  }
0xf: {  	s13 =	sadd.s32 $0x10000, s9;
	s0 =	sadd.s32 s8, s0;
	s8 =	ssub.s32 s29, s30  }
0x10: {  	v0 =	vimm.f32 $0.0e+00;
	[dreg:$0x5] =	wrdreg s31;
	s15 =	sadd.s32 $0x40400, s0;
	s16 =	smax.u32 s8, $0x1  }
.LBB2_1:
0x11: {  	s0 =	simm.s32 $0x0;
	s3 =	simm.s32 $0x200  }
.LBB2_2:
0x12: {  	p0 =	sne.s32 s3, $0xFE00;
	[tilespmem:s0+$0x3470] =	vst v0  }
0x13: {  	[tilespmem:s0+$0x3400] =	vst v0  }
0x14: {  	[tilespmem:s0+$0x3410] =	vst v0  }
.Ltmp0:
0x15: {  	[tilespmem:s0+$0x3420] =	vst v0;
	(pc) =	sbr.rel @p0 .LBB2_2-.Ltmp0, $4  }
0x16: {  	[tilespmem:s0+$0x3430] =	vst v0  }
0x17: {  	[tilespmem:s0+$0x3440] =	vst v0  }
0x18: {  	[tilespmem:s0+$0x3450] =	vst v0  }
0x19: {  	[tilespmem:s0+$0x3460] =	vst v0;
	s0 =	sshra.s32 s3, $0x2;
	s3 =	sadd.s32 $0x200, s3  }
0x1a: {  	[tilespmem:s0+$0x3470] =	vst v0  }
0x1b: {  	[tilespmem:s0+$0x3400] =	vst v0  }
0x1c: {  	[tilespmem:s0+$0x3410] =	vst v0  }
0x1d: {  	[tilespmem:s0+$0x3420] =	vst v0  }
0x1e: {  	[tilespmem:s0+$0x3430] =	vst v0  }
0x1f: {  	[tilespmem:s0+$0x3440] =	vst v0  }
0x20: {  	[tilespmem:s0+$0x3450] =	vst v0  }
0x21: {  	[tilespmem:s0+$0x3460] =	vst v0  }
0x22: {  	[spmem:s9] =	stream.linear.scatter [tilespmem:s17], [sflag:$0x2], $0x4000, $0x38;
	[tilespmem:$0x1B480] =	vst v63  }
0x23: {  	_ =	swait.ge [sflag:s18], $0x4000  }
0x24: {  	[sflag:s18] =	ssyncset.done $0x0  }
0x25: {  	s30 =	rddreg [dreg:$0x5];
	[sflag:s18] =	ssyncadd.s32 $0xFFFFC000  }
0x26: {  	[spmem:s30] =	stream.linear.scatter [tilespmem:s17], [sflag:$0x2], $0x4000, $0x38;
	[tilespmem:$0x1B480] =	vst v63  }
0x27: {  	_ =	swait.ge [sflag:s18], $0x4000  }
0x28: {  	[sflag:s18] =	ssyncset.done $0x0  }
0x29: {  	[sflag:s18] =	ssyncadd.s32 $0xFFFFC000  }
0x2a: {  	[spmem:s11] =	stream.linear.scatter [tilespmem:s17], [sflag:$0x2], $0x4000, $0x38;
	[tilespmem:$0x1B480] =	vst v63  }
0x2b: {  	_ =	swait.ge [sflag:s18], $0x4000  }
0x2c: {  	[sflag:s18] =	ssyncset.done $0x0  }
0x2d: {  	[sflag:s18] =	ssyncadd.s32 $0xFFFFC000  }
0x2e: {  	[spmem:s12] =	stream.linear.scatter [tilespmem:s17], [sflag:$0x2], $0x4000, $0x38;
	[tilespmem:$0x1B480] =	vst v63  }
0x2f: {  	_ =	swait.ge [sflag:s18], $0x4000  }
0x30: {  	[sflag:s18] =	ssyncset.done $0x0  }
0x31: {  	[sflag:s18] =	ssyncadd.s32 $0xFFFFC000  }
0x32: {  	[spmem:s13] =	stream.linear.scatter [tilespmem:s17], [sflag:$0x2], $0x4000, $0x38;
	[tilespmem:$0x1B480] =	vst v63  }
0x33: {  	_ =	swait.ge [sflag:s18], $0x4000  }
0x34: {  	[sflag:s18] =	ssyncset.done $0x0  }
0x35: {  	[sflag:s18] =	ssyncadd.s32 $0xFFFFC000  }
0x36: {  	[bflag:$0x0] =	sbarrier.arrive $0xFFFF  }
0x37: {  	s31 =	rddreg [dreg:$0x4]  }
0x38: {  	[tilespmem:s19], [sflag:$0x2] =	stream.linear.gather [hbm4b:s31+s25], $0x2800, $0x38;
	[tilespmem:$0x1B480] =	vst v63  }
0x39: {  	_ =	swait.ge [sflag:s18], $0x2800  }
0x3a: {  	[sflag:s18] =	ssyncset.done $0x0  }
0x3b: {  	s26 =	simm.s32 $0x51;
	s28 =	simm.s32 $0x0;
	[sflag:s18] =	ssyncadd.s32 $0xFFFFD800  }
.LBB2_4:
0x3c: {  	s0 =	sshll.u32 s28, $0xA  }
0x3d: {  	s0 =	sadd.s32 s14, s0  }
0x3e: {  	s0 =	sshrl.u32 s0, $0x3  }
0x3f: {  	s3 =	sadd.s32 s6, s0  }
0x40: {  	[tilespmem:s25], [sflag:$0x2] =	stream.linear.gather [hbm4b:s3+s25], $0x400, $0x38;
	[tilespmem:$0x1B480] =	vst v63  }
0x41: {  	_ =	swait.ge [sflag:s18], $0x400  }
0x42: {  	[sflag:s18] =	ssyncset.done $0x0  }
0x43: {  	s31 =	sadd.s32 s1, s0;
	[sflag:s18] =	ssyncadd.s32 $0xFFFFFC00  }
0x44: {  	[tilespmem:s20], [sflag:$0x2] =	stream.linear.gather [hbm4b:s31+s25], $0x400, $0x38;
	[tilespmem:$0x1B480] =	vst v63  }
0x45: {  	_ =	swait.ge [sflag:s18], $0x400  }
0x46: {  	[sflag:s18] =	ssyncset.done $0x0  }
0x47: {  	s0 =	sadd.s32 s7, s0;
	[sflag:s18] =	ssyncadd.s32 $0xFFFFFC00  }
0x48: {  	[tilespmem:s21], [sflag:$0x2] =	stream.linear.gather [hbm4b:s0+s25], $0x400, $0x38;
	[tilespmem:$0x1B480] =	vst v63  }
0x49: {  	_ =	swait.ge [sflag:s18], $0x400  }
0x4a: {  	[sflag:s18] =	ssyncset.done $0x0  }
0x4b: {  	s29 =	smin.u32 s26, $0x8;
	s30 =	simm.s32 $0x0;
	[sflag:s18] =	ssyncadd.s32 $0xFFFFFC00  }
.LBB2_5:
0x4c: {  	s31 =	sshll.u32 s30, $0x7  }
0x4d: {  	v1 =	vld [tilespmem:s31+$0x0];
	_ =	sdelay $0x1  }
0x4e: {  	v2 =	vld [tilespmem:s31+$0x400];
	_ =	sdelay $0x4  }
0x4f: {  	v3 =	vld [tilespmem:s31+$0x800]  }
0x50: {  	v1 =	vld.idx.msk [tilespmem:v1+s19+$0x0], $0xffff;
	_ =	sdelay $0x1  }
0x51: {  	v2 =	vld.idx.msk [tilespmem:v2+s19+$0x0], $0xffff;
	_ =	sdelay $0x2  }
0x52: {  	v1 =	vmul.f32 v3, v1;
	_ =	sdelay $0x1  }
0x53: {  	v1 =	vmul.f32 v1, v2;
	_ =	sdelay $0x1  }
0x54: {  	[tilespmem:$0x7400] =	vst v1  }
0x55: {  	v1 =	vld [tilespmem:s31+$0x10];
	_ =	sdelay $0x1  }
0x56: {  	v2 =	vld [tilespmem:s31+$0x410];
	_ =	sdelay $0x4  }
0x57: {  	v3 =	vld [tilespmem:s31+$0x810]  }
0x58: {  	v1 =	vld.idx.msk [tilespmem:v1+s19+$0x0], $0xffff;
	_ =	sdelay $0x1  }
0x59: {  	v2 =	vld.idx.msk [tilespmem:v2+s19+$0x0], $0xffff;
	_ =	sdelay $0x2  }
0x5a: {  	v1 =	vmul.f32 v3, v1;
	_ =	sdelay $0x1  }
0x5b: {  	v1 =	vmul.f32 v1, v2;
	_ =	sdelay $0x1  }
0x5c: {  	[tilespmem:$0x7410] =	vst v1  }
0x5d: {  	v1 =	vld [tilespmem:s31+$0x20];
	_ =	sdelay $0x1  }
0x5e: {  	v2 =	vld [tilespmem:s31+$0x420];
	_ =	sdelay $0x4  }
0x5f: {  	v3 =	vld [tilespmem:s31+$0x820]  }
0x60: {  	v1 =	vld.idx.msk [tilespmem:v1+s19+$0x0], $0xffff;
	_ =	sdelay $0x1  }
0x61: {  	v2 =	vld.idx.msk [tilespmem:v2+s19+$0x0], $0xffff;
	_ =	sdelay $0x2  }
0x62: {  	v1 =	vmul.f32 v3, v1;
	_ =	sdelay $0x1  }
0x63: {  	v1 =	vmul.f32 v1, v2;
	_ =	sdelay $0x1  }
0x64: {  	[tilespmem:$0x7420] =	vst v1  }
0x65: {  	v1 =	vld [tilespmem:s31+$0x30];
	_ =	sdelay $0x1  }
0x66: {  	v2 =	vld [tilespmem:s31+$0x430];
	_ =	sdelay $0x4  }
0x67: {  	v3 =	vld [tilespmem:s31+$0x830]  }
0x68: {  	v1 =	vld.idx.msk [tilespmem:v1+s19+$0x0], $0xffff;
	_ =	sdelay $0x1  }
0x69: {  	v2 =	vld.idx.msk [tilespmem:v2+s19+$0x0], $0xffff;
	_ =	sdelay $0x2  }
0x6a: {  	v1 =	vmul.f32 v3, v1;
	_ =	sdelay $0x1  }
0x6b: {  	v1 =	vmul.f32 v1, v2;
	_ =	sdelay $0x1  }
0x6c: {  	[tilespmem:$0x7430] =	vst v1  }
0x6d: {  	v1 =	vld [tilespmem:s31+$0x40];
	_ =	sdelay $0x1  }
0x6e: {  	v2 =	vld [tilespmem:s31+$0x440];
	_ =	sdelay $0x4  }
0x6f: {  	v3 =	vld [tilespmem:s31+$0x840]  }
0x70: {  	v1 =	vld.idx.msk [tilespmem:v1+s19+$0x0], $0xffff;
	_ =	sdelay $0x1  }
0x71: {  	v2 =	vld.idx.msk [tilespmem:v2+s19+$0x0], $0xffff;
	_ =	sdelay $0x2  }
0x72: {  	v1 =	vmul.f32 v3, v1;
	_ =	sdelay $0x1  }
0x73: {  	v1 =	vmul.f32 v1, v2;
	_ =	sdelay $0x1  }
0x74: {  	[tilespmem:$0x7440] =	vst v1  }
0x75: {  	v1 =	vld [tilespmem:s31+$0x50];
	_ =	sdelay $0x1  }
0x76: {  	v2 =	vld [tilespmem:s31+$0x450];
	_ =	sdelay $0x4  }
0x77: {  	v3 =	vld [tilespmem:s31+$0x850]  }
0x78: {  	v1 =	vld.idx.msk [tilespmem:v1+s19+$0x0], $0xffff;
	_ =	sdelay $0x1  }
0x79: {  	v2 =	vld.idx.msk [tilespmem:v2+s19+$0x0], $0xffff;
	_ =	sdelay $0x2  }
0x7a: {  	v1 =	vmul.f32 v3, v1;
	_ =	sdelay $0x1  }
0x7b: {  	v1 =	vmul.f32 v1, v2;
	_ =	sdelay $0x1  }
0x7c: {  	[tilespmem:$0x7450] =	vst v1  }
0x7d: {  	v1 =	vld [tilespmem:s31+$0x60];
	_ =	sdelay $0x1  }
0x7e: {  	v2 =	vld [tilespmem:s31+$0x460];
	_ =	sdelay $0x4  }
0x7f: {  	v3 =	vld [tilespmem:s31+$0x860]  }
0x80: {  	v1 =	vld.idx.msk [tilespmem:v1+s19+$0x0], $0xffff;
	_ =	sdelay $0x1  }
0x81: {  	v2 =	vld.idx.msk [tilespmem:v2+s19+$0x0], $0xffff;
	_ =	sdelay $0x2  }
0x82: {  	v1 =	vmul.f32 v3, v1;
	_ =	sdelay $0x1  }
0x83: {  	v1 =	vmul.f32 v1, v2;
	_ =	sdelay $0x1  }
0x84: {  	[tilespmem:$0x7460] =	vst v1  }
0x85: {  	v1 =	vld [tilespmem:s31+$0x70];
	_ =	sdelay $0x1  }
0x86: {  	v2 =	vld [tilespmem:s31+$0x470];
	_ =	sdelay $0x4  }
0x87: {  	v3 =	vld [tilespmem:s31+$0x870]  }
0x88: {  	v1 =	vld.idx.msk [tilespmem:v1+s19+$0x0], $0xffff;
	_ =	sdelay $0x1  }
0x89: {  	v2 =	vld.idx.msk [tilespmem:v2+s19+$0x0], $0xffff;
	_ =	sdelay $0x2  }
0x8a: {  	v1 =	vmul.f32 v3, v1;
	_ =	sdelay $0x1  }
0x8b: {  	v1 =	vmul.f32 v1, v2;
	_ =	sdelay $0x1  }
0x8c: {  	[tilespmem:$0x7470] =	vst v1  }
0x8d: {  	[tilespmem:s17], [sflag:$0x1] =	stream.indirect.gather [hbm4b:s5+s22], $0x80, s31, s22, $0xb8;
	[tilespmem:$0x1B480] =	vst v63  }
0x8e: {  	s0 =	simm.s32 $0x0;
	_ =	swait.ge [sflag:s23], $0x4000  }
0x8f: {  	v1 =	vmov s0;
	[sflag:s23] =	ssyncset.done $0x0  }
0x90: {  	s0 =	simm.s32 $0x3440;
	[sflag:s23] =	ssyncadd.s32 $0xFFFFC000  }
0x91: {  	v5 =	vld [tilespmem:s0+$0x30]  }
0x92: {  	v8 =	vld [tilespmem:s0+$0x10]  }
0x93: {  	v6 =	vld [tilespmem:s0+$0xFFFFFFC0]  }
0x94: {  	v2 =	vld.idx.msk [tilespmem:v1+s24+$0x0], $0xffff  }
0x95: {  	v10 =	vld [tilespmem:s0+$0xFFFFFFE0]  }
0x96: {  	v1 =	vld [tilespmem:s0+$0xFFFFFFF0]  }
0x97: {  	v3 =	vld [tilespmem:s0+$0x20]  }
0x98: {  	v4 =	vld [tilespmem:s0+$0xFFFFFFD0]  }
0x99: {  	v9 =	vmul.f32 v5, v2;
	v5 =	vld [tilespmem:s0+$0x0]  }
0x9a: {  	v7 =	vmul.f32 v6, v2  }
0x9b: {  	s3 =	simm.s32 $0x1;
	s8 =	simm.s32 $0x3440;
	s31 =	sadd.s32 $0x400, s31;
	v6 =	vmul.f32 v10, v2;
	v8 =	vmul.f32 v8, v2  }
.LBB2_6:
0x9c: {  	p0 =	sne.s32 s3, $0x7F  }
0x9d: {  	v4 =	vmul.f32 v4, v2;
	v3 =	vmul.f32 v3, v2;
	[tilespmem:s0+$0x30] =	vst v9;
	s8 =	sadd.s32 $0x80, s8;
	s10 =	smov.u32 s3;
	s3 =	sadd.s32 $0x1, s3  }
0x9e: {  	[tilespmem:s0+$0xFFFFFFC0] =	vst v7;
	v7 =	vmul.f32 v1, v2;
	v2 =	vmul.f32 v5, v2  }
0x9f: {  	[tilespmem:s0+$0x10] =	vst v8  }
0xa0: {  	v5 =	vmov s10;
	[tilespmem:s0+$0xFFFFFFE0] =	vst v6  }
0xa1: {  	v1 =	vld [tilespmem:s8+$0xFFFFFFF0];
	[tilespmem:s0+$0xFFFFFFF0] =	vst v7  }
0xa2: {  	v6 =	vld [tilespmem:s8+$0x30];
	[tilespmem:s0+$0x0] =	vst v2  }
0xa3: {  	v8 =	vld [tilespmem:s8+$0x10];
	[tilespmem:s0+$0x20] =	vst v3  }
0xa4: {  	v7 =	vld [tilespmem:s8+$0xFFFFFFC0];
	[tilespmem:s0+$0xFFFFFFD0] =	vst v4;
	s0 =	smov.u32 s8  }
0xa5: {  	v2 =	vld.idx.msk [tilespmem:v5+s24+$0x0], $0xffff  }
0xa6: {  	v10 =	vld [tilespmem:s8+$0xFFFFFFE0]  }
0xa7: {  	v3 =	vld [tilespmem:s8+$0x20]  }
.Ltmp1:
0xa8: {  	v4 =	vld [tilespmem:s8+$0xFFFFFFD0];
	(pc) =	sbr.rel @p0 .LBB2_6-.Ltmp1, $3  }
0xa9: {  	v5 =	vld [tilespmem:s8+$0x0];
	_ =	sdelay $0x1  }
0xaa: {  	v7 =	vmul.f32 v7, v2;
	v9 =	vmul.f32 v6, v2  }
0xab: {  	v8 =	vmul.f32 v8, v2;
	v6 =	vmul.f32 v10, v2  }
0xac: {  	[tilespmem:s0+$0x30] =	vst v9  }
0xad: {  	[tilespmem:s0+$0xFFFFFFC0] =	vst v7  }
0xae: {  	v1 =	vmul.f32 v1, v2;
	[tilespmem:s0+$0x10] =	vst v8  }
0xaf: {  	v3 =	vmul.f32 v3, v2;
	[tilespmem:s0+$0xFFFFFFE0] =	vst v6  }
0xb0: {  	v5 =	vmul.f32 v5, v2;
	[tilespmem:s0+$0xFFFFFFF0] =	vst v1  }
0xb1: {  	s30 =	sadd.s32 $0x1, s30;
	v1 =	vmul.f32 v4, v2;
	[tilespmem:s0+$0x20] =	vst v3  }
0xb2: {  	p0 =	sne.s32 s30, s29;
	[tilespmem:s0+$0x0] =	vst v5  }
.Ltmp2:
0xb3: {  	[tilespmem:s0+$0xFFFFFFD0] =	vst v1;
	(pc) =	sbr.rel @p0 .LBB2_5-.Ltmp2, $4  }
0xb4: {  	[spmem:s2] =	stream.indirect.scatter.add.f32 [tilespmem:s17], [sflag:$0x2], $0x80, s31, s22, $0xb8;
	[tilespmem:$0x1B480] =	vst v63  }
0xb5: {  	_ =	swait.ge [sflag:s18], $0x4000  }
0xb6: {  	[sflag:s18] =	ssyncset.done $0x0  }
0xb7: {  	[sflag:s18] =	ssyncadd.s32 $0xFFFFC000  }
0xb8: {  	s28 =	sadd.s32 $0x1, s28  }
0xb9: {  	p0 =	sne.s32 s28, $0xB  }
.Ltmp3:
0xba: {  	_ = 	snop;
	(pc) =	sbr.rel @p0 .LBB2_4-.Ltmp3, $2  }
0xbb: {  	_ =	sdelay $0x2  }
0xbc: {  	s26 =	sadd.s32 $0xFFFFFFF8, s26  }
0xbd: {  	s0 =	stileid.u32;
	s4 =	sadd.s32 $0x1, s4  }
0xbe: {  	[bflag:$0x0] =	sbarrier.arrive $0xFFFF;
	s0 =	sshll.u32 s0, $0x6;
	p0 =	sne.s32 s4, s16  }
.Ltmp4:
0xbf: {  	s3 =	sshrl.u32 s9, $0x3;
	s0 =	sor.u32 $0x1C02, s0;
	(pc) =	sbr.rel @p0 .LBB2_1-.Ltmp4, $4  }
0xc0: {  	[hbm:s15], [sflag:s0] =	dma.local [spmem:s3], $0x2800  }
0xc1: {  	_ =	swait.ge [sflag:s18], $0x2800  }
0xc2: {  	[sflag:s18] =	ssyncset.done $0x0  }
0xc3: {  	[sflag:s18] =	ssyncadd.s32 $0xFFFFD800  }
0xc4: {  	_ =	sfence.sel $0x180000  }
0xc5: {  	[bflag:$0x0] =	sbarrier.arrive $0xFFFF  }
0xc6: {  	_ =	strace $0x9000004D  }
0xc7: {  	s0 =	stileid.u32;
	[bflag:$0x2] =	sbarrier.arrive $0xFFFF  }
0xc8: {  	p0 =	sne.s32 s0, $0x0;
	s0 =	rddreg [dreg:$0x3]  }
0xc9: {  	s0 =	sadd.s32 @!p0 $0x100000, s0  }
0xca: {  	[sflag:s0] =	ssyncadd.tile.s32 @!p0 $0x1;
	_ =	shalt  }
.Lfunc_end2:
_tile_overlayer_lowered:
.L_overlay_start_2:
0xcb: {  	(tag) =	ssettag $0x2  }
0xcc: {  	s0 =	rddreg [dreg:$0x0];
	s2 =	stileid.u32  }
0xcd: {  	s1 =	rddreg [dreg:$0x1];
	p0 =	sne.s32 s2, $0x0  }
0xce: {  	s3 =	rddreg [dreg:$0x2];
	[bflag:$0x3] =	sbarrier.arrive $0xFFFF;
	s2 =	simm.s32 @!p0 $0x1C02  }
0xcf: {  	[timem:s3], [sflag:s2] =	dma.local @!p0 [hbm:s0], s1  }
0xd0: {  	s0 =	simm.s32 @!p0 $0x2  }
0xd1: {  	_ =	swait.ge @!p0 [sflag:s0], s1  }
0xd2: {  	s1 =	ssub.s32 @!p0 $0x0, s1;
	[sflag:s0] =	ssyncset.done @!p0 $0x0  }
0xd3: {  	[sflag:s0] =	ssyncadd.s32 @!p0 s1  }
0xd4: {  	[bflag:$0x3] =	sbarrier.arrive $0xFFFF  }
0xd5: {  	_ =	shalt  }

// kernel: kernel.9.cloned.1.call-start
scs
__scs_entry_jumppad:
0x0: {  	(pc) =	sbr.rel $0x88, $3  }
0x1: {  	(tag) =	ssettag $0x0;
	lr =	simm.s32 $0x1  }
0x2: {  	[smem:$0x3F9A] =	sst lr;
	_ =	strace $0xD0000000  }
0x3: {  	_ = 	snop  }
0x4: {  	_ = 	snop  }
0x5: {  	_ = 	snop  }
0x6: {  	_ = 	snop  }
0x7: {  	_ = 	snop  }
__scs_overlays_trampoline_lowered:
0x8: {  	[smem:$0x3FA9] =	sst s0  }
0x9: {  	[smem:$0x3FAA] =	sst s1  }
0xa: {  	[smem:$0x3FAB] =	sst s2  }
0xb: {  	[smem:$0x3FAC] =	sst s3  }
0xc: {  	[smem:$0x3FAD] =	sst s4  }
0xd: {  	[smem:$0x3FAE] =	sst s5  }
0xe: {  	[smem:$0x3FAF] =	sst s6  }
0xf: {  	[smem:$0x3FB0] =	sst s7  }
0x10: {  	[smem:$0x3FB1] =	sst s8  }
0x11: {  	[smem:$0x3FB2] =	sst s9;
	s0 =	simm.s32 @!p0 $0x0  }
0x12: {  	s1 =	sld [smem:$0x3F98];
	s0 =	simm.s32 @p0 $0x1  }
0x13: {  	[smem:$0x3FB3] =	sst s0;
	s0 =	simm.s32 @!p1 $0x0  }
0x14: {  	s2 =	sld [smem:$0x3F97];
	s0 =	simm.s32 @p1 $0x1  }
0x15: {  	[smem:$0x3FB4] =	sst s0;
	s0 =	simm.s32 @!p2 $0x0  }
0x16: {  	s3 =	sld [smem:$0x3FDB];
	s0 =	simm.s32 @p2 $0x1  }
0x17: {  	s4 =	simm.s32 $0x1BF5;
	[smem:$0x3FB6] =	sst s0  }
0x18: {  	s0 =	sld [smem:$0x3F99];
	_ =	swait.ge [sflag:s4], $0x0  }
0x19: {  	s7 =	sld [smem:$0x3F9A]  }
0x1a: {  	s8 =	sadd.s32 $0xFFFFE003, lr  }
0x1b: {  	s9 =	sadd.s32 $0xFFFFFEF7, lr;
	s5 =	simm.s32 $0xFFFFFFFF;
	p2 =	slt.u32 s8, $0xFFFFF086  }
0x1c: {  	p1 =	slt.u32 s9, $0xF7A;
	s5 =	simm.s32 @!p2 $0x0  }
0x1d: {  	s5 =	simm.s32 @p1 $0x1;
	p0 =	seq.s32 s7, s2  }
0x1e: {  	s7 =	smul.u32 @!p0 $0xF7A, s2;
	p2 =	seq.s32 @!p0 s5, $0x0  }
0x1f: {  	s9 =	smul.u32 $0xF7A, s1;
	s8 =	simm.s32 @!p0 $0x1BF5;
	p2 =	por !p2, p0  }
0x20: {  	[sflag:s8] =	ssyncset.s32 @!p0 $0xFFFFF086;
	s6 =	sadd.s32 @!p0 s3, s7;
	s7 =	simm.s32 @!p0 $0x108  }
0x21: {  	s3 =	sadd.s32 s3, s9;
	s6 =	sadd.s32 @!p0 $0x88, s6;
	s7 =	simm.s32 @p2 $0x1082  }
0x22: {  	[simem:s7], [sflag:s8] =	dma.local @!p0 [hbm:s6], $0xF7A  }
0x23: {  	s9 =	sor.u32 $0xD0000000, s2;
	s6 =	simm.s32 $0x108;
	_ =	swait.ge @!p0 [sflag:s8], $0x0  }
0x24: {  	s3 =	sadd.s32 $0x88, s3;
	s6 =	simm.s32 @!p1 $0x1082;
	[sflag:s4] =	ssyncset.s32 $0xFFFFF086  }
0x25: {  	[simem:s6], [sflag:s4] =	dma.local [hbm:s3], $0xF7A  }
0x26: {  	[smem:$0x3F9A] =	sst s1;
	(tag) =	ssettag s2;
	_ =	strace s9  }
0x27: {  	s1 =	sld [smem:$0x3FAA]  }
0x28: {  	s2 =	sld [smem:$0x3FAB]  }
0x29: {  	s4 =	sld [smem:$0x3FAD]  }
0x2a: {  	p0 =	seq.s32 s5, $0x0;
	s5 =	sld [smem:$0x3FAE]  }
0x2b: {  	s6 =	sld [smem:$0x3FAF]  }
0x2c: {  	s7 =	sld [smem:$0x3FB0]  }
0x2d: {  	s3 =	simm.s32 $0x108;
	s8 =	sld [smem:$0x3FB1]  }
0x2e: {  	s3 =	simm.s32 @!p0 $0x1082;
	s9 =	sld [smem:$0x3FB2]  }
0x2f: {  	lr =	sadd.s32 s0, s3;
	s0 =	sld [smem:$0x3FA9]  }
0x30: {  	s3 =	sld [smem:$0x3FAC]  }
0x31: {  	[smem:$0x3FB5] =	sst s10  }
0x32: {  	s10 =	sld [smem:$0x3FB3];
	_ =	sdelay $0x3  }
0x33: {  	p0 =	seq.s32 s10, $0x1;
	s10 =	sld [smem:$0x3FB5];
	_ =	sdelay $0x3  }
0x34: {  	[smem:$0x3FB5] =	sst s10  }
0x35: {  	s10 =	sld [smem:$0x3FB4];
	_ =	sdelay $0x3  }
0x36: {  	p1 =	seq.s32 s10, $0x1;
	s10 =	sld [smem:$0x3FB5];
	_ =	sdelay $0x3  }
0x37: {  	[smem:$0x3FB5] =	sst s10  }
0x38: {  	s10 =	sld [smem:$0x3FB6]  }
0x39: {  	_ = 	snop;
	(pc) =	sbr.ind lr, $3  }
0x3a: {  	_ = 	snop  }
0x3b: {  	_ = 	snop  }
0x3c: {  	p2 =	seq.s32 s10, $0x1;
	s10 =	sld [smem:$0x3FB5]  }
0x3d: {  	_ =	shalt  }
0x3e: {  	_ =	shalt  }
0x3f: {  	_ =	shalt  }
0x40: {  	_ =	shalt  }
0x41: {  	_ =	shalt  }
0x42: {  	_ =	shalt  }
0x43: {  	_ =	shalt  }
0x44: {  	_ =	shalt  }
0x45: {  	_ =	shalt  }
0x46: {  	_ =	shalt  }
0x47: {  	_ =	shalt  }
0x48: {  	_ =	shalt  }
0x49: {  	_ =	shalt  }
0x4a: {  	_ =	shalt  }
0x4b: {  	_ =	shalt  }
0x4c: {  	_ =	shalt  }
0x4d: {  	_ =	shalt  }
0x4e: {  	_ =	shalt  }
0x4f: {  	_ =	shalt  }
0x50: {  	_ =	shalt  }
0x51: {  	_ =	shalt  }
0x52: {  	_ =	shalt  }
0x53: {  	_ =	shalt  }
0x54: {  	_ =	shalt  }
0x55: {  	_ =	shalt  }
0x56: {  	_ =	shalt  }
0x57: {  	_ =	shalt  }
0x58: {  	_ =	shalt  }
0x59: {  	_ =	shalt  }
0x5a: {  	_ =	shalt  }
0x5b: {  	_ =	shalt  }
0x5c: {  	_ =	shalt  }
0x5d: {  	_ =	shalt  }
0x5e: {  	_ =	shalt  }
0x5f: {  	_ =	shalt  }
0x60: {  	_ =	shalt  }
0x61: {  	_ =	shalt  }
0x62: {  	_ =	shalt  }
0x63: {  	_ =	shalt  }
0x64: {  	_ =	shalt  }
0x65: {  	_ =	shalt  }
0x66: {  	_ =	shalt  }
0x67: {  	_ =	shalt  }
0x68: {  	_ =	shalt  }
0x69: {  	_ =	shalt  }
0x6a: {  	_ =	shalt  }
0x6b: {  	_ =	shalt  }
0x6c: {  	_ =	shalt  }
0x6d: {  	_ =	shalt  }
0x6e: {  	_ =	shalt  }
0x6f: {  	_ =	shalt  }
0x70: {  	_ =	shalt  }
0x71: {  	_ =	shalt  }
0x72: {  	_ =	shalt  }
0x73: {  	_ =	shalt  }
0x74: {  	_ =	shalt  }
0x75: {  	_ =	shalt  }
0x76: {  	_ =	shalt  }
0x77: {  	_ =	shalt  }
0x78: {  	_ =	shalt  }
0x79: {  	_ =	shalt  }
0x7a: {  	_ =	shalt  }
0x7b: {  	_ =	shalt  }
0x7c: {  	_ =	shalt  }
0x7d: {  	_ =	shalt  }
0x7e: {  	_ =	shalt  }
0x7f: {  	_ =	shalt  }
0x80: {  	_ =	shalt  }
0x81: {  	_ =	shalt  }
0x82: {  	_ =	shalt  }
0x83: {  	_ =	shalt  }
0x84: {  	_ =	shalt  }
0x85: {  	_ =	shalt  }
0x86: {  	_ =	shalt  }
0x87: {  	_ =	shalt  }
.Lfunc_end0:
.L_simem_size_0:
called_computation_lowered:
.L_overlay_start_0:
0x88: {  	s2 =	sld [smem:$0x3FD9]  }
0x89: {  	s3 =	sld [smem:$0x3FFE];
	_ =	sdelay $0x1  }
0x8a: {  	s1 =	srdreg.scid  }
0x8b: {  	s0 =	sand.u32 $0x1, s1  }
0x8c: {  	s17 =	sshll.u32 s0, $0xA;
	s2 =	sadd.s32 s3, s2  }
0x8d: {  	s2 =	sadd.s32 s2, s17  }
0x8e: {  	[smem:$0x3FC1] =	sst s2  }
0x8f: {  	_ = 	snop  }
0x90: {  	s2 =	sld [smem:$0x3FD0];
	(tm) =	ssettm $0x1  }
0x91: {  	s18 =	sld [smem:$0x3FFB];
	_ =	sdelay $0x3  }
0x92: {  	_ =	strace s18  }
0x93: {  	s3 =	sld [smem:$0x3FFC];
	_ =	sdelay $0x3  }
0x94: {  	_ =	strace s3  }
0x95: {  	s3 =	sld [smem:$0x3FFD];
	_ =	sdelay $0x3  }
0x96: {  	_ =	strace s3  }
0x97: {  	_ =	strace $0x8FFFFFFF  }
0x98: {  	s19 =	sld [smem:$0x3FDB];
	_ =	sdelay $0x1  }
0x99: {  	s4 =	simm.s32 $_scs_section_size  }
0x9a: {  	s5 =	simm.s32 $_size__tile_overlayer_lowered;
	s6 =	simm.s32 $_tile_overlayer_lowered  }
0x9b: {  	s22 =	simm.s32 $0x1BFF;
	s21 =	sshll.u32 s6, $0x1;
	s3 =	sadd.s32 s4, s19  }
0x9c: {  	s7 =	simm.s32 $0x0;
	s20 =	sshll.u32 s5, $0x1;
	s5 =	sadd.s32 s21, s3  }
0x9d: {  	[timem:s7], [sflag:s22] =	dma.local [hbm:s5], s20  }
0x9e: {  	_ =	swait.ge [sflag:s22], s20  }
0x9f: {  	s4 =	ssub.s32 $0x0, s20;
	[sflag:s22] =	ssyncset.done $0x0  }
0xa0: {  	[sflag:s22] =	ssyncadd.s32 s4;
	_ =	sdelay $0x1  }
0xa1: {  	s23 =	simm.s32 $0x1B8B  }
0xa2: {  	_ =	swait.ge [sflag:s23], $0x1  }
0xa3: {  	[sflag:s23] =	ssyncset.done $0x0  }
0xa4: {  	s25 =	simm.s32 $0x1B8E;
	s24 =	sld [smem:$0x3FFE];
	[sflag:s23] =	ssyncadd.s32 $0xFFFFFFFF  }
0xa5: {  	s26 =	simm.s32 $execute0_lowered;
	[smem:$0x3FD2] =	sst s25  }
0xa6: {  	s5 =	sshll.u32 s26, $0x1;
	_ =	strace $0x80000046;
	[dreg:$0x1] =	wrdreg $0xFFFFFFFF  }
0xa7: {  	s28 =	simm.s32 $_size_execute0_lowered;
	s3 =	sadd.s32 s3, s5;
	[dreg:$0x0] =	wrdreg $0x0  }
0xa8: {  	s5 =	sshll.u32 s28, $0x1;
	[dreg:$0x2] =	wrdreg s3  }
0xa9: {  	[dreg:$0x3] =	wrdreg s5  }
0xaa: {  	[dreg:$0x4] =	wrdreg $0xC0  }
0xab: {  	_ =	task [dreg:s7], $0x5FFFF  }
0xac: {  	[dreg:$0x1] =	wrdreg $0xFFFFFFFF  }
0xad: {  	[dreg:$0x0] =	wrdreg $0x60  }
0xae: {  	[dreg:$0x2] =	wrdreg s2  }
0xaf: {  	[dreg:$0x3] =	wrdreg s24  }
0xb0: {  	[dreg:$0x4] =	wrdreg $0x5A800  }
0xb1: {  	[dreg:$0x5] =	wrdreg $0x9  }
0xb2: {  	_ =	task.clear_ibuf [dreg:s7], $0x6FFFF;
	_ =	strace $0x90000046  }
0xb3: {  	s29 =	simm.s32 $0x9;
	_ =	strace $0x80000048  }
0xb4: {  	_ =	swait.ge [sflag:s29], $0x1  }
0xb5: {  	[sflag:s29] =	ssyncadd.s32 $0xFFFFFFFF  }
0xb6: {  	_ =	strace $0x90000048  }
0xb7: {  	_ =	sfence  }
0xb8: {  	s30 =	sld [smem:$0x0];
	_ =	sdelay $0x2  }
0xb9: {  	s31 =	sshll.u32 s1, $0xD;
	s1 =	sshrl.u32 s1, $0x2  }
0xba: {  	s3 =	sand.u32 $0x4000, s31;
	s1 =	sadd.s32 s1, s30  }
0xbb: {  	s0 =	sor.u32 s3, s0;
	s1 =	sshll.u32 s1, $0x11  }
0xbc: {  	s0 =	sor.u32 s1, s0  }
0xbd: {  	s0 =	sadd.s32 $0x8F2B, s0  }
0xbe: {  	[sflag:s0] =	ssyncadd.remote.s32 $0x1  }
0xbf: {  	_ =	sfence.sel $0xFFFF  }
0xc0: {  	[dreg:$0x0] =	wrdreg $0xFFFFFFFF;
	(pc) =	sbr.abs _section_cstart, $3  }
0xc1: {  	[dreg:$0x1] =	wrdreg $0xFFFFFFFF  }
0xc2: {  	_ =	task.clear_ibuf [dreg:s7], $0x2FFFF;
	_ =	strace $0x9FFFFFFF  }
0xc3: {  	(tm) =	ssettm $0x7FFFFFFF  }
tec
execute0_lowered:
.L_overlay_start_1:
0x0: {  	(tag) =	ssettag $0x1  }
0x1: {  	s5 =	rddreg [dreg:$0x0]  }
0x2: {  	s4 =	rddreg [dreg:$0x1]  }
0x3: {  	s1 =	rddreg [dreg:$0x2]  }
0x4: {  	s2 =	srdreg.scid;
	s0 =	rddreg [dreg:$0x3];
	s3 =	simm.s32 $0x0  }
0x5: {  	s12 =	simm.s32 $0x80;
	s15 =	simm.s32 $0x20;
	s16 =	simm.s32 $0x10  }
0x6: {  	s17 =	simm.s32 $0x0;
	s6 =	sand.u32 $0x1, s2;
	s2 =	stileid.u32  }
0x7: {  	[smem:$0x7FF] =	sst s3;
	s7 =	sshll.u32 s6, $0x4;
	s8 =	smul.u32 $0x500, s2  }
0x8: {  	_ =	strace $0x80000047;
	s9 =	sshll.u32 s6, $0x7;
	s6 =	ssub.s32 $0x2, s6  }
0x9: {  	s30 =	smul.u32 $0xA00, s2;
	s13 =	sshll.u32 s2, $0x6;
	s7 =	sor.u32 s2, s7  }
0xa: {  	s11 =	sshrl.u32 s6, $0x1;
	s13 =	sor.u32 $0x1C01, s13;
	s7 =	smul.u32 $0x580, s7  }
0xb: {  	s8 =	sor.u32 s9, s8;
	s11 =	ssub.s32 s6, s11;
	s31 =	sshrl.u32 s30, $0x2  }
0xc: {  	s9 =	simm.s32 $0x5800;
	s8 =	sshrl.u32 s8, $0x3;
	s10 =	sadd.s32 s7, s4  }
0xd: {  	s8 =	sadd.s32 s8, s4;
	s4 =	sadd.s32 s31, s1;
	s5 =	sadd.s32 s5, s7  }
0xe: {  	s6 =	sadd.s32 $0x1E00, s10;
	s7 =	sadd.s32 $0x17E00, s8;
	s8 =	smax.u32 s11, $0x1  }
0xf: {  	v0 =	vimm.f32 $0.0e+00;
	s10 =	simm.s32 $0x1;
	s11 =	simm.s32 $0x2C00;
	s14 =	sshrl.u32 s4, $0x3  }
.LBB2_1:
0x10: {  	[tilespmem:$0x5800] =	vst v0  }
0x11: {  	[tilespmem:$0x5810] =	vst v0  }
0x12: {  	[tilespmem:$0x5820] =	vst v0  }
0x13: {  	[tilespmem:$0x5830] =	vst v0  }
0x14: {  	[tilespmem:$0x5840] =	vst v0  }
0x15: {  	[tilespmem:$0x5850] =	vst v0  }
0x16: {  	[tilespmem:$0x5860] =	vst v0  }
0x17: {  	[tilespmem:$0x5870] =	vst v0  }
0x18: {  	[tilespmem:$0x5880] =	vst v0  }
0x19: {  	[tilespmem:$0x5890] =	vst v0  }
0x1a: {  	[tilespmem:$0x58A0] =	vst v0  }
0x1b: {  	[tilespmem:$0x58B0] =	vst v0  }
0x1c: {  	[tilespmem:$0x58C0] =	vst v0  }
0x1d: {  	[tilespmem:$0x58D0] =	vst v0  }
0x1e: {  	[tilespmem:$0x58E0] =	vst v0  }
0x1f: {  	[tilespmem:$0x58F0] =	vst v0  }
0x20: {  	[tilespmem:$0x5900] =	vst v0  }
0x21: {  	[tilespmem:$0x5910] =	vst v0  }
0x22: {  	[tilespmem:$0x5920] =	vst v0  }
0x23: {  	[tilespmem:$0x5930] =	vst v0  }
0x24: {  	[tilespmem:$0x5940] =	vst v0  }
0x25: {  	[tilespmem:$0x5950] =	vst v0  }
0x26: {  	[tilespmem:$0x5960] =	vst v0  }
0x27: {  	[tilespmem:$0x5970] =	vst v0  }
0x28: {  	[tilespmem:$0x5980] =	vst v0  }
0x29: {  	[tilespmem:$0x5990] =	vst v0  }
0x2a: {  	[tilespmem:$0x59A0] =	vst v0  }
0x2b: {  	[tilespmem:$0x59B0] =	vst v0  }
0x2c: {  	[tilespmem:$0x59C0] =	vst v0  }
0x2d: {  	[tilespmem:$0x59D0] =	vst v0  }
0x2e: {  	[tilespmem:$0x59E0] =	vst v0  }
0x2f: {  	[tilespmem:$0x59F0] =	vst v0  }
0x30: {  	[tilespmem:$0x5A00] =	vst v0  }
0x31: {  	[tilespmem:$0x5A10] =	vst v0  }
0x32: {  	[tilespmem:$0x5A20] =	vst v0  }
0x33: {  	[tilespmem:$0x5A30] =	vst v0  }
0x34: {  	[tilespmem:$0x5A40] =	vst v0  }
0x35: {  	[tilespmem:$0x5A50] =	vst v0  }
0x36: {  	[tilespmem:$0x5A60] =	vst v0  }
0x37: {  	[tilespmem:$0x5A70] =	vst v0  }
0x38: {  	[spmem:s4] =	stream.linear.scatter [tilespmem:s9], [sflag:$0x1], $0x280, $0x38;
	[tilespmem:$0x5D00] =	vst v63  }
0x39: {  	_ =	swait.ge [sflag:s10], $0x280  }
0x3a: {  	[sflag:s10] =	ssyncset.done $0x0  }
0x3b: {  	[sflag:s10] =	ssyncadd.s32 $0xFFFFFD80  }
0x3c: {  	[bflag:$0x0] =	sbarrier.arrive $0xFFFF  }
0x3d: {  	[tilespmem:s3], [sflag:$0x1] =	stream.linear.gather [hbm4b:s5+s3], $0x2C00, $0x38;
	[tilespmem:$0x5D00] =	vst v63  }
0x3e: {  	_ =	swait.ge [sflag:s10], $0x2C00  }
0x3f: {  	[sflag:s10] =	ssyncset.done $0x0  }
0x40: {  	[sflag:s10] =	ssyncadd.s32 $0xFFFFD400  }
0x41: {  	[tilespmem:s11], [sflag:$0x1] =	stream.linear.gather [hbm4b:s6+s3], $0x2C00, $0x38;
	[tilespmem:$0x5D00] =	vst v63  }
0x42: {  	_ =	swait.ge [sflag:s10], $0x2C00  }
0x43: {  	[sflag:s10] =	ssyncset.done $0x0  }
0x44: {  	s18 =	simm.s32 $0x0;
	s19 =	simm.s32 $0x2C00;
	[sflag:s10] =	ssyncadd.s32 $0xFFFFD400  }
0x45: {  	[spmem:s1] =	stream.indirect.scatter.add.f32 [tilespmem:s19], [sflag:$0x1], $0x1, s18, s12, $0xb8;
	[tilespmem:$0x5D00] =	vst v63  }
0x46: {  	s18 =	simm.s32 $0x200;
	_ =	swait.ge [sflag:s10], $0x80  }
.LBB2_2:
0x47: {  	s19 =	sshra.s32 s18, $0x2;
	[sflag:s10] =	ssyncset.done $0x0;
	p0 =	sne.s32 s18, $0xA000  }
.Ltmp0:
0x48: {  	s20 =	sadd.s32 $0x2C00, s19;
	[sflag:s10] =	ssyncadd.s32 $0xFFFFFF80;
	(pc) =	sbr.rel @p0 .LBB2_2-.Ltmp0, $3  }
0x49: {  	[spmem:s1] =	stream.indirect.scatter.add.f32 [tilespmem:s20], [sflag:$0x1], $0x1, s19, s12, $0xb8;
	[tilespmem:$0x5D00] =	vst v63  }
0x4a: {  	s18 =	sadd.s32 $0x200, s18;
	_ =	sdelay $0x1  }
0x4b: {  	_ =	swait.ge [sflag:s10], $0x80  }
0x4c: {  	[sflag:s10] =	ssyncset.done $0x0;
	s17 =	sadd.s32 $0x1, s17  }
0x4d: {  	[sflag:s10] =	ssyncadd.s32 $0xFFFFFF80;
	p0 =	sne.s32 s17, s8  }
.Ltmp1:
0x4e: {  	[bflag:$0x0] =	sbarrier.arrive $0xFFFF;
	(pc) =	sbr.rel @p0 .LBB2_1-.Ltmp1, $4  }
0x4f: {  	[hbm:s7@s15], [sflag:s13] =	dma.strided [spmem:s14@s16], $0x50, s10, $0x10   }
0x50: {  	_ =	swait.ge [sflag:s10], $0x50  }
0x51: {  	[sflag:s10] =	ssyncset.done $0x0  }
0x52: {  	[sflag:s10] =	ssyncadd.s32 $0xFFFFFFB0  }
0x53: {  	_ =	sfence.sel $0x180000  }
0x54: {  	[bflag:$0x0] =	sbarrier.arrive $0xFFFF  }
0x55: {  	p0 =	sne.s32 s2, $0x0;
	_ =	strace $0x90000047  }
0x56: {  	s0 =	sadd.s32 @!p0 $0x100000, s0;
	[bflag:$0x2] =	sbarrier.arrive $0xFFFF  }
0x57: {  	[sflag:s0] =	ssyncadd.tile.s32 @!p0 $0x1;
	_ =	shalt  }
.Lfunc_end2:
_tile_overlayer_lowered:
.L_overlay_start_2:
0x58: {  	(tag) =	ssettag $0x2  }
0x59: {  	s0 =	rddreg [dreg:$0x0];
	s2 =	stileid.u32  }
0x5a: {  	s1 =	rddreg [dreg:$0x1];
	p0 =	sne.s32 s2, $0x0  }
0x5b: {  	s3 =	rddreg [dreg:$0x2];
	[bflag:$0x3] =	sbarrier.arrive $0xFFFF;
	s2 =	simm.s32 @!p0 $0x1C01  }
0x5c: {  	[timem:s3], [sflag:s2] =	dma.local @!p0 [hbm:s0], s1  }
0x5d: {  	s0 =	simm.s32 @!p0 $0x1  }
0x5e: {  	_ =	swait.ge @!p0 [sflag:s0], s1  }
0x5f: {  	s1 =	ssub.s32 @!p0 $0x0, s1;
	[sflag:s0] =	ssyncset.done @!p0 $0x0  }
0x60: {  	[sflag:s0] =	ssyncadd.s32 @!p0 s1  }
0x61: {  	[bflag:$0x3] =	sbarrier.arrive $0xFFFF  }
0x62: {  	_ =	shalt  }

</sc_bundles>
